<compile_context>
chip_gen: v7x
topology: tpu7x:2x2x1
jax: 0.10.2.dev20260603
libtpu: 0.0.44.dev20260713+nightly
codegen_flags: <defaults>
</compile_context>

<pallas_src>
import jax
import jax.numpy as jnp
from jax import lax
from jax.experimental import pallas as pl
from jax.experimental.pallas import tpu as pltpu
from jax.experimental.pallas import tpu_sc as plsc

N_NODES = 10000
N_EDGES = 320000
D_FEAT = 128
D_HID = 128
N_CLASSES = 64

NC = 2
NS = 16
NW = NC * NS
EPW = N_EDGES // NW

N_PAD = 10112
RPT = N_PAD // NS

K = 40
CHUNKS = EPW // K
NBUF = 5
G = NBUF - 2

DEG_PAD = 10240
DRPT = DEG_PAD // NS
DK = 80
DCH = (N_EDGES // NS) // DK


def _sc_mesh():
    return plsc.VectorSubcoreMesh(core_axis_name="c", subcore_axis_name="s")


def _deg_body(col_hbm, zeros_hbm, out_hbm, cidx2, ones, dbuf, acc,
              isem, ssem):
    cid = lax.axis_index("c")
    sid = lax.axis_index("s")

    @pl.when(cid == 0)
    def _count():
        idx_cp = pltpu.async_copy(col_hbm.at[sid], cidx2, isem)
        pltpu.sync_copy(zeros_hbm, acc.at[pl.ds(sid * DRPT, DRPT)])
        for j in range(DK // 16):
            ones[pl.ds(j * 16, 16)] = jnp.ones((16,), jnp.float32)
        idx_cp.wait()
        plsc.subcore_barrier()

        LAG = 100

        def fire(i, carry):
            pltpu.async_copy(ones, acc.at[cidx2.at[i]], ssem, add=True)

            @pl.when(i >= LAG)
            def _():
                pltpu.make_async_copy(ones, acc.at[cidx2.at[i]],
                                      ssem).wait()

            return carry

        def drain(i, carry):
            pltpu.make_async_copy(ones, acc.at[cidx2.at[i]], ssem).wait()
            return carry

        lax.fori_loop(0, DCH, fire, 0)
        lax.fori_loop(0, LAG, drain, 0)
        plsc.subcore_barrier()

        pltpu.sync_copy(acc.at[pl.ds(sid * DRPT, DRPT)], dbuf)

        def rsqrt16(j, carry):
            d = dbuf[pl.ds(j * 16, 16)] + 1.0
            i0 = lax.bitcast_convert_type(d, jnp.int32)
            i1 = jnp.int32(0x5F3759DF) - lax.shift_right_logical(i0, 1)
            y = lax.bitcast_convert_type(i1, jnp.float32)
            for _ in range(3):
                y = y * (1.5 - 0.5 * d * y * y)
            dbuf[pl.ds(j * 16, 16)] = y
            return carry

        lax.fori_loop(0, DRPT // 16, rsqrt16, 0)
        pltpu.sync_copy(dbuf, out_hbm.at[pl.ds(sid * DRPT, DRPT)])


def _make_deg_kernel():
    return pl.kernel(
        _deg_body,
        out_type=jax.ShapeDtypeStruct((DEG_PAD,), jnp.float32),
        mesh=_sc_mesh(),
        scratch_types=[
            pltpu.VMEM((DCH, DK), jnp.int32),
            pltpu.VMEM((DK,), jnp.float32),
            pltpu.VMEM((DRPT,), jnp.float32),
            pltpu.VMEM_SHARED((DEG_PAD,), jnp.float32),
            pltpu.SemaphoreType.DMA,
            pltpu.SemaphoreType.DMA,
        ],
    )


def _make_prop_body(K, CHUNKS):
  def _prop_body(h_hbm, row_hbm, col_hbm, zeros_hbm, out_hbm,
                 ridx, cidx, rows0, rows1, rows2, rows3, rows4, zsem,
                 rsem0, rsem1, rsem2, rsem3, rsem4,
                 csem0, csem1, csem2, csem3, csem4,
                 gsem0, gsem1, gsem2, gsem3, gsem4,
                 ssem0, ssem1, ssem2, ssem3, ssem4, acc):
      cid = lax.axis_index("c")
      sid = lax.axis_index("s")
      wid = cid * NS + sid
      base = wid * CHUNKS
      rows = (rows0, rows1, rows2, rows3, rows4)
      rsem = (rsem0, rsem1, rsem2, rsem3, rsem4)
      csem = (csem0, csem1, csem2, csem3, csem4)
      gsem = (gsem0, gsem1, gsem2, gsem3, gsem4)
      ssem = (ssem0, ssem1, ssem2, ssem3, ssem4)

      def load_ridx(i, b):
          pltpu.async_copy(row_hbm.at[pl.ds((base + i) * K, K)], ridx.at[b],
                           rsem[b])

      def load_cidx(i, b):
          pltpu.async_copy(col_hbm.at[pl.ds((base + i) * K, K)], cidx.at[b],
                           csem[b])

      def gather(b):
          pltpu.async_copy(h_hbm.at[ridx.at[b]], rows[b], gsem[b])

      def scatter(b):
          pltpu.async_copy(rows[b], acc.at[cidx.at[b]], ssem[b], add=True)

      def wait_idx(sem_ring, ring, b):
          pltpu.make_async_copy(row_hbm.at[pl.ds(0, K)], ring.at[b],
                                sem_ring[b]).wait()

      def wait_gather(b):
          pltpu.make_async_copy(h_hbm.at[ridx.at[b]], rows[b], gsem[b]).wait()

      def wait_scatter(b):
          pltpu.make_async_copy(rows[b], acc.at[cidx.at[b]], ssem[b]).wait()

      zcp = pltpu.async_copy(zeros_hbm, acc.at[pl.ds(sid * RPT, RPT)], zsem)
      for b in range(NBUF):
          load_ridx(b, b)
      for b in range(G):
          load_cidx(b, b)
      for b in range(G):
          wait_idx(rsem, ridx, b)
          gather(b)
      zcp.wait()
      plsc.subcore_barrier()

      def outer(g, carry):
          for b in range(NBUF):
              i = g * NBUF + b
              bg = (b + G) % NBUF
              wait_gather(b)
              wait_idx(csem, cidx, b)
              scatter(b)

              @pl.when(i + NBUF < CHUNKS)
              def _reload_ridx():
                  load_ridx(i + NBUF, b)

              @pl.when(i >= NBUF - G)
              def _drain_scatter():
                  wait_scatter(bg)

              @pl.when(i + G < CHUNKS)
              def _next_gather():
                  load_cidx(i + G, bg)
                  wait_idx(rsem, ridx, bg)
                  gather(bg)

          return carry

      lax.fori_loop(0, CHUNKS // NBUF, outer, 0)
      wait_scatter((CHUNKS - 2) % NBUF)
      wait_scatter((CHUNKS - 1) % NBUF)
      plsc.subcore_barrier()
      pltpu.sync_copy(acc.at[pl.ds(sid * RPT, RPT)],
                      out_hbm.at[cid, pl.ds(sid * RPT, RPT)])
  return _prop_body


def _make_prop_kernel(d, k):
    chunks = EPW // k
    assert chunks % NBUF == 0
    return pl.kernel(
        _make_prop_body(k, chunks),
        out_type=jax.ShapeDtypeStruct((NC, N_PAD, d), jnp.float32),
        mesh=_sc_mesh(),
        compiler_params=pltpu.CompilerParams(use_tc_tiling_on_sc=False)
        if d != 128 else None,
        scratch_types=[
            pltpu.VMEM((NBUF, k), jnp.int32),
            pltpu.VMEM((NBUF, k), jnp.int32),
        ] + [pltpu.VMEM((k, d), jnp.float32)] * NBUF
          + [pltpu.SemaphoreType.DMA] * (1 + 4 * NBUF)
          + [pltpu.VMEM_SHARED((N_PAD, d), jnp.float32)],
    )


def _mm1_body(x_ref, d_ref, w_ref, o_ref):
    xs = x_ref[...] * d_ref[...]
    o_ref[...] = jnp.dot(xs, w_ref[...], preferred_element_type=jnp.float32)


def _epi1_body(p_ref, h_ref, d_ref, b_ref, w_ref, o_ref):
    s = p_ref[0] + p_ref[1] + h_ref[...]
    d = d_ref[...]
    h1 = jnp.maximum(d * s + b_ref[...], 0.0)
    o_ref[...] = jnp.dot(d * h1, w_ref[...],
                         preferred_element_type=jnp.float32)


def _epi2_body(p_ref, h_ref, d_ref, b_ref, o_ref):
    s = p_ref[0] + p_ref[1] + h_ref[...]
    z = d_ref[...] * s + b_ref[...]
    m = jnp.max(z, axis=1, keepdims=True)
    e = jnp.exp(z - m)
    lse = jnp.log(jnp.sum(e, axis=1, keepdims=True))
    o_ref[...] = z - m - lse


_R = RPT
_G = N_PAD // _R


def _row_specs(d):
    return pl.BlockSpec((_R, d), lambda i: (i, 0))


def _tc_mm1(x, dis1, w):
    return pl.pallas_call(
        _mm1_body,
        grid=(_G,),
        in_specs=[_row_specs(D_FEAT), pl.BlockSpec((_R, 1), lambda i: (i, 0)),
                  pl.BlockSpec((D_FEAT, D_HID), lambda i: (0, 0))],
        out_specs=_row_specs(D_HID),
        out_shape=jax.ShapeDtypeStruct((N_PAD, D_HID), jnp.float32),
    )(x, dis1, w)


def _tc_epi1(parts, h, dis1, b, w):
    return pl.pallas_call(
        _epi1_body,
        grid=(_G,),
        in_specs=[pl.BlockSpec((NC, _R, D_HID), lambda i: (0, i, 0)),
                  _row_specs(D_HID),
                  pl.BlockSpec((_R, 1), lambda i: (i, 0)),
                  pl.BlockSpec((1, D_HID), lambda i: (0, 0)),
                  pl.BlockSpec((D_HID, N_CLASSES), lambda i: (0, 0))],
        out_specs=_row_specs(N_CLASSES),
        out_shape=jax.ShapeDtypeStruct((N_PAD, N_CLASSES), jnp.float32),
    )(parts, h, dis1, b, w)


def _tc_epi2(parts, h, dis1, b):
    return pl.pallas_call(
        _epi2_body,
        grid=(_G,),
        in_specs=[pl.BlockSpec((NC, _R, N_CLASSES), lambda i: (0, i, 0)),
                  _row_specs(N_CLASSES),
                  pl.BlockSpec((_R, 1), lambda i: (i, 0)),
                  pl.BlockSpec((1, N_CLASSES), lambda i: (0, 0))],
        out_specs=_row_specs(N_CLASSES),
        out_shape=jax.ShapeDtypeStruct((N_PAD, N_CLASSES), jnp.float32),
    )(parts, h, dis1, b)


def kernel(x, edge_index, W1, b1, W2, b2):
    assert x.shape == (N_NODES, D_FEAT)
    assert edge_index.shape == (2, N_EDGES)

    row1d = edge_index[0]
    col1d = edge_index[1]
    col2d_deg = edge_index[1].reshape(NS, DCH, DK)
    x_pad = jnp.pad(x, ((0, N_PAD - N_NODES), (0, 0)))
    zeros1 = jnp.zeros((DRPT,), jnp.float32)
    zeros128 = jnp.zeros((RPT, D_HID), jnp.float32)
    zeros64 = jnp.zeros((RPT, N_CLASSES), jnp.float32)

    dis_full = _make_deg_kernel()(col2d_deg, zeros1)
    dis1 = dis_full.reshape(DEG_PAD, 1)[:N_PAD]

    h1p = _tc_mm1(x_pad, dis1, W1)
    parts1 = _make_prop_kernel(D_HID, 40)(h1p, row1d, col1d, zeros128)
    h2p = _tc_epi1(parts1, h1p, dis1, b1.reshape(1, D_HID), W2)
    parts2 = _make_prop_kernel(N_CLASSES, 80)(h2p, row1d, col1d, zeros64)
    out = _tc_epi2(parts2, h2p, dis1, b2.reshape(1, N_CLASSES))
    return out[:N_NODES]

# --- scband reference (transcript-rebuilt; emitter-appended) ---
"""Pipeline reference for scband-net-16801912062046 (READ-ONLY COPY).

The authoritative reference and input builder live on the scoring server;
editing this copy changes nothing except your own understanding.
"""

import jax, jax.numpy as jnp
import numpy as np

N_NODES = 10000
N_EDGES = 320000
D_FEAT = 128
D_HID = 128
N_CLASSES = 64


def setup_inputs(seed: int = 0) -> dict:
    key = jax.random.key(seed)
    k1, k2, k3, k4 = jax.random.split(key, 4)
    x = jax.random.normal(k1, (N_NODES, D_FEAT), dtype=jnp.float32)
    edge_index = jax.random.randint(k2, (2, N_EDGES), 0, N_NODES, dtype=jnp.int32)
    # glorot init for weights, zeros for bias (matches Myconv.reset_parameters)
    lim1 = float(np.sqrt(6.0 / (D_FEAT + D_HID)))
    W1 = jax.random.uniform(k3, (D_FEAT, D_HID), dtype=jnp.float32, minval=-lim1, maxval=lim1)
    b1 = jnp.zeros((D_HID,), dtype=jnp.float32)
    lim2 = float(np.sqrt(6.0 / (D_HID + N_CLASSES)))
    W2 = jax.random.uniform(k4, (D_HID, N_CLASSES), dtype=jnp.float32, minval=-lim2, maxval=lim2)
    b2 = jnp.zeros((N_CLASSES,), dtype=jnp.float32)
    return {"x": x, "edge_index": edge_index, "W1": W1, "b1": b1, "W2": W2, "b2": b2}


def _gcn_norm(edge_index, num_nodes):
    # add self loops with fill_value=1.0, then symmetric normalization
    row, col = edge_index[0], edge_index[1]
    loop = jnp.arange(num_nodes, dtype=edge_index.dtype)
    row = jnp.concatenate([row, loop])
    col = jnp.concatenate([col, loop])
    edge_weight = jnp.ones((row.shape[0],), dtype=jnp.float32)
    deg = jax.ops.segment_sum(edge_weight, col, num_segments=num_nodes)
    deg_inv_sqrt = jnp.where(deg > 0, deg ** -0.5, 0.0)
    norm = deg_inv_sqrt[row] * edge_weight * deg_inv_sqrt[col]
    return row, col, norm


def _gcn_conv(x, W, b, row, col, norm, num_nodes):
    x = x @ W
    msg = norm[:, None] * jnp.take(x, row, axis=0)  # gather x_j (source nodes)
    out = jax.ops.segment_sum(msg, col, num_segments=num_nodes)  # scatter-add at dst
    return out + b


def reference(x, edge_index, W1, b1, W2, b2):
    num_nodes = x.shape[0]
    row, col, norm = _gcn_norm(edge_index, num_nodes)
    h = _gcn_conv(x, W1, b1, row, col, norm, num_nodes)
    h = jax.nn.relu(h)
    # dropout is identity in eval / deterministic reference
    out = _gcn_conv(h, W2, b2, row, col, norm, num_nodes)
    return jax.nn.log_softmax(out, axis=1)

if __name__ == "__main__":
    import jax
    _d = setup_inputs()
    print(jax.jit(kernel)(*tuple(_d.values())))

</pallas_src>

<mosaic_0001>
#map = affine_map<(d0, d1) -> (0, 0, 0)>
#map1 = affine_map<(d0, d1) -> (0)>
module attributes {stable_mosaic.version = 14 : i64} {
  func.func @_deg_body(%arg0: i32, %arg1: i32, %arg2: memref<16x250x80xi32, #tpu.memory_space<hbm>>, %arg3: memref<640xf32, #tpu.memory_space<hbm>>, %arg4: memref<10240xf32, #tpu.memory_space<hbm>>, %arg5: memref<250x80xi32, #tpu.memory_space<vmem>>, %arg6: memref<80xf32, #tpu.memory_space<vmem>>, %arg7: memref<640xf32, #tpu.memory_space<vmem>>, %arg8: memref<10240xf32, #tpu.memory_space<vmem_shared>>, %arg9: memref<!tpu.dma_semaphore, #tpu.memory_space<semaphore_mem>>, %arg10: memref<!tpu.dma_semaphore, #tpu.memory_space<semaphore_mem>>) attributes {dimension_semantics = [#tpu.dimension_semantics<core_parallel>, #tpu.dimension_semantics<subcore_parallel>], iteration_bounds = array<i64: 2, 16>, scalar_prefetch = 0 : i64, scratch_operands = 6 : i64, tpu.core_type = #tpu.core_type<sc_vector_subcore>, window_params = [{transform_indices = #map}, {transform_indices = #map1}, {transform_indices = #map1}]} {
    %eq3A = arith.constant 0 : i32
    %eq3A_0 = arith.cmpi eq, %arg0, %eq3A : i32
    %convert_element_type3A = arith.extui %eq3A_0 : i1 to i32
    %cond3A = arith.constant 0 : i32
    %cond3A_1 = arith.cmpi ne, %convert_element_type3A, %cond3A : i32
    scf.if %cond3A_1 {
      %dma_start3A = arith.constant 0 : i32
      %dma_start3A_2 = arith.constant 0 : i32
      %dma_start3A_3 = tpu.memref_slice %arg2[%arg1, %dma_start3A, %dma_start3A_2] : memref<16x250x80xi32, #tpu.memory_space<hbm>> -> memref<1x250x80xi32, #tpu.memory_space<hbm>>
      %dma_start3A_4 = tpu.memref_squeeze %dma_start3A_3 : memref<1x250x80xi32, #tpu.memory_space<hbm>> -> memref<250x80xi32, #tpu.memory_space<hbm>>
      %dma_start3A_5 = arith.constant 0 : i32
      %dma_start3A_6 = arith.constant 0 : i32
      %dma_start3A_7 = tpu.memref_slice %arg2[%arg1, %dma_start3A_5, %dma_start3A_6] : memref<16x250x80xi32, #tpu.memory_space<hbm>> -> memref<1x250x80xi32, #tpu.memory_space<hbm>>
      %dma_start3A_8 = tpu.memref_squeeze %dma_start3A_7 : memref<1x250x80xi32, #tpu.memory_space<hbm>> -> memref<250x80xi32, #tpu.memory_space<hbm>>
      tpu.enqueue_dma source(%dma_start3A_8 : memref<250x80xi32, #tpu.memory_space<hbm>>) target(%arg5 : memref<250x80xi32, #tpu.memory_space<vmem>>) target_semaphore(%arg9 : memref<!tpu.dma_semaphore, #tpu.memory_space<semaphore_mem>>)
      %mul3A = arith.constant 640 : i32
      %mul3A_9 = arith.muli %arg1, %mul3A : i32
      "tpu.region"() ({
        %run_scoped3A = tpu.sem_alloc : memref<!tpu.dma_semaphore, #tpu.memory_space<semaphore_mem>>
        %dma_start3A_67 = tpu.memref_slice %arg8[%mul3A_9] : memref<10240xf32, #tpu.memory_space<vmem_shared>> -> memref<640xf32, #tpu.memory_space<vmem_shared>>
        tpu.enqueue_dma source(%arg3 : memref<640xf32, #tpu.memory_space<hbm>>) target(%dma_start3A_67 : memref<640xf32, #tpu.memory_space<vmem_shared>>) target_semaphore(%run_scoped3A : memref<!tpu.dma_semaphore, #tpu.memory_space<semaphore_mem>>)
        %dma_wait3A_68 = tpu.memref_slice %arg8[%mul3A_9] : memref<10240xf32, #tpu.memory_space<vmem_shared>> -> memref<640xf32, #tpu.memory_space<vmem_shared>>
        tpu.wait_dma2 semaphore(%run_scoped3A : memref<!tpu.dma_semaphore, #tpu.memory_space<semaphore_mem>>) src(%arg3 : memref<640xf32, #tpu.memory_space<hbm>>) dst(%dma_wait3A_68 : memref<640xf32, #tpu.memory_space<vmem_shared>>)
        tpu.yield
      }) : () -> ()
      %broadcast_in_dim3A = arith.constant 1.000000e+00 : f32
      %broadcast_in_dim3A_10 = vector.broadcast %broadcast_in_dim3A : f32 to vector<16xf32>
      %swap3A = arith.constant 0 : index
      %swap3A_11 = tpu.vector_load %arg6[%swap3A] {strides = array<i32>} : memref<80xf32, #tpu.memory_space<vmem>>, vector<16xf32>,
      %swap3A_12 = vector.shape_cast %swap3A_11 : vector<16xf32> to vector<16xf32>
      %swap3A_13 = vector.shape_cast %broadcast_in_dim3A_10 : vector<16xf32> to vector<16xf32>
      tpu.vector_store %arg6[%swap3A], %swap3A_13 {strides = array<i32>} : memref<80xf32, #tpu.memory_space<vmem>>, vector<16xf32>,
      %broadcast_in_dim3A_14 = arith.constant 1.000000e+00 : f32
      %broadcast_in_dim3A_15 = vector.broadcast %broadcast_in_dim3A_14 : f32 to vector<16xf32>
      %swap3A_16 = arith.constant 16 : index
      %swap3A_17 = tpu.vector_load %arg6[%swap3A_16] {strides = array<i32>} : memref<80xf32, #tpu.memory_space<vmem>>, vector<16xf32>,
      %swap3A_18 = vector.shape_cast %swap3A_17 : vector<16xf32> to vector<16xf32>
      %swap3A_19 = vector.shape_cast %broadcast_in_dim3A_15 : vector<16xf32> to vector<16xf32>
      tpu.vector_store %arg6[%swap3A_16], %swap3A_19 {strides = array<i32>} : memref<80xf32, #tpu.memory_space<vmem>>, vector<16xf32>,
      %broadcast_in_dim3A_20 = arith.constant 1.000000e+00 : f32
      %broadcast_in_dim3A_21 = vector.broadcast %broadcast_in_dim3A_20 : f32 to vector<16xf32>
      %swap3A_22 = arith.constant 32 : index
      %swap3A_23 = tpu.vector_load %arg6[%swap3A_22] {strides = array<i32>} : memref<80xf32, #tpu.memory_space<vmem>>, vector<16xf32>,
      %swap3A_24 = vector.shape_cast %swap3A_23 : vector<16xf32> to vector<16xf32>
      %swap3A_25 = vector.shape_cast %broadcast_in_dim3A_21 : vector<16xf32> to vector<16xf32>
      tpu.vector_store %arg6[%swap3A_22], %swap3A_25 {strides = array<i32>} : memref<80xf32, #tpu.memory_space<vmem>>, vector<16xf32>,
      %broadcast_in_dim3A_26 = arith.constant 1.000000e+00 : f32
      %broadcast_in_dim3A_27 = vector.broadcast %broadcast_in_dim3A_26 : f32 to vector<16xf32>
      %swap3A_28 = arith.constant 48 : index
      %swap3A_29 = tpu.vector_load %arg6[%swap3A_28] {strides = array<i32>} : memref<80xf32, #tpu.memory_space<vmem>>, vector<16xf32>,
      %swap3A_30 = vector.shape_cast %swap3A_29 : vector<16xf32> to vector<16xf32>
      %swap3A_31 = vector.shape_cast %broadcast_in_dim3A_27 : vector<16xf32> to vector<16xf32>
      tpu.vector_store %arg6[%swap3A_28], %swap3A_31 {strides = array<i32>} : memref<80xf32, #tpu.memory_space<vmem>>, vector<16xf32>,
      %broadcast_in_dim3A_32 = arith.constant 1.000000e+00 : f32
      %broadcast_in_dim3A_33 = vector.broadcast %broadcast_in_dim3A_32 : f32 to vector<16xf32>
      %swap3A_34 = arith.constant 64 : index
      %swap3A_35 = tpu.vector_load %arg6[%swap3A_34] {strides = array<i32>} : memref<80xf32, #tpu.memory_space<vmem>>, vector<16xf32>,
      %swap3A_36 = vector.shape_cast %swap3A_35 : vector<16xf32> to vector<16xf32>
      %swap3A_37 = vector.shape_cast %broadcast_in_dim3A_33 : vector<16xf32> to vector<16xf32>
      tpu.vector_store %arg6[%swap3A_34], %swap3A_37 {strides = array<i32>} : memref<80xf32, #tpu.memory_space<vmem>>, vector<16xf32>,
      %dma_wait3A = arith.constant 0 : i32
      %dma_wait3A_38 = arith.constant 0 : i32
      %dma_wait3A_39 = tpu.memref_slice %arg2[%arg1, %dma_wait3A, %dma_wait3A_38] : memref<16x250x80xi32, #tpu.memory_space<hbm>> -> memref<1x250x80xi32, #tpu.memory_space<hbm>>
      %dma_wait3A_40 = tpu.memref_squeeze %dma_wait3A_39 : memref<1x250x80xi32, #tpu.memory_space<hbm>> -> memref<250x80xi32, #tpu.memory_space<hbm>>
      %dma_wait3A_41 = arith.constant 0 : i32
      %dma_wait3A_42 = arith.constant 0 : i32
      %dma_wait3A_43 = tpu.memref_slice %arg2[%arg1, %dma_wait3A_41, %dma_wait3A_42] : memref<16x250x80xi32, #tpu.memory_space<hbm>> -> memref<1x250x80xi32, #tpu.memory_space<hbm>>
      %dma_wait3A_44 = tpu.memref_squeeze %dma_wait3A_43 : memref<1x250x80xi32, #tpu.memory_space<hbm>> -> memref<250x80xi32, #tpu.memory_space<hbm>>
      tpu.wait_dma2 semaphore(%arg9 : memref<!tpu.dma_semaphore, #tpu.memory_space<semaphore_mem>>) src(%dma_wait3A_44 : memref<250x80xi32, #tpu.memory_space<hbm>>) dst(%arg5 : memref<250x80xi32, #tpu.memory_space<vmem>>)
      %barrier3A = arith.constant 0 : index
      tpu.barrier barrier_id(%barrier3A)
      %scan3A = arith.constant 0 : i32
      %scan3A_45 = arith.constant 0 : i32
      %scan3A_46 = arith.constant 250 : i32
      %scan3A_47 = arith.addi %scan3A_45, %scan3A_46 : i32
      %scan3A_48 = arith.constant 1 : i32
      scf.for %scan3A_67 = %scan3A_45 to %scan3A_47 step %scan3A_48  : i32 {
        %dma_start3A_68 = arith.constant 0 : i32
        %dma_start3A_69 = tpu.memref_slice %arg5[%scan3A_67, %dma_start3A_68] : memref<250x80xi32, #tpu.memory_space<vmem>> -> memref<1x80xi32, #tpu.memory_space<vmem>>
        %dma_start3A_70 = tpu.memref_squeeze %dma_start3A_69 : memref<1x80xi32, #tpu.memory_space<vmem>> -> memref<80xi32, #tpu.memory_space<vmem>>
        %dma_start3A_71 = arith.constant 0 : i32
        %dma_start3A_72 = tpu.memref_slice %arg8[%dma_start3A_71] : memref<10240xf32, #tpu.memory_space<vmem_shared>> -> memref<10240xf32, #tpu.memory_space<vmem_shared>>
        tpu.enqueue_indirect_dma source(%arg6 : memref<80xf32, #tpu.memory_space<vmem>>) target(%dma_start3A_72 : memref<10240xf32, #tpu.memory_space<vmem_shared>>) offsets(%dma_start3A_70 : memref<80xi32, #tpu.memory_space<vmem>>) semaphore(%arg10 : memref<!tpu.dma_semaphore, #tpu.memory_space<semaphore_mem>>) {add = true}
        %ge3A = arith.constant 100 : i32
        %ge3A_73 = arith.cmpi sge, %scan3A_67, %ge3A : i32
        %convert_element_type3A_74 = arith.extui %ge3A_73 : i1 to i32
        %cond3A_75 = arith.constant 0 : i32
        %cond3A_76 = arith.cmpi ne, %convert_element_type3A_74, %cond3A_75 : i32
        scf.if %cond3A_76 {
          %dma_wait3A_77 = arith.constant 0 : i32
          %dma_wait3A_78 = tpu.memref_slice %arg5[%scan3A_67, %dma_wait3A_77] : memref<250x80xi32, #tpu.memory_space<vmem>> -> memref<1x80xi32, #tpu.memory_space<vmem>>
          %dma_wait3A_79 = tpu.memref_squeeze %dma_wait3A_78 : memref<1x80xi32, #tpu.memory_space<vmem>> -> memref<80xi32, #tpu.memory_space<vmem>>
          %dma_wait3A_80 = arith.constant 0 : i32
          %dma_wait3A_81 = tpu.memref_slice %arg8[%dma_wait3A_80] : memref<10240xf32, #tpu.memory_space<vmem_shared>> -> memref<10240xf32, #tpu.memory_space<vmem_shared>>
          tpu.wait_indirect_dma semaphore(%arg10 : memref<!tpu.dma_semaphore, #tpu.memory_space<semaphore_mem>>) src(%arg6 : memref<80xf32, #tpu.memory_space<vmem>>) dst(%dma_wait3A_81 : memref<10240xf32, #tpu.memory_space<vmem_shared>>)
        } else {
        }
      }
      %scan3A_49 = arith.constant 250 : i32
      %scan3A_50 = arith.constant 0 : i32
      %scan3A_51 = arith.constant 0 : i32
      %scan3A_52 = arith.constant 100 : i32
      %scan3A_53 = arith.addi %scan3A_51, %scan3A_52 : i32
      %scan3A_54 = arith.constant 1 : i32
      scf.for %scan3A_67 = %scan3A_51 to %scan3A_53 step %scan3A_54  : i32 {
        %dma_wait3A_68 = arith.constant 0 : i32
        %dma_wait3A_69 = tpu.memref_slice %arg5[%scan3A_67, %dma_wait3A_68] : memref<250x80xi32, #tpu.memory_space<vmem>> -> memref<1x80xi32, #tpu.memory_space<vmem>>
        %dma_wait3A_70 = tpu.memref_squeeze %dma_wait3A_69 : memref<1x80xi32, #tpu.memory_space<vmem>> -> memref<80xi32, #tpu.memory_space<vmem>>
        %dma_wait3A_71 = arith.constant 0 : i32
        %dma_wait3A_72 = tpu.memref_slice %arg8[%dma_wait3A_71] : memref<10240xf32, #tpu.memory_space<vmem_shared>> -> memref<10240xf32, #tpu.memory_space<vmem_shared>>
        tpu.wait_indirect_dma semaphore(%arg10 : memref<!tpu.dma_semaphore, #tpu.memory_space<semaphore_mem>>) src(%arg6 : memref<80xf32, #tpu.memory_space<vmem>>) dst(%dma_wait3A_72 : memref<10240xf32, #tpu.memory_space<vmem_shared>>)
      }
      %scan3A_55 = arith.constant 100 : i32
      %barrier3A_56 = arith.constant 0 : index
      tpu.barrier barrier_id(%barrier3A_56)
      %mul3A_57 = arith.constant 640 : i32
      %mul3A_58 = arith.muli %arg1, %mul3A_57 : i32
      "tpu.region"() ({
        %run_scoped3A = tpu.sem_alloc : memref<!tpu.dma_semaphore, #tpu.memory_space<semaphore_mem>>
        %dma_start3A_67 = tpu.memref_slice %arg8[%mul3A_58] : memref<10240xf32, #tpu.memory_space<vmem_shared>> -> memref<640xf32, #tpu.memory_space<vmem_shared>>
        %dma_start3A_68 = tpu.memref_slice %arg8[%mul3A_58] : memref<10240xf32, #tpu.memory_space<vmem_shared>> -> memref<640xf32, #tpu.memory_space<vmem_shared>>
        tpu.enqueue_dma source(%dma_start3A_68 : memref<640xf32, #tpu.memory_space<vmem_shared>>) target(%arg7 : memref<640xf32, #tpu.memory_space<vmem>>) target_semaphore(%run_scoped3A : memref<!tpu.dma_semaphore, #tpu.memory_space<semaphore_mem>>)
        %dma_wait3A_69 = tpu.memref_slice %arg8[%mul3A_58] : memref<10240xf32, #tpu.memory_space<vmem_shared>> -> memref<640xf32, #tpu.memory_space<vmem_shared>>
        %dma_wait3A_70 = tpu.memref_slice %arg8[%mul3A_58] : memref<10240xf32, #tpu.memory_space<vmem_shared>> -> memref<640xf32, #tpu.memory_space<vmem_shared>>
        tpu.wait_dma2 semaphore(%run_scoped3A : memref<!tpu.dma_semaphore, #tpu.memory_space<semaphore_mem>>) src(%dma_wait3A_70 : memref<640xf32, #tpu.memory_space<vmem_shared>>) dst(%arg7 : memref<640xf32, #tpu.memory_space<vmem>>)
        tpu.yield
      }) : () -> ()
      %scan3A_59 = arith.constant 0 : i32
      %scan3A_60 = arith.constant 0 : i32
      %scan3A_61 = arith.constant 40 : i32
      %scan3A_62 = arith.addi %scan3A_60, %scan3A_61 : i32
      %scan3A_63 = arith.constant 1 : i32
      scf.for %scan3A_67 = %scan3A_60 to %scan3A_62 step %scan3A_63  : i32 {
        %mul3A_68 = arith.constant 16 : i32
        %mul3A_69 = arith.muli %scan3A_67, %mul3A_68 : i32
        %get3A = arith.index_cast %mul3A_69 : i32 to index
        %get3A_70 = tpu.vector_load %arg7[%get3A] {strides = array<i32>} : memref<640xf32, #tpu.memory_space<vmem>>, vector<16xf32>,
        %get3A_71 = vector.shape_cast %get3A_70 : vector<16xf32> to vector<16xf32>
        %add3A = arith.constant 1.000000e+00 : f32
        %add3A_72 = vector.broadcast %add3A : f32 to vector<16xf32>
        %add3A_73 = arith.addf %get3A_71, %add3A_72 : vector<16xf32>
        %bitcast_convert_type3A = tpu.bitcast %add3A_73 : vector<16xf32> -> vector<16xi32>
        %shift_right_logical3A = arith.constant 1 : i32
        %shift_right_logical3A_74 = vector.broadcast %shift_right_logical3A : i32 to vector<16xi32>
        %shift_right_logical3A_75 = arith.shrui %bitcast_convert_type3A, %shift_right_logical3A_74 : vector<16xi32>
        %sub3A = arith.constant 1597463007 : i32
        %sub3A_76 = vector.broadcast %sub3A : i32 to vector<16xi32>
        %sub3A_77 = arith.subi %sub3A_76, %shift_right_logical3A_75 : vector<16xi32>
        %bitcast_convert_type3A_78 = tpu.bitcast %sub3A_77 : vector<16xi32> -> vector<16xf32>
        %mul3A_79 = arith.constant 5.000000e-01 : f32
        %mul3A_80 = vector.broadcast %mul3A_79 : f32 to vector<16xf32>
        %mul3A_81 = arith.mulf %mul3A_80, %add3A_73 : vector<16xf32>
        %mul3A_82 = arith.mulf %mul3A_81, %bitcast_convert_type3A_78 : vector<16xf32>
        %mul3A_83 = arith.mulf %mul3A_82, %bitcast_convert_type3A_78 : vector<16xf32>
        %sub3A_84 = arith.constant 1.500000e+00 : f32
        %sub3A_85 = vector.broadcast %sub3A_84 : f32 to vector<16xf32>
        %sub3A_86 = arith.subf %sub3A_85, %mul3A_83 : vector<16xf32>
        %mul3A_87 = arith.mulf %bitcast_convert_type3A_78, %sub3A_86 : vector<16xf32>
        %mul3A_88 = arith.constant 5.000000e-01 : f32
        %mul3A_89 = vector.broadcast %mul3A_88 : f32 to vector<16xf32>
        %mul3A_90 = arith.mulf %mul3A_89, %add3A_73 : vector<16xf32>
        %mul3A_91 = arith.mulf %mul3A_90, %mul3A_87 : vector<16xf32>
        %mul3A_92 = arith.mulf %mul3A_91, %mul3A_87 : vector<16xf32>
        %sub3A_93 = arith.constant 1.500000e+00 : f32
        %sub3A_94 = vector.broadcast %sub3A_93 : f32 to vector<16xf32>
        %sub3A_95 = arith.subf %sub3A_94, %mul3A_92 : vector<16xf32>
        %mul3A_96 = arith.mulf %mul3A_87, %sub3A_95 : vector<16xf32>
        %mul3A_97 = arith.constant 5.000000e-01 : f32
        %mul3A_98 = vector.broadcast %mul3A_97 : f32 to vector<16xf32>
        %mul3A_99 = arith.mulf %mul3A_98, %add3A_73 : vector<16xf32>
        %mul3A_100 = arith.mulf %mul3A_99, %mul3A_96 : vector<16xf32>
        %mul3A_101 = arith.mulf %mul3A_100, %mul3A_96 : vector<16xf32>
        %sub3A_102 = arith.constant 1.500000e+00 : f32
        %sub3A_103 = vector.broadcast %sub3A_102 : f32 to vector<16xf32>
        %sub3A_104 = arith.subf %sub3A_103, %mul3A_101 : vector<16xf32>
        %mul3A_105 = arith.mulf %mul3A_96, %sub3A_104 : vector<16xf32>
        %mul3A_106 = arith.constant 16 : i32
        %mul3A_107 = arith.muli %scan3A_67, %mul3A_106 : i32
        %swap3A_108 = arith.index_cast %mul3A_107 : i32 to index
        %swap3A_109 = tpu.vector_load %arg7[%swap3A_108] {strides = array<i32>} : memref<640xf32, #tpu.memory_space<vmem>>, vector<16xf32>,
        %swap3A_110 = vector.shape_cast %swap3A_109 : vector<16xf32> to vector<16xf32>
        %swap3A_111 = vector.shape_cast %mul3A_105 : vector<16xf32> to vector<16xf32>
        tpu.vector_store %arg7[%swap3A_108], %swap3A_111 {strides = array<i32>} : memref<640xf32, #tpu.memory_space<vmem>>, vector<16xf32>,
      }
      %scan3A_64 = arith.constant 40 : i32
      %mul3A_65 = arith.constant 640 : i32
      %mul3A_66 = arith.muli %arg1, %mul3A_65 : i32
      "tpu.region"() ({
        %run_scoped3A = tpu.sem_alloc : memref<!tpu.dma_semaphore, #tpu.memory_space<semaphore_mem>>
        %dma_start3A_67 = tpu.memref_slice %arg4[%mul3A_66] : memref<10240xf32, #tpu.memory_space<hbm>> -> memref<640xf32, #tpu.memory_space<hbm>>
        %dma_start3A_68 = tpu.memref_slice %arg4[%mul3A_66] : memref<10240xf32, #tpu.memory_space<hbm>> -> memref<640xf32, #tpu.memory_space<hbm>>
        tpu.enqueue_dma source(%arg7 : memref<640xf32, #tpu.memory_space<vmem>>) target(%dma_start3A_68 : memref<640xf32, #tpu.memory_space<hbm>>) target_semaphore(%run_scoped3A : memref<!tpu.dma_semaphore, #tpu.memory_space<semaphore_mem>>)
        %dma_wait3A_69 = tpu.memref_slice %arg4[%mul3A_66] : memref<10240xf32, #tpu.memory_space<hbm>> -> memref<640xf32, #tpu.memory_space<hbm>>
        %dma_wait3A_70 = tpu.memref_slice %arg4[%mul3A_66] : memref<10240xf32, #tpu.memory_space<hbm>> -> memref<640xf32, #tpu.memory_space<hbm>>
        tpu.wait_dma2 semaphore(%run_scoped3A : memref<!tpu.dma_semaphore, #tpu.memory_space<semaphore_mem>>) src(%arg7 : memref<640xf32, #tpu.memory_space<vmem>>) dst(%dma_wait3A_70 : memref<640xf32, #tpu.memory_space<hbm>>)
        tpu.yield
      }) : () -> ()
    } else {
    }
    return
  }
}

#map = affine_map<(d0, d1) -> (0, 0)>
#map1 = affine_map<(d0, d1) -> (0)>
#map2 = affine_map<(d0, d1) -> (0, 0, 0)>
module attributes {stable_mosaic.version = 14 : i64} {
  func.func @_prop_body(%arg0: i32, %arg1: i32, %arg2: memref<10112x64xf32, #tpu.memory_space<hbm>>, %arg3: memref<320000xi32, #tpu.memory_space<hbm>>, %arg4: memref<320000xi32, #tpu.memory_space<hbm>>, %arg5: memref<632x64xf32, #tpu.memory_space<hbm>>, %arg6: memref<2x10112x64xf32, #tpu.memory_space<hbm>>, %arg7: memref<5x80xi32, #tpu.memory_space<vmem>>, %arg8: memref<5x80xi32, #tpu.memory_space<vmem>>, %arg9: memref<80x64xf32, #tpu.memory_space<vmem>>, %arg10: memref<80x64xf32, #tpu.memory_space<vmem>>, %arg11: memref<80x64xf32, #tpu.memory_space<vmem>>, %arg12: memref<80x64xf32, #tpu.memory_space<vmem>>, %arg13: memref<80x64xf32, #tpu.memory_space<vmem>>, %arg14: memref<!tpu.dma_semaphore, #tpu.memory_space<semaphore_mem>>, %arg15: memref<!tpu.dma_semaphore, #tpu.memory_space<semaphore_mem>>, %arg16: memref<!tpu.dma_semaphore, #tpu.memory_space<semaphore_mem>>, %arg17: memref<!tpu.dma_semaphore, #tpu.memory_space<semaphore_mem>>, %arg18: memref<!tpu.dma_semaphore, #tpu.memory_space<semaphore_mem>>, %arg19: memref<!tpu.dma_semaphore, #tpu.memory_space<semaphore_mem>>, %arg20: memref<!tpu.dma_semaphore, #tpu.memory_space<semaphore_mem>>, %arg21: memref<!tpu.dma_semaphore, #tpu.memory_space<semaphore_mem>>, %arg22: memref<!tpu.dma_semaphore, #tpu.memory_space<semaphore_mem>>, %arg23: memref<!tpu.dma_semaphore, #tpu.memory_space<semaphore_mem>>, %arg24: memref<!tpu.dma_semaphore, #tpu.memory_space<semaphore_mem>>, %arg25: memref<!tpu.dma_semaphore, #tpu.memory_space<semaphore_mem>>, %arg26: memref<!tpu.dma_semaphore, #tpu.memory_space<semaphore_mem>>, %arg27: memref<!tpu.dma_semaphore, #tpu.memory_space<semaphore_mem>>, %arg28: memref<!tpu.dma_semaphore, #tpu.memory_space<semaphore_mem>>, %arg29: memref<!tpu.dma_semaphore, #tpu.memory_space<semaphore_mem>>, %arg30: memref<!tpu.dma_semaphore, #tpu.memory_space<semaphore_mem>>, %arg31: memref<!tpu.dma_semaphore, #tpu.memory_space<semaphore_mem>>, %arg32: memref<!tpu.dma_semaphore, #tpu.memory_space<semaphore_mem>>, %arg33: memref<!tpu.dma_semaphore, #tpu.memory_space<semaphore_mem>>, %arg34: memref<!tpu.dma_semaphore, #tpu.memory_space<semaphore_mem>>, %arg35: memref<10112x64xf32, #tpu.memory_space<vmem_shared>>) attributes {dimension_semantics = [#tpu.dimension_semantics<core_parallel>, #tpu.dimension_semantics<subcore_parallel>], iteration_bounds = array<i64: 2, 16>, scalar_prefetch = 0 : i64, scratch_operands = 29 : i64, tpu.core_type = #tpu.core_type<sc_vector_subcore>, window_params = [{transform_indices = #map}, {transform_indices = #map1}, {transform_indices = #map1}, {transform_indices = #map}, {transform_indices = #map2}]} {
    %mul3A = arith.constant 16 : i32
    %mul3A_0 = arith.muli %arg0, %mul3A : i32
    %add3A = arith.addi %mul3A_0, %arg1 : i32
    %mul3A_1 = arith.constant 125 : i32
    %mul3A_2 = arith.muli %add3A, %mul3A_1 : i32
    %mul3A_3 = arith.constant 632 : i32
    %mul3A_4 = arith.muli %arg1, %mul3A_3 : i32
    %dma_start3A = arith.constant 0 : i32
    %dma_start3A_5 = tpu.memref_slice %arg35[%mul3A_4, %dma_start3A] : memref<10112x64xf32, #tpu.memory_space<vmem_shared>> -> memref<632x64xf32, #tpu.memory_space<vmem_shared>>
    tpu.enqueue_dma source(%arg5 : memref<632x64xf32, #tpu.memory_space<hbm>>) target(%dma_start3A_5 : memref<632x64xf32, #tpu.memory_space<vmem_shared>>) target_semaphore(%arg14 : memref<!tpu.dma_semaphore, #tpu.memory_space<semaphore_mem>>)
    %add3A_6 = arith.constant 0 : i32
    %add3A_7 = arith.addi %mul3A_2, %add3A_6 : i32
    %mul3A_8 = arith.constant 80 : i32
    %mul3A_9 = arith.muli %add3A_7, %mul3A_8 : i32
    %dma_start3A_10 = arith.constant 0 : i32
    %dma_start3A_11 = arith.constant 0 : i32
    %dma_start3A_12 = tpu.memref_slice %arg7[%dma_start3A_10, %dma_start3A_11] : memref<5x80xi32, #tpu.memory_space<vmem>> -> memref<1x80xi32, #tpu.memory_space<vmem>>
    %dma_start3A_13 = tpu.memref_squeeze %dma_start3A_12 : memref<1x80xi32, #tpu.memory_space<vmem>> -> memref<80xi32, #tpu.memory_space<vmem>>
    %dma_start3A_14 = tpu.memref_slice %arg3[%mul3A_9] : memref<320000xi32, #tpu.memory_space<hbm>> -> memref<80xi32, #tpu.memory_space<hbm>>
    %dma_start3A_15 = arith.constant 0 : i32
    %dma_start3A_16 = tpu.memref_slice %arg7[%dma_start3A_10, %dma_start3A_15] : memref<5x80xi32, #tpu.memory_space<vmem>> -> memref<1x80xi32, #tpu.memory_space<vmem>>
    %dma_start3A_17 = tpu.memref_squeeze %dma_start3A_16 : memref<1x80xi32, #tpu.memory_space<vmem>> -> memref<80xi32, #tpu.memory_space<vmem>>
    %dma_start3A_18 = tpu.memref_slice %arg3[%mul3A_9] : memref<320000xi32, #tpu.memory_space<hbm>> -> memref<80xi32, #tpu.memory_space<hbm>>
    tpu.enqueue_dma source(%dma_start3A_18 : memref<80xi32, #tpu.memory_space<hbm>>) target(%dma_start3A_17 : memref<80xi32, #tpu.memory_space<vmem>>) target_semaphore(%arg15 : memref<!tpu.dma_semaphore, #tpu.memory_space<semaphore_mem>>)
    %add3A_19 = arith.constant 1 : i32
    %add3A_20 = arith.addi %mul3A_2, %add3A_19 : i32
    %mul3A_21 = arith.constant 80 : i32
    %mul3A_22 = arith.muli %add3A_20, %mul3A_21 : i32
    %dma_start3A_23 = arith.constant 1 : i32
    %dma_start3A_24 = arith.constant 0 : i32
    %dma_start3A_25 = tpu.memref_slice %arg7[%dma_start3A_23, %dma_start3A_24] : memref<5x80xi32, #tpu.memory_space<vmem>> -> memref<1x80xi32, #tpu.memory_space<vmem>>
    %dma_start3A_26 = tpu.memref_squeeze %dma_start3A_25 : memref<1x80xi32, #tpu.memory_space<vmem>> -> memref<80xi32, #tpu.memory_space<vmem>>
    %dma_start3A_27 = tpu.memref_slice %arg3[%mul3A_22] : memref<320000xi32, #tpu.memory_space<hbm>> -> memref<80xi32, #tpu.memory_space<hbm>>
    %dma_start3A_28 = arith.constant 0 : i32
    %dma_start3A_29 = tpu.memref_slice %arg7[%dma_start3A_23, %dma_start3A_28] : memref<5x80xi32, #tpu.memory_space<vmem>> -> memref<1x80xi32, #tpu.memory_space<vmem>>
    %dma_start3A_30 = tpu.memref_squeeze %dma_start3A_29 : memref<1x80xi32, #tpu.memory_space<vmem>> -> memref<80xi32, #tpu.memory_space<vmem>>
    %dma_start3A_31 = tpu.memref_slice %arg3[%mul3A_22] : memref<320000xi32, #tpu.memory_space<hbm>> -> memref<80xi32, #tpu.memory_space<hbm>>
    tpu.enqueue_dma source(%dma_start3A_31 : memref<80xi32, #tpu.memory_space<hbm>>) target(%dma_start3A_30 : memref<80xi32, #tpu.memory_space<vmem>>) target_semaphore(%arg16 : memref<!tpu.dma_semaphore, #tpu.memory_space<semaphore_mem>>)
    %add3A_32 = arith.constant 2 : i32
    %add3A_33 = arith.addi %mul3A_2, %add3A_32 : i32
    %mul3A_34 = arith.constant 80 : i32
    %mul3A_35 = arith.muli %add3A_33, %mul3A_34 : i32
    %dma_start3A_36 = arith.constant 2 : i32
    %dma_start3A_37 = arith.constant 0 : i32
    %dma_start3A_38 = tpu.memref_slice %arg7[%dma_start3A_36, %dma_start3A_37] : memref<5x80xi32, #tpu.memory_space<vmem>> -> memref<1x80xi32, #tpu.memory_space<vmem>>
    %dma_start3A_39 = tpu.memref_squeeze %dma_start3A_38 : memref<1x80xi32, #tpu.memory_space<vmem>> -> memref<80xi32, #tpu.memory_space<vmem>>
    %dma_start3A_40 = tpu.memref_slice %arg3[%mul3A_35] : memref<320000xi32, #tpu.memory_space<hbm>> -> memref<80xi32, #tpu.memory_space<hbm>>
    %dma_start3A_41 = arith.constant 0 : i32
    %dma_start3A_42 = tpu.memref_slice %arg7[%dma_start3A_36, %dma_start3A_41] : memref<5x80xi32, #tpu.memory_space<vmem>> -> memref<1x80xi32, #tpu.memory_space<vmem>>
    %dma_start3A_43 = tpu.memref_squeeze %dma_start3A_42 : memref<1x80xi32, #tpu.memory_space<vmem>> -> memref<80xi32, #tpu.memory_space<vmem>>
    %dma_start3A_44 = tpu.memref_slice %arg3[%mul3A_35] : memref<320000xi32, #tpu.memory_space<hbm>> -> memref<80xi32, #tpu.memory_space<hbm>>
    tpu.enqueue_dma source(%dma_start3A_44 : memref<80xi32, #tpu.memory_space<hbm>>) target(%dma_start3A_43 : memref<80xi32, #tpu.memory_space<vmem>>) target_semaphore(%arg17 : memref<!tpu.dma_semaphore, #tpu.memory_space<semaphore_mem>>)
    %add3A_45 = arith.constant 3 : i32
    %add3A_46 = arith.addi %mul3A_2, %add3A_45 : i32
    %mul3A_47 = arith.constant 80 : i32
    %mul3A_48 = arith.muli %add3A_46, %mul3A_47 : i32
    %dma_start3A_49 = arith.constant 3 : i32
    %dma_start3A_50 = arith.constant 0 : i32
    %dma_start3A_51 = tpu.memref_slice %arg7[%dma_start3A_49, %dma_start3A_50] : memref<5x80xi32, #tpu.memory_space<vmem>> -> memref<1x80xi32, #tpu.memory_space<vmem>>
    %dma_start3A_52 = tpu.memref_squeeze %dma_start3A_51 : memref<1x80xi32, #tpu.memory_space<vmem>> -> memref<80xi32, #tpu.memory_space<vmem>>
    %dma_start3A_53 = tpu.memref_slice %arg3[%mul3A_48] : memref<320000xi32, #tpu.memory_space<hbm>> -> memref<80xi32, #tpu.memory_space<hbm>>
    %dma_start3A_54 = arith.constant 0 : i32
    %dma_start3A_55 = tpu.memref_slice %arg7[%dma_start3A_49, %dma_start3A_54] : memref<5x80xi32, #tpu.memory_space<vmem>> -> memref<1x80xi32, #tpu.memory_space<vmem>>
    %dma_start3A_56 = tpu.memref_squeeze %dma_start3A_55 : memref<1x80xi32, #tpu.memory_space<vmem>> -> memref<80xi32, #tpu.memory_space<vmem>>
    %dma_start3A_57 = tpu.memref_slice %arg3[%mul3A_48] : memref<320000xi32, #tpu.memory_space<hbm>> -> memref<80xi32, #tpu.memory_space<hbm>>
    tpu.enqueue_dma source(%dma_start3A_57 : memref<80xi32, #tpu.memory_space<hbm>>) target(%dma_start3A_56 : memref<80xi32, #tpu.memory_space<vmem>>) target_semaphore(%arg18 : memref<!tpu.dma_semaphore, #tpu.memory_space<semaphore_mem>>)
    %add3A_58 = arith.constant 4 : i32
    %add3A_59 = arith.addi %mul3A_2, %add3A_58 : i32
    %mul3A_60 = arith.constant 80 : i32
    %mul3A_61 = arith.muli %add3A_59, %mul3A_60 : i32
    %dma_start3A_62 = arith.constant 4 : i32
    %dma_start3A_63 = arith.constant 0 : i32
    %dma_start3A_64 = tpu.memref_slice %arg7[%dma_start3A_62, %dma_start3A_63] : memref<5x80xi32, #tpu.memory_space<vmem>> -> memref<1x80xi32, #tpu.memory_space<vmem>>
    %dma_start3A_65 = tpu.memref_squeeze %dma_start3A_64 : memref<1x80xi32, #tpu.memory_space<vmem>> -> memref<80xi32, #tpu.memory_space<vmem>>
    %dma_start3A_66 = tpu.memref_slice %arg3[%mul3A_61] : memref<320000xi32, #tpu.memory_space<hbm>> -> memref<80xi32, #tpu.memory_space<hbm>>
    %dma_start3A_67 = arith.constant 0 : i32
    %dma_start3A_68 = tpu.memref_slice %arg7[%dma_start3A_62, %dma_start3A_67] : memref<5x80xi32, #tpu.memory_space<vmem>> -> memref<1x80xi32, #tpu.memory_space<vmem>>
    %dma_start3A_69 = tpu.memref_squeeze %dma_start3A_68 : memref<1x80xi32, #tpu.memory_space<vmem>> -> memref<80xi32, #tpu.memory_space<vmem>>
    %dma_start3A_70 = tpu.memref_slice %arg3[%mul3A_61] : memref<320000xi32, #tpu.memory_space<hbm>> -> memref<80xi32, #tpu.memory_space<hbm>>
    tpu.enqueue_dma source(%dma_start3A_70 : memref<80xi32, #tpu.memory_space<hbm>>) target(%dma_start3A_69 : memref<80xi32, #tpu.memory_space<vmem>>) target_semaphore(%arg19 : memref<!tpu.dma_semaphore, #tpu.memory_space<semaphore_mem>>)
    %add3A_71 = arith.constant 0 : i32
    %add3A_72 = arith.addi %mul3A_2, %add3A_71 : i32
    %mul3A_73 = arith.constant 80 : i32
    %mul3A_74 = arith.muli %add3A_72, %mul3A_73 : i32
    %dma_start3A_75 = arith.constant 0 : i32
    %dma_start3A_76 = arith.constant 0 : i32
    %dma_start3A_77 = tpu.memref_slice %arg8[%dma_start3A_75, %dma_start3A_76] : memref<5x80xi32, #tpu.memory_space<vmem>> -> memref<1x80xi32, #tpu.memory_space<vmem>>
    %dma_start3A_78 = tpu.memref_squeeze %dma_start3A_77 : memref<1x80xi32, #tpu.memory_space<vmem>> -> memref<80xi32, #tpu.memory_space<vmem>>
    %dma_start3A_79 = tpu.memref_slice %arg4[%mul3A_74] : memref<320000xi32, #tpu.memory_space<hbm>> -> memref<80xi32, #tpu.memory_space<hbm>>
    %dma_start3A_80 = arith.constant 0 : i32
    %dma_start3A_81 = tpu.memref_slice %arg8[%dma_start3A_75, %dma_start3A_80] : memref<5x80xi32, #tpu.memory_space<vmem>> -> memref<1x80xi32, #tpu.memory_space<vmem>>
    %dma_start3A_82 = tpu.memref_squeeze %dma_start3A_81 : memref<1x80xi32, #tpu.memory_space<vmem>> -> memref<80xi32, #tpu.memory_space<vmem>>
    %dma_start3A_83 = tpu.memref_slice %arg4[%mul3A_74] : memref<320000xi32, #tpu.memory_space<hbm>> -> memref<80xi32, #tpu.memory_space<hbm>>
    tpu.enqueue_dma source(%dma_start3A_83 : memref<80xi32, #tpu.memory_space<hbm>>) target(%dma_start3A_82 : memref<80xi32, #tpu.memory_space<vmem>>) target_semaphore(%arg20 : memref<!tpu.dma_semaphore, #tpu.memory_space<semaphore_mem>>)
    %add3A_84 = arith.constant 1 : i32
    %add3A_85 = arith.addi %mul3A_2, %add3A_84 : i32
    %mul3A_86 = arith.constant 80 : i32
    %mul3A_87 = arith.muli %add3A_85, %mul3A_86 : i32
    %dma_start3A_88 = arith.constant 1 : i32
    %dma_start3A_89 = arith.constant 0 : i32
    %dma_start3A_90 = tpu.memref_slice %arg8[%dma_start3A_88, %dma_start3A_89] : memref<5x80xi32, #tpu.memory_space<vmem>> -> memref<1x80xi32, #tpu.memory_space<vmem>>
    %dma_start3A_91 = tpu.memref_squeeze %dma_start3A_90 : memref<1x80xi32, #tpu.memory_space<vmem>> -> memref<80xi32, #tpu.memory_space<vmem>>
    %dma_start3A_92 = tpu.memref_slice %arg4[%mul3A_87] : memref<320000xi32, #tpu.memory_space<hbm>> -> memref<80xi32, #tpu.memory_space<hbm>>
    %dma_start3A_93 = arith.constant 0 : i32
    %dma_start3A_94 = tpu.memref_slice %arg8[%dma_start3A_88, %dma_start3A_93] : memref<5x80xi32, #tpu.memory_space<vmem>> -> memref<1x80xi32, #tpu.memory_space<vmem>>
    %dma_start3A_95 = tpu.memref_squeeze %dma_start3A_94 : memref<1x80xi32, #tpu.memory_space<vmem>> -> memref<80xi32, #tpu.memory_space<vmem>>
    %dma_start3A_96 = tpu.memref_slice %arg4[%mul3A_87] : memref<320000xi32, #tpu.memory_space<hbm>> -> memref<80xi32, #tpu.memory_space<hbm>>
    tpu.enqueue_dma source(%dma_start3A_96 : memref<80xi32, #tpu.memory_space<hbm>>) target(%dma_start3A_95 : memref<80xi32, #tpu.memory_space<vmem>>) target_semaphore(%arg21 : memref<!tpu.dma_semaphore, #tpu.memory_space<semaphore_mem>>)
    %add3A_97 = arith.constant 2 : i32
    %add3A_98 = arith.addi %mul3A_2, %add3A_97 : i32
    %mul3A_99 = arith.constant 80 : i32
    %mul3A_100 = arith.muli %add3A_98, %mul3A_99 : i32
    %dma_start3A_101 = arith.constant 2 : i32
    %dma_start3A_102 = arith.constant 0 : i32
    %dma_start3A_103 = tpu.memref_slice %arg8[%dma_start3A_101, %dma_start3A_102] : memref<5x80xi32, #tpu.memory_space<vmem>> -> memref<1x80xi32, #tpu.memory_space<vmem>>
    %dma_start3A_104 = tpu.memref_squeeze %dma_start3A_103 : memref<1x80xi32, #tpu.memory_space<vmem>> -> memref<80xi32, #tpu.memory_space<vmem>>
    %dma_start3A_105 = tpu.memref_slice %arg4[%mul3A_100] : memref<320000xi32, #tpu.memory_space<hbm>> -> memref<80xi32, #tpu.memory_space<hbm>>
    %dma_start3A_106 = arith.constant 0 : i32
    %dma_start3A_107 = tpu.memref_slice %arg8[%dma_start3A_101, %dma_start3A_106] : memref<5x80xi32, #tpu.memory_space<vmem>> -> memref<1x80xi32, #tpu.memory_space<vmem>>
    %dma_start3A_108 = tpu.memref_squeeze %dma_start3A_107 : memref<1x80xi32, #tpu.memory_space<vmem>> -> memref<80xi32, #tpu.memory_space<vmem>>
    %dma_start3A_109 = tpu.memref_slice %arg4[%mul3A_100] : memref<320000xi32, #tpu.memory_space<hbm>> -> memref<80xi32, #tpu.memory_space<hbm>>
    tpu.enqueue_dma source(%dma_start3A_109 : memref<80xi32, #tpu.memory_space<hbm>>) target(%dma_start3A_108 : memref<80xi32, #tpu.memory_space<vmem>>) target_semaphore(%arg22 : memref<!tpu.dma_semaphore, #tpu.memory_space<semaphore_mem>>)
    %dma_wait3A = arith.constant 0 : i32
    %dma_wait3A_110 = arith.constant 0 : i32
    %dma_wait3A_111 = tpu.memref_slice %arg7[%dma_wait3A, %dma_wait3A_110] : memref<5x80xi32, #tpu.memory_space<vmem>> -> memref<1x80xi32, #tpu.memory_space<vmem>>
    %dma_wait3A_112 = tpu.memref_squeeze %dma_wait3A_111 : memref<1x80xi32, #tpu.memory_space<vmem>> -> memref<80xi32, #tpu.memory_space<vmem>>
    %dma_wait3A_113 = arith.constant 0 : i32
    %dma_wait3A_114 = tpu.memref_slice %arg3[%dma_wait3A_113] : memref<320000xi32, #tpu.memory_space<hbm>> -> memref<80xi32, #tpu.memory_space<hbm>>
    %dma_wait3A_115 = arith.constant 0 : i32
    %dma_wait3A_116 = tpu.memref_slice %arg7[%dma_wait3A, %dma_wait3A_115] : memref<5x80xi32, #tpu.memory_space<vmem>> -> memref<1x80xi32, #tpu.memory_space<vmem>>
    %dma_wait3A_117 = tpu.memref_squeeze %dma_wait3A_116 : memref<1x80xi32, #tpu.memory_space<vmem>> -> memref<80xi32, #tpu.memory_space<vmem>>
    %dma_wait3A_118 = arith.constant 0 : i32
    %dma_wait3A_119 = tpu.memref_slice %arg3[%dma_wait3A_118] : memref<320000xi32, #tpu.memory_space<hbm>> -> memref<80xi32, #tpu.memory_space<hbm>>
    tpu.wait_dma2 semaphore(%arg15 : memref<!tpu.dma_semaphore, #tpu.memory_space<semaphore_mem>>) src(%dma_wait3A_119 : memref<80xi32, #tpu.memory_space<hbm>>) dst(%dma_wait3A_117 : memref<80xi32, #tpu.memory_space<vmem>>)
    %dma_start3A_120 = arith.constant 0 : i32
    %dma_start3A_121 = arith.constant 0 : i32
    %dma_start3A_122 = tpu.memref_slice %arg7[%dma_start3A_120, %dma_start3A_121] : memref<5x80xi32, #tpu.memory_space<vmem>> -> memref<1x80xi32, #tpu.memory_space<vmem>>
    %dma_start3A_123 = tpu.memref_squeeze %dma_start3A_122 : memref<1x80xi32, #tpu.memory_space<vmem>> -> memref<80xi32, #tpu.memory_space<vmem>>
    %dma_start3A_124 = arith.constant 0 : i32
    %dma_start3A_125 = arith.constant 0 : i32
    %dma_start3A_126 = tpu.memref_slice %arg2[%dma_start3A_124, %dma_start3A_125] : memref<10112x64xf32, #tpu.memory_space<hbm>> -> memref<10112x64xf32, #tpu.memory_space<hbm>>
    tpu.enqueue_indirect_dma source(%dma_start3A_126 : memref<10112x64xf32, #tpu.memory_space<hbm>>) target(%arg9 : memref<80x64xf32, #tpu.memory_space<vmem>>) offsets(%dma_start3A_123 : memref<80xi32, #tpu.memory_space<vmem>>) semaphore(%arg25 : memref<!tpu.dma_semaphore, #tpu.memory_space<semaphore_mem>>)
    %dma_wait3A_127 = arith.constant 1 : i32
    %dma_wait3A_128 = arith.constant 0 : i32
    %dma_wait3A_129 = tpu.memref_slice %arg7[%dma_wait3A_127, %dma_wait3A_128] : memref<5x80xi32, #tpu.memory_space<vmem>> -> memref<1x80xi32, #tpu.memory_space<vmem>>
    %dma_wait3A_130 = tpu.memref_squeeze %dma_wait3A_129 : memref<1x80xi32, #tpu.memory_space<vmem>> -> memref<80xi32, #tpu.memory_space<vmem>>
    %dma_wait3A_131 = arith.constant 0 : i32
    %dma_wait3A_132 = tpu.memref_slice %arg3[%dma_wait3A_131] : memref<320000xi32, #tpu.memory_space<hbm>> -> memref<80xi32, #tpu.memory_space<hbm>>
    %dma_wait3A_133 = arith.constant 0 : i32
    %dma_wait3A_134 = tpu.memref_slice %arg7[%dma_wait3A_127, %dma_wait3A_133] : memref<5x80xi32, #tpu.memory_space<vmem>> -> memref<1x80xi32, #tpu.memory_space<vmem>>
    %dma_wait3A_135 = tpu.memref_squeeze %dma_wait3A_134 : memref<1x80xi32, #tpu.memory_space<vmem>> -> memref<80xi32, #tpu.memory_space<vmem>>
    %dma_wait3A_136 = arith.constant 0 : i32
    %dma_wait3A_137 = tpu.memref_slice %arg3[%dma_wait3A_136] : memref<320000xi32, #tpu.memory_space<hbm>> -> memref<80xi32, #tpu.memory_space<hbm>>
    tpu.wait_dma2 semaphore(%arg16 : memref<!tpu.dma_semaphore, #tpu.memory_space<semaphore_mem>>) src(%dma_wait3A_137 : memref<80xi32, #tpu.memory_space<hbm>>) dst(%dma_wait3A_135 : memref<80xi32, #tpu.memory_space<vmem>>)
    %dma_start3A_138 = arith.constant 1 : i32
    %dma_start3A_139 = arith.constant 0 : i32
    %dma_start3A_140 = tpu.memref_slice %arg7[%dma_start3A_138, %dma_start3A_139] : memref<5x80xi32, #tpu.memory_space<vmem>> -> memref<1x80xi32, #tpu.memory_space<vmem>>
    %dma_start3A_141 = tpu.memref_squeeze %dma_start3A_140 : memref<1x80xi32, #tpu.memory_space<vmem>> -> memref<80xi32, #tpu.memory_space<vmem>>
    %dma_start3A_142 = arith.constant 0 : i32
    %dma_start3A_143 = arith.constant 0 : i32
    %dma_start3A_144 = tpu.memref_slice %arg2[%dma_start3A_142, %dma_start3A_143] : memref<10112x64xf32, #tpu.memory_space<hbm>> -> memref<10112x64xf32, #tpu.memory_space<hbm>>
    tpu.enqueue_indirect_dma source(%dma_start3A_144 : memref<10112x64xf32, #tpu.memory_space<hbm>>) target(%arg10 : memref<80x64xf32, #tpu.memory_space<vmem>>) offsets(%dma_start3A_141 : memref<80xi32, #tpu.memory_space<vmem>>) semaphore(%arg26 : memref<!tpu.dma_semaphore, #tpu.memory_space<semaphore_mem>>)
    %dma_wait3A_145 = arith.constant 2 : i32
    %dma_wait3A_146 = arith.constant 0 : i32
    %dma_wait3A_147 = tpu.memref_slice %arg7[%dma_wait3A_145, %dma_wait3A_146] : memref<5x80xi32, #tpu.memory_space<vmem>> -> memref<1x80xi32, #tpu.memory_space<vmem>>
    %dma_wait3A_148 = tpu.memref_squeeze %dma_wait3A_147 : memref<1x80xi32, #tpu.memory_space<vmem>> -> memref<80xi32, #tpu.memory_space<vmem>>
    %dma_wait3A_149 = arith.constant 0 : i32
    %dma_wait3A_150 = tpu.memref_slice %arg3[%dma_wait3A_149] : memref<320000xi32, #tpu.memory_space<hbm>> -> memref<80xi32, #tpu.memory_space<hbm>>
    %dma_wait3A_151 = arith.constant 0 : i32
    %dma_wait3A_152 = tpu.memref_slice %arg7[%dma_wait3A_145, %dma_wait3A_151] : memref<5x80xi32, #tpu.memory_space<vmem>> -> memref<1x80xi32, #tpu.memory_space<vmem>>
    %dma_wait3A_153 = tpu.memref_squeeze %dma_wait3A_152 : memref<1x80xi32, #tpu.memory_space<vmem>> -> memref<80xi32, #tpu.memory_space<vmem>>
    %dma_wait3A_154 = arith.constant 0 : i32
    %dma_wait3A_155 = tpu.memref_slice %arg3[%dma_wait3A_154] : memref<320000xi32, #tpu.memory_space<hbm>> -> memref<80xi32, #tpu.memory_space<hbm>>
    tpu.wait_dma2 semaphore(%arg17 : memref<!tpu.dma_semaphore, #tpu.memory_space<semaphore_mem>>) src(%dma_wait3A_155 : memref<80xi32, #tpu.memory_space<hbm>>) dst(%dma_wait3A_153 : memref<80xi32, #tpu.memory_space<vmem>>)
    %dma_start3A_156 = arith.constant 2 : i32
    %dma_start3A_157 = arith.constant 0 : i32
    %dma_start3A_158 = tpu.memref_slice %arg7[%dma_start3A_156, %dma_start3A_157] : memref<5x80xi32, #tpu.memory_space<vmem>> -> memref<1x80xi32, #tpu.memory_space<vmem>>
    %dma_start3A_159 = tpu.memref_squeeze %dma_start3A_158 : memref<1x80xi32, #tpu.memory_space<vmem>> -> memref<80xi32, #tpu.memory_space<vmem>>
    %dma_start3A_160 = arith.constant 0 : i32
    %dma_start3A_161 = arith.constant 0 : i32
    %dma_start3A_162 = tpu.memref_slice %arg2[%dma_start3A_160, %dma_start3A_161] : memref<10112x64xf32, #tpu.memory_space<hbm>> -> memref<10112x64xf32, #tpu.memory_space<hbm>>
    tpu.enqueue_indirect_dma source(%dma_start3A_162 : memref<10112x64xf32, #tpu.memory_space<hbm>>) target(%arg11 : memref<80x64xf32, #tpu.memory_space<vmem>>) offsets(%dma_start3A_159 : memref<80xi32, #tpu.memory_space<vmem>>) semaphore(%arg27 : memref<!tpu.dma_semaphore, #tpu.memory_space<semaphore_mem>>)
    %dma_wait3A_163 = arith.constant 0 : i32
    %dma_wait3A_164 = tpu.memref_slice %arg35[%mul3A_4, %dma_wait3A_163] : memref<10112x64xf32, #tpu.memory_space<vmem_shared>> -> memref<632x64xf32, #tpu.memory_space<vmem_shared>>
    tpu.wait_dma2 semaphore(%arg14 : memref<!tpu.dma_semaphore, #tpu.memory_space<semaphore_mem>>) src(%arg5 : memref<632x64xf32, #tpu.memory_space<hbm>>) dst(%dma_wait3A_164 : memref<632x64xf32, #tpu.memory_space<vmem_shared>>)
    %barrier3A = arith.constant 0 : index
    tpu.barrier barrier_id(%barrier3A)
    %scan3A = arith.constant 0 : i32
    %scan3A_165 = arith.constant 0 : i32
    %scan3A_166 = arith.constant 25 : i32
    %scan3A_167 = arith.addi %scan3A_165, %scan3A_166 : i32
    %scan3A_168 = arith.constant 1 : i32
    scf.for %scan3A_189 = %scan3A_165 to %scan3A_167 step %scan3A_168  : i32 {
      %mul3A_190 = arith.constant 5 : i32
      %mul3A_191 = arith.muli %scan3A_189, %mul3A_190 : i32
      %add3A_192 = arith.constant 0 : i32
      %add3A_193 = arith.addi %mul3A_191, %add3A_192 : i32
      %dma_wait3A_194 = arith.constant 0 : i32
      %dma_wait3A_195 = arith.constant 0 : i32
      %dma_wait3A_196 = tpu.memref_slice %arg7[%dma_wait3A_194, %dma_wait3A_195] : memref<5x80xi32, #tpu.memory_space<vmem>> -> memref<1x80xi32, #tpu.memory_space<vmem>>
      %dma_wait3A_197 = tpu.memref_squeeze %dma_wait3A_196 : memref<1x80xi32, #tpu.memory_space<vmem>> -> memref<80xi32, #tpu.memory_space<vmem>>
      %dma_wait3A_198 = arith.constant 0 : i32
      %dma_wait3A_199 = arith.constant 0 : i32
      %dma_wait3A_200 = tpu.memref_slice %arg2[%dma_wait3A_198, %dma_wait3A_199] : memref<10112x64xf32, #tpu.memory_space<hbm>> -> memref<10112x64xf32, #tpu.memory_space<hbm>>
      tpu.wait_indirect_dma semaphore(%arg25 : memref<!tpu.dma_semaphore, #tpu.memory_space<semaphore_mem>>) src(%dma_wait3A_200 : memref<10112x64xf32, #tpu.memory_space<hbm>>) dst(%arg9 : memref<80x64xf32, #tpu.memory_space<vmem>>)
      %dma_wait3A_201 = arith.constant 0 : i32
      %dma_wait3A_202 = arith.constant 0 : i32
      %dma_wait3A_203 = tpu.memref_slice %arg8[%dma_wait3A_201, %dma_wait3A_202] : memref<5x80xi32, #tpu.memory_space<vmem>> -> memref<1x80xi32, #tpu.memory_space<vmem>>
      %dma_wait3A_204 = tpu.memref_squeeze %dma_wait3A_203 : memref<1x80xi32, #tpu.memory_space<vmem>> -> memref<80xi32, #tpu.memory_space<vmem>>
      %dma_wait3A_205 = arith.constant 0 : i32
      %dma_wait3A_206 = tpu.memref_slice %arg3[%dma_wait3A_205] : memref<320000xi32, #tpu.memory_space<hbm>> -> memref<80xi32, #tpu.memory_space<hbm>>
      %dma_wait3A_207 = arith.constant 0 : i32
      %dma_wait3A_208 = tpu.memref_slice %arg8[%dma_wait3A_201, %dma_wait3A_207] : memref<5x80xi32, #tpu.memory_space<vmem>> -> memref<1x80xi32, #tpu.memory_space<vmem>>
      %dma_wait3A_209 = tpu.memref_squeeze %dma_wait3A_208 : memref<1x80xi32, #tpu.memory_space<vmem>> -> memref<80xi32, #tpu.memory_space<vmem>>
      %dma_wait3A_210 = arith.constant 0 : i32
      %dma_wait3A_211 = tpu.memref_slice %arg3[%dma_wait3A_210] : memref<320000xi32, #tpu.memory_space<hbm>> -> memref<80xi32, #tpu.memory_space<hbm>>
      tpu.wait_dma2 semaphore(%arg20 : memref<!tpu.dma_semaphore, #tpu.memory_space<semaphore_mem>>) src(%dma_wait3A_211 : memref<80xi32, #tpu.memory_space<hbm>>) dst(%dma_wait3A_209 : memref<80xi32, #tpu.memory_space<vmem>>)
      %dma_start3A_212 = arith.constant 0 : i32
      %dma_start3A_213 = arith.constant 0 : i32
      %dma_start3A_214 = tpu.memref_slice %arg8[%dma_start3A_212, %dma_start3A_213] : memref<5x80xi32, #tpu.memory_space<vmem>> -> memref<1x80xi32, #tpu.memory_space<vmem>>
      %dma_start3A_215 = tpu.memref_squeeze %dma_start3A_214 : memref<1x80xi32, #tpu.memory_space<vmem>> -> memref<80xi32, #tpu.memory_space<vmem>>
      %dma_start3A_216 = arith.constant 0 : i32
      %dma_start3A_217 = arith.constant 0 : i32
      %dma_start3A_218 = tpu.memref_slice %arg35[%dma_start3A_216, %dma_start3A_217] : memref<10112x64xf32, #tpu.memory_space<vmem_shared>> -> memref<10112x64xf32, #tpu.memory_space<vmem_shared>>
      tpu.enqueue_indirect_dma source(%arg9 : memref<80x64xf32, #tpu.memory_space<vmem>>) target(%dma_start3A_218 : memref<10112x64xf32, #tpu.memory_space<vmem_shared>>) offsets(%dma_start3A_215 : memref<80xi32, #tpu.memory_space<vmem>>) semaphore(%arg30 : memref<!tpu.dma_semaphore, #tpu.memory_space<semaphore_mem>>) {add = true}
      %add3A_219 = arith.constant 5 : i32
      %add3A_220 = arith.addi %add3A_193, %add3A_219 : i32
      %lt3A = arith.constant 125 : i32
      %lt3A_221 = arith.cmpi slt, %add3A_220, %lt3A : i32
      %convert_element_type3A = arith.extui %lt3A_221 : i1 to i32
      %cond3A = arith.constant 0 : i32
      %cond3A_222 = arith.cmpi ne, %convert_element_type3A, %cond3A : i32
      scf.if %cond3A_222 {
        %add3A_426 = arith.constant 5 : i32
        %add3A_427 = arith.addi %add3A_193, %add3A_426 : i32
        %add3A_428 = arith.addi %mul3A_2, %add3A_427 : i32
        %mul3A_429 = arith.constant 80 : i32
        %mul3A_430 = arith.muli %add3A_428, %mul3A_429 : i32
        %dma_start3A_431 = arith.constant 0 : i32
        %dma_start3A_432 = arith.constant 0 : i32
        %dma_start3A_433 = tpu.memref_slice %arg7[%dma_start3A_431, %dma_start3A_432] : memref<5x80xi32, #tpu.memory_space<vmem>> -> memref<1x80xi32, #tpu.memory_space<vmem>>
        %dma_start3A_434 = tpu.memref_squeeze %dma_start3A_433 : memref<1x80xi32, #tpu.memory_space<vmem>> -> memref<80xi32, #tpu.memory_space<vmem>>
        %dma_start3A_435 = tpu.memref_slice %arg3[%mul3A_430] : memref<320000xi32, #tpu.memory_space<hbm>> -> memref<80xi32, #tpu.memory_space<hbm>>
        %dma_start3A_436 = arith.constant 0 : i32
        %dma_start3A_437 = tpu.memref_slice %arg7[%dma_start3A_431, %dma_start3A_436] : memref<5x80xi32, #tpu.memory_space<vmem>> -> memref<1x80xi32, #tpu.memory_space<vmem>>
        %dma_start3A_438 = tpu.memref_squeeze %dma_start3A_437 : memref<1x80xi32, #tpu.memory_space<vmem>> -> memref<80xi32, #tpu.memory_space<vmem>>
        %dma_start3A_439 = tpu.memref_slice %arg3[%mul3A_430] : memref<320000xi32, #tpu.memory_space<hbm>> -> memref<80xi32, #tpu.memory_space<hbm>>
        tpu.enqueue_dma source(%dma_start3A_439 : memref<80xi32, #tpu.memory_space<hbm>>) target(%dma_start3A_438 : memref<80xi32, #tpu.memory_space<vmem>>) target_semaphore(%arg15 : memref<!tpu.dma_semaphore, #tpu.memory_space<semaphore_mem>>)
      } else {
      }
      %ge3A = arith.constant 2 : i32
      %ge3A_223 = arith.cmpi sge, %add3A_193, %ge3A : i32
      %convert_element_type3A_224 = arith.extui %ge3A_223 : i1 to i32
      %cond3A_225 = arith.constant 0 : i32
      %cond3A_226 = arith.cmpi ne, %convert_element_type3A_224, %cond3A_225 : i32
      scf.if %cond3A_226 {
        %dma_wait3A_426 = arith.constant 3 : i32
        %dma_wait3A_427 = arith.constant 0 : i32
        %dma_wait3A_428 = tpu.memref_slice %arg8[%dma_wait3A_426, %dma_wait3A_427] : memref<5x80xi32, #tpu.memory_space<vmem>> -> memref<1x80xi32, #tpu.memory_space<vmem>>
        %dma_wait3A_429 = tpu.memref_squeeze %dma_wait3A_428 : memref<1x80xi32, #tpu.memory_space<vmem>> -> memref<80xi32, #tpu.memory_space<vmem>>
        %dma_wait3A_430 = arith.constant 0 : i32
        %dma_wait3A_431 = arith.constant 0 : i32
        %dma_wait3A_432 = tpu.memref_slice %arg35[%dma_wait3A_430, %dma_wait3A_431] : memref<10112x64xf32, #tpu.memory_space<vmem_shared>> -> memref<10112x64xf32, #tpu.memory_space<vmem_shared>>
        tpu.wait_indirect_dma semaphore(%arg33 : memref<!tpu.dma_semaphore, #tpu.memory_space<semaphore_mem>>) src(%arg12 : memref<80x64xf32, #tpu.memory_space<vmem>>) dst(%dma_wait3A_432 : memref<10112x64xf32, #tpu.memory_space<vmem_shared>>)
      } else {
      }
      %add3A_227 = arith.constant 3 : i32
      %add3A_228 = arith.addi %add3A_193, %add3A_227 : i32
      %lt3A_229 = arith.constant 125 : i32
      %lt3A_230 = arith.cmpi slt, %add3A_228, %lt3A_229 : i32
      %convert_element_type3A_231 = arith.extui %lt3A_230 : i1 to i32
      %cond3A_232 = arith.constant 0 : i32
      %cond3A_233 = arith.cmpi ne, %convert_element_type3A_231, %cond3A_232 : i32
      scf.if %cond3A_233 {
        %add3A_426 = arith.constant 3 : i32
        %add3A_427 = arith.addi %add3A_193, %add3A_426 : i32
        %add3A_428 = arith.addi %mul3A_2, %add3A_427 : i32
        %mul3A_429 = arith.constant 80 : i32
        %mul3A_430 = arith.muli %add3A_428, %mul3A_429 : i32
        %dma_start3A_431 = arith.constant 3 : i32
        %dma_start3A_432 = arith.constant 0 : i32
        %dma_start3A_433 = tpu.memref_slice %arg8[%dma_start3A_431, %dma_start3A_432] : memref<5x80xi32, #tpu.memory_space<vmem>> -> memref<1x80xi32, #tpu.memory_space<vmem>>
        %dma_start3A_434 = tpu.memref_squeeze %dma_start3A_433 : memref<1x80xi32, #tpu.memory_space<vmem>> -> memref<80xi32, #tpu.memory_space<vmem>>
        %dma_start3A_435 = tpu.memref_slice %arg4[%mul3A_430] : memref<320000xi32, #tpu.memory_space<hbm>> -> memref<80xi32, #tpu.memory_space<hbm>>
        %dma_start3A_436 = arith.constant 0 : i32
        %dma_start3A_437 = tpu.memref_slice %arg8[%dma_start3A_431, %dma_start3A_436] : memref<5x80xi32, #tpu.memory_space<vmem>> -> memref<1x80xi32, #tpu.memory_space<vmem>>
        %dma_start3A_438 = tpu.memref_squeeze %dma_start3A_437 : memref<1x80xi32, #tpu.memory_space<vmem>> -> memref<80xi32, #tpu.memory_space<vmem>>
        %dma_start3A_439 = tpu.memref_slice %arg4[%mul3A_430] : memref<320000xi32, #tpu.memory_space<hbm>> -> memref<80xi32, #tpu.memory_space<hbm>>
        tpu.enqueue_dma source(%dma_start3A_439 : memref<80xi32, #tpu.memory_space<hbm>>) target(%dma_start3A_438 : memref<80xi32, #tpu.memory_space<vmem>>) target_semaphore(%arg23 : memref<!tpu.dma_semaphore, #tpu.memory_space<semaphore_mem>>)
        %dma_wait3A_440 = arith.constant 3 : i32
        %dma_wait3A_441 = arith.constant 0 : i32
        %dma_wait3A_442 = tpu.memref_slice %arg7[%dma_wait3A_440, %dma_wait3A_441] : memref<5x80xi32, #tpu.memory_space<vmem>> -> memref<1x80xi32, #tpu.memory_space<vmem>>
        %dma_wait3A_443 = tpu.memref_squeeze %dma_wait3A_442 : memref<1x80xi32, #tpu.memory_space<vmem>> -> memref<80xi32, #tpu.memory_space<vmem>>
        %dma_wait3A_444 = arith.constant 0 : i32
        %dma_wait3A_445 = tpu.memref_slice %arg3[%dma_wait3A_444] : memref<320000xi32, #tpu.memory_space<hbm>> -> memref<80xi32, #tpu.memory_space<hbm>>
        %dma_wait3A_446 = arith.constant 0 : i32
        %dma_wait3A_447 = tpu.memref_slice %arg7[%dma_wait3A_440, %dma_wait3A_446] : memref<5x80xi32, #tpu.memory_space<vmem>> -> memref<1x80xi32, #tpu.memory_space<vmem>>
        %dma_wait3A_448 = tpu.memref_squeeze %dma_wait3A_447 : memref<1x80xi32, #tpu.memory_space<vmem>> -> memref<80xi32, #tpu.memory_space<vmem>>
        %dma_wait3A_449 = arith.constant 0 : i32
        %dma_wait3A_450 = tpu.memref_slice %arg3[%dma_wait3A_449] : memref<320000xi32, #tpu.memory_space<hbm>> -> memref<80xi32, #tpu.memory_space<hbm>>
        tpu.wait_dma2 semaphore(%arg18 : memref<!tpu.dma_semaphore, #tpu.memory_space<semaphore_mem>>) src(%dma_wait3A_450 : memref<80xi32, #tpu.memory_space<hbm>>) dst(%dma_wait3A_448 : memref<80xi32, #tpu.memory_space<vmem>>)
        %dma_start3A_451 = arith.constant 3 : i32
        %dma_start3A_452 = arith.constant 0 : i32
        %dma_start3A_453 = tpu.memref_slice %arg7[%dma_start3A_451, %dma_start3A_452] : memref<5x80xi32, #tpu.memory_space<vmem>> -> memref<1x80xi32, #tpu.memory_space<vmem>>
        %dma_start3A_454 = tpu.memref_squeeze %dma_start3A_453 : memref<1x80xi32, #tpu.memory_space<vmem>> -> memref<80xi32, #tpu.memory_space<vmem>>
        %dma_start3A_455 = arith.constant 0 : i32
        %dma_start3A_456 = arith.constant 0 : i32
        %dma_start3A_457 = tpu.memref_slice %arg2[%dma_start3A_455, %dma_start3A_456] : memref<10112x64xf32, #tpu.memory_space<hbm>> -> memref<10112x64xf32, #tpu.memory_space<hbm>>
        tpu.enqueue_indirect_dma source(%dma_start3A_457 : memref<10112x64xf32, #tpu.memory_space<hbm>>) target(%arg12 : memref<80x64xf32, #tpu.memory_space<vmem>>) offsets(%dma_start3A_454 : memref<80xi32, #tpu.memory_space<vmem>>) semaphore(%arg28 : memref<!tpu.dma_semaphore, #tpu.memory_space<semaphore_mem>>)
      } else {
      }
      %mul3A_234 = arith.constant 5 : i32
      %mul3A_235 = arith.muli %scan3A_189, %mul3A_234 : i32
      %add3A_236 = arith.constant 1 : i32
      %add3A_237 = arith.addi %mul3A_235, %add3A_236 : i32
      %dma_wait3A_238 = arith.constant 1 : i32
      %dma_wait3A_239 = arith.constant 0 : i32
      %dma_wait3A_240 = tpu.memref_slice %arg7[%dma_wait3A_238, %dma_wait3A_239] : memref<5x80xi32, #tpu.memory_space<vmem>> -> memref<1x80xi32, #tpu.memory_space<vmem>>
      %dma_wait3A_241 = tpu.memref_squeeze %dma_wait3A_240 : memref<1x80xi32, #tpu.memory_space<vmem>> -> memref<80xi32, #tpu.memory_space<vmem>>
      %dma_wait3A_242 = arith.constant 0 : i32
      %dma_wait3A_243 = arith.constant 0 : i32
      %dma_wait3A_244 = tpu.memref_slice %arg2[%dma_wait3A_242, %dma_wait3A_243] : memref<10112x64xf32, #tpu.memory_space<hbm>> -> memref<10112x64xf32, #tpu.memory_space<hbm>>
      tpu.wait_indirect_dma semaphore(%arg26 : memref<!tpu.dma_semaphore, #tpu.memory_space<semaphore_mem>>) src(%dma_wait3A_244 : memref<10112x64xf32, #tpu.memory_space<hbm>>) dst(%arg10 : memref<80x64xf32, #tpu.memory_space<vmem>>)
      %dma_wait3A_245 = arith.constant 1 : i32
      %dma_wait3A_246 = arith.constant 0 : i32
      %dma_wait3A_247 = tpu.memref_slice %arg8[%dma_wait3A_245, %dma_wait3A_246] : memref<5x80xi32, #tpu.memory_space<vmem>> -> memref<1x80xi32, #tpu.memory_space<vmem>>
      %dma_wait3A_248 = tpu.memref_squeeze %dma_wait3A_247 : memref<1x80xi32, #tpu.memory_space<vmem>> -> memref<80xi32, #tpu.memory_space<vmem>>
      %dma_wait3A_249 = arith.constant 0 : i32
      %dma_wait3A_250 = tpu.memref_slice %arg3[%dma_wait3A_249] : memref<320000xi32, #tpu.memory_space<hbm>> -> memref<80xi32, #tpu.memory_space<hbm>>
      %dma_wait3A_251 = arith.constant 0 : i32
      %dma_wait3A_252 = tpu.memref_slice %arg8[%dma_wait3A_245, %dma_wait3A_251] : memref<5x80xi32, #tpu.memory_space<vmem>> -> memref<1x80xi32, #tpu.memory_space<vmem>>
      %dma_wait3A_253 = tpu.memref_squeeze %dma_wait3A_252 : memref<1x80xi32, #tpu.memory_space<vmem>> -> memref<80xi32, #tpu.memory_space<vmem>>
      %dma_wait3A_254 = arith.constant 0 : i32
      %dma_wait3A_255 = tpu.memref_slice %arg3[%dma_wait3A_254] : memref<320000xi32, #tpu.memory_space<hbm>> -> memref<80xi32, #tpu.memory_space<hbm>>
      tpu.wait_dma2 semaphore(%arg21 : memref<!tpu.dma_semaphore, #tpu.memory_space<semaphore_mem>>) src(%dma_wait3A_255 : memref<80xi32, #tpu.memory_space<hbm>>) dst(%dma_wait3A_253 : memref<80xi32, #tpu.memory_space<vmem>>)
      %dma_start3A_256 = arith.constant 1 : i32
      %dma_start3A_257 = arith.constant 0 : i32
      %dma_start3A_258 = tpu.memref_slice %arg8[%dma_start3A_256, %dma_start3A_257] : memref<5x80xi32, #tpu.memory_space<vmem>> -> memref<1x80xi32, #tpu.memory_space<vmem>>
      %dma_start3A_259 = tpu.memref_squeeze %dma_start3A_258 : memref<1x80xi32, #tpu.memory_space<vmem>> -> memref<80xi32, #tpu.memory_space<vmem>>
      %dma_start3A_260 = arith.constant 0 : i32
      %dma_start3A_261 = arith.constant 0 : i32
      %dma_start3A_262 = tpu.memref_slice %arg35[%dma_start3A_260, %dma_start3A_261] : memref<10112x64xf32, #tpu.memory_space<vmem_shared>> -> memref<10112x64xf32, #tpu.memory_space<vmem_shared>>
      tpu.enqueue_indirect_dma source(%arg10 : memref<80x64xf32, #tpu.memory_space<vmem>>) target(%dma_start3A_262 : memref<10112x64xf32, #tpu.memory_space<vmem_shared>>) offsets(%dma_start3A_259 : memref<80xi32, #tpu.memory_space<vmem>>) semaphore(%arg31 : memref<!tpu.dma_semaphore, #tpu.memory_space<semaphore_mem>>) {add = true}
      %add3A_263 = arith.constant 5 : i32
      %add3A_264 = arith.addi %add3A_237, %add3A_263 : i32
      %lt3A_265 = arith.constant 125 : i32
      %lt3A_266 = arith.cmpi slt, %add3A_264, %lt3A_265 : i32
      %convert_element_type3A_267 = arith.extui %lt3A_266 : i1 to i32
      %cond3A_268 = arith.constant 0 : i32
      %cond3A_269 = arith.cmpi ne, %convert_element_type3A_267, %cond3A_268 : i32
      scf.if %cond3A_269 {
        %add3A_426 = arith.constant 5 : i32
        %add3A_427 = arith.addi %add3A_237, %add3A_426 : i32
        %add3A_428 = arith.addi %mul3A_2, %add3A_427 : i32
        %mul3A_429 = arith.constant 80 : i32
        %mul3A_430 = arith.muli %add3A_428, %mul3A_429 : i32
        %dma_start3A_431 = arith.constant 1 : i32
        %dma_start3A_432 = arith.constant 0 : i32
        %dma_start3A_433 = tpu.memref_slice %arg7[%dma_start3A_431, %dma_start3A_432] : memref<5x80xi32, #tpu.memory_space<vmem>> -> memref<1x80xi32, #tpu.memory_space<vmem>>
        %dma_start3A_434 = tpu.memref_squeeze %dma_start3A_433 : memref<1x80xi32, #tpu.memory_space<vmem>> -> memref<80xi32, #tpu.memory_space<vmem>>
        %dma_start3A_435 = tpu.memref_slice %arg3[%mul3A_430] : memref<320000xi32, #tpu.memory_space<hbm>> -> memref<80xi32, #tpu.memory_space<hbm>>
        %dma_start3A_436 = arith.constant 0 : i32
        %dma_start3A_437 = tpu.memref_slice %arg7[%dma_start3A_431, %dma_start3A_436] : memref<5x80xi32, #tpu.memory_space<vmem>> -> memref<1x80xi32, #tpu.memory_space<vmem>>
        %dma_start3A_438 = tpu.memref_squeeze %dma_start3A_437 : memref<1x80xi32, #tpu.memory_space<vmem>> -> memref<80xi32, #tpu.memory_space<vmem>>
        %dma_start3A_439 = tpu.memref_slice %arg3[%mul3A_430] : memref<320000xi32, #tpu.memory_space<hbm>> -> memref<80xi32, #tpu.memory_space<hbm>>
        tpu.enqueue_dma source(%dma_start3A_439 : memref<80xi32, #tpu.memory_space<hbm>>) target(%dma_start3A_438 : memref<80xi32, #tpu.memory_space<vmem>>) target_semaphore(%arg16 : memref<!tpu.dma_semaphore, #tpu.memory_space<semaphore_mem>>)
      } else {
      }
      %ge3A_270 = arith.constant 2 : i32
      %ge3A_271 = arith.cmpi sge, %add3A_237, %ge3A_270 : i32
      %convert_element_type3A_272 = arith.extui %ge3A_271 : i1 to i32
      %cond3A_273 = arith.constant 0 : i32
      %cond3A_274 = arith.cmpi ne, %convert_element_type3A_272, %cond3A_273 : i32
      scf.if %cond3A_274 {
        %dma_wait3A_426 = arith.constant 4 : i32
        %dma_wait3A_427 = arith.constant 0 : i32
        %dma_wait3A_428 = tpu.memref_slice %arg8[%dma_wait3A_426, %dma_wait3A_427] : memref<5x80xi32, #tpu.memory_space<vmem>> -> memref<1x80xi32, #tpu.memory_space<vmem>>
        %dma_wait3A_429 = tpu.memref_squeeze %dma_wait3A_428 : memref<1x80xi32, #tpu.memory_space<vmem>> -> memref<80xi32, #tpu.memory_space<vmem>>
        %dma_wait3A_430 = arith.constant 0 : i32
        %dma_wait3A_431 = arith.constant 0 : i32
        %dma_wait3A_432 = tpu.memref_slice %arg35[%dma_wait3A_430, %dma_wait3A_431] : memref<10112x64xf32, #tpu.memory_space<vmem_shared>> -> memref<10112x64xf32, #tpu.memory_space<vmem_shared>>
        tpu.wait_indirect_dma semaphore(%arg34 : memref<!tpu.dma_semaphore, #tpu.memory_space<semaphore_mem>>) src(%arg13 : memref<80x64xf32, #tpu.memory_space<vmem>>) dst(%dma_wait3A_432 : memref<10112x64xf32, #tpu.memory_space<vmem_shared>>)
      } else {
      }
      %add3A_275 = arith.constant 3 : i32
      %add3A_276 = arith.addi %add3A_237, %add3A_275 : i32
      %lt3A_277 = arith.constant 125 : i32
      %lt3A_278 = arith.cmpi slt, %add3A_276, %lt3A_277 : i32
      %convert_element_type3A_279 = arith.extui %lt3A_278 : i1 to i32
      %cond3A_280 = arith.constant 0 : i32
      %cond3A_281 = arith.cmpi ne, %convert_element_type3A_279, %cond3A_280 : i32
      scf.if %cond3A_281 {
        %add3A_426 = arith.constant 3 : i32
        %add3A_427 = arith.addi %add3A_237, %add3A_426 : i32
        %add3A_428 = arith.addi %mul3A_2, %add3A_427 : i32
        %mul3A_429 = arith.constant 80 : i32
        %mul3A_430 = arith.muli %add3A_428, %mul3A_429 : i32
        %dma_start3A_431 = arith.constant 4 : i32
        %dma_start3A_432 = arith.constant 0 : i32
        %dma_start3A_433 = tpu.memref_slice %arg8[%dma_start3A_431, %dma_start3A_432] : memref<5x80xi32, #tpu.memory_space<vmem>> -> memref<1x80xi32, #tpu.memory_space<vmem>>
        %dma_start3A_434 = tpu.memref_squeeze %dma_start3A_433 : memref<1x80xi32, #tpu.memory_space<vmem>> -> memref<80xi32, #tpu.memory_space<vmem>>
        %dma_start3A_435 = tpu.memref_slice %arg4[%mul3A_430] : memref<320000xi32, #tpu.memory_space<hbm>> -> memref<80xi32, #tpu.memory_space<hbm>>
        %dma_start3A_436 = arith.constant 0 : i32
        %dma_start3A_437 = tpu.memref_slice %arg8[%dma_start3A_431, %dma_start3A_436] : memref<5x80xi32, #tpu.memory_space<vmem>> -> memref<1x80xi32, #tpu.memory_space<vmem>>
        %dma_start3A_438 = tpu.memref_squeeze %dma_start3A_437 : memref<1x80xi32, #tpu.memory_space<vmem>> -> memref<80xi32, #tpu.memory_space<vmem>>
        %dma_start3A_439 = tpu.memref_slice %arg4[%mul3A_430] : memref<320000xi32, #tpu.memory_space<hbm>> -> memref<80xi32, #tpu.memory_space<hbm>>
        tpu.enqueue_dma source(%dma_start3A_439 : memref<80xi32, #tpu.memory_space<hbm>>) target(%dma_start3A_438 : memref<80xi32, #tpu.memory_space<vmem>>) target_semaphore(%arg24 : memref<!tpu.dma_semaphore, #tpu.memory_space<semaphore_mem>>)
        %dma_wait3A_440 = arith.constant 4 : i32
        %dma_wait3A_441 = arith.constant 0 : i32
        %dma_wait3A_442 = tpu.memref_slice %arg7[%dma_wait3A_440, %dma_wait3A_441] : memref<5x80xi32, #tpu.memory_space<vmem>> -> memref<1x80xi32, #tpu.memory_space<vmem>>
        %dma_wait3A_443 = tpu.memref_squeeze %dma_wait3A_442 : memref<1x80xi32, #tpu.memory_space<vmem>> -> memref<80xi32, #tpu.memory_space<vmem>>
        %dma_wait3A_444 = arith.constant 0 : i32
        %dma_wait3A_445 = tpu.memref_slice %arg3[%dma_wait3A_444] : memref<320000xi32, #tpu.memory_space<hbm>> -> memref<80xi32, #tpu.memory_space<hbm>>
        %dma_wait3A_446 = arith.constant 0 : i32
        %dma_wait3A_447 = tpu.memref_slice %arg7[%dma_wait3A_440, %dma_wait3A_446] : memref<5x80xi32, #tpu.memory_space<vmem>> -> memref<1x80xi32, #tpu.memory_space<vmem>>
        %dma_wait3A_448 = tpu.memref_squeeze %dma_wait3A_447 : memref<1x80xi32, #tpu.memory_space<vmem>> -> memref<80xi32, #tpu.memory_space<vmem>>
        %dma_wait3A_449 = arith.constant 0 : i32
        %dma_wait3A_450 = tpu.memref_slice %arg3[%dma_wait3A_449] : memref<320000xi32, #tpu.memory_space<hbm>> -> memref<80xi32, #tpu.memory_space<hbm>>
        tpu.wait_dma2 semaphore(%arg19 : memref<!tpu.dma_semaphore, #tpu.memory_space<semaphore_mem>>) src(%dma_wait3A_450 : memref<80xi32, #tpu.memory_space<hbm>>) dst(%dma_wait3A_448 : memref<80xi32, #tpu.memory_space<vmem>>)
        %dma_start3A_451 = arith.constant 4 : i32
        %dma_start3A_452 = arith.constant 0 : i32
        %dma_start3A_453 = tpu.memref_slice %arg7[%dma_start3A_451, %dma_start3A_452] : memref<5x80xi32, #tpu.memory_space<vmem>> -> memref<1x80xi32, #tpu.memory_space<vmem>>
        %dma_start3A_454 = tpu.memref_squeeze %dma_start3A_453 : memref<1x80xi32, #tpu.memory_space<vmem>> -> memref<80xi32, #tpu.memory_space<vmem>>
        %dma_start3A_455 = arith.constant 0 : i32
        %dma_start3A_456 = arith.constant 0 : i32
        %dma_start3A_457 = tpu.memref_slice %arg2[%dma_start3A_455, %dma_start3A_456] : memref<10112x64xf32, #tpu.memory_space<hbm>> -> memref<10112x64xf32, #tpu.memory_space<hbm>>
        tpu.enqueue_indirect_dma source(%dma_start3A_457 : memref<10112x64xf32, #tpu.memory_space<hbm>>) target(%arg13 : memref<80x64xf32, #tpu.memory_space<vmem>>) offsets(%dma_start3A_454 : memref<80xi32, #tpu.memory_space<vmem>>) semaphore(%arg29 : memref<!tpu.dma_semaphore, #tpu.memory_space<semaphore_mem>>)
      } else {
      }
      %mul3A_282 = arith.constant 5 : i32
      %mul3A_283 = arith.muli %scan3A_189, %mul3A_282 : i32
      %add3A_284 = arith.constant 2 : i32
      %add3A_285 = arith.addi %mul3A_283, %add3A_284 : i32
      %dma_wait3A_286 = arith.constant 2 : i32
      %dma_wait3A_287 = arith.constant 0 : i32
      %dma_wait3A_288 = tpu.memref_slice %arg7[%dma_wait3A_286, %dma_wait3A_287] : memref<5x80xi32, #tpu.memory_space<vmem>> -> memref<1x80xi32, #tpu.memory_space<vmem>>
      %dma_wait3A_289 = tpu.memref_squeeze %dma_wait3A_288 : memref<1x80xi32, #tpu.memory_space<vmem>> -> memref<80xi32, #tpu.memory_space<vmem>>
      %dma_wait3A_290 = arith.constant 0 : i32
      %dma_wait3A_291 = arith.constant 0 : i32
      %dma_wait3A_292 = tpu.memref_slice %arg2[%dma_wait3A_290, %dma_wait3A_291] : memref<10112x64xf32, #tpu.memory_space<hbm>> -> memref<10112x64xf32, #tpu.memory_space<hbm>>
      tpu.wait_indirect_dma semaphore(%arg27 : memref<!tpu.dma_semaphore, #tpu.memory_space<semaphore_mem>>) src(%dma_wait3A_292 : memref<10112x64xf32, #tpu.memory_space<hbm>>) dst(%arg11 : memref<80x64xf32, #tpu.memory_space<vmem>>)
      %dma_wait3A_293 = arith.constant 2 : i32
      %dma_wait3A_294 = arith.constant 0 : i32
      %dma_wait3A_295 = tpu.memref_slice %arg8[%dma_wait3A_293, %dma_wait3A_294] : memref<5x80xi32, #tpu.memory_space<vmem>> -> memref<1x80xi32, #tpu.memory_space<vmem>>
      %dma_wait3A_296 = tpu.memref_squeeze %dma_wait3A_295 : memref<1x80xi32, #tpu.memory_space<vmem>> -> memref<80xi32, #tpu.memory_space<vmem>>
      %dma_wait3A_297 = arith.constant 0 : i32
      %dma_wait3A_298 = tpu.memref_slice %arg3[%dma_wait3A_297] : memref<320000xi32, #tpu.memory_space<hbm>> -> memref<80xi32, #tpu.memory_space<hbm>>
      %dma_wait3A_299 = arith.constant 0 : i32
      %dma_wait3A_300 = tpu.memref_slice %arg8[%dma_wait3A_293, %dma_wait3A_299] : memref<5x80xi32, #tpu.memory_space<vmem>> -> memref<1x80xi32, #tpu.memory_space<vmem>>
      %dma_wait3A_301 = tpu.memref_squeeze %dma_wait3A_300 : memref<1x80xi32, #tpu.memory_space<vmem>> -> memref<80xi32, #tpu.memory_space<vmem>>
      %dma_wait3A_302 = arith.constant 0 : i32
      %dma_wait3A_303 = tpu.memref_slice %arg3[%dma_wait3A_302] : memref<320000xi32, #tpu.memory_space<hbm>> -> memref<80xi32, #tpu.memory_space<hbm>>
      tpu.wait_dma2 semaphore(%arg22 : memref<!tpu.dma_semaphore, #tpu.memory_space<semaphore_mem>>) src(%dma_wait3A_303 : memref<80xi32, #tpu.memory_space<hbm>>) dst(%dma_wait3A_301 : memref<80xi32, #tpu.memory_space<vmem>>)
      %dma_start3A_304 = arith.constant 2 : i32
      %dma_start3A_305 = arith.constant 0 : i32
      %dma_start3A_306 = tpu.memref_slice %arg8[%dma_start3A_304, %dma_start3A_305] : memref<5x80xi32, #tpu.memory_space<vmem>> -> memref<1x80xi32, #tpu.memory_space<vmem>>
      %dma_start3A_307 = tpu.memref_squeeze %dma_start3A_306 : memref<1x80xi32, #tpu.memory_space<vmem>> -> memref<80xi32, #tpu.memory_space<vmem>>
      %dma_start3A_308 = arith.constant 0 : i32
      %dma_start3A_309 = arith.constant 0 : i32
      %dma_start3A_310 = tpu.memref_slice %arg35[%dma_start3A_308, %dma_start3A_309] : memref<10112x64xf32, #tpu.memory_space<vmem_shared>> -> memref<10112x64xf32, #tpu.memory_space<vmem_shared>>
      tpu.enqueue_indirect_dma source(%arg11 : memref<80x64xf32, #tpu.memory_space<vmem>>) target(%dma_start3A_310 : memref<10112x64xf32, #tpu.memory_space<vmem_shared>>) offsets(%dma_start3A_307 : memref<80xi32, #tpu.memory_space<vmem>>) semaphore(%arg32 : memref<!tpu.dma_semaphore, #tpu.memory_space<semaphore_mem>>) {add = true}
      %add3A_311 = arith.constant 5 : i32
      %add3A_312 = arith.addi %add3A_285, %add3A_311 : i32
      %lt3A_313 = arith.constant 125 : i32
      %lt3A_314 = arith.cmpi slt, %add3A_312, %lt3A_313 : i32
      %convert_element_type3A_315 = arith.extui %lt3A_314 : i1 to i32
      %cond3A_316 = arith.constant 0 : i32
      %cond3A_317 = arith.cmpi ne, %convert_element_type3A_315, %cond3A_316 : i32
      scf.if %cond3A_317 {
        %add3A_426 = arith.constant 5 : i32
        %add3A_427 = arith.addi %add3A_285, %add3A_426 : i32
        %add3A_428 = arith.addi %mul3A_2, %add3A_427 : i32
        %mul3A_429 = arith.constant 80 : i32
        %mul3A_430 = arith.muli %add3A_428, %mul3A_429 : i32
        %dma_start3A_431 = arith.constant 2 : i32
        %dma_start3A_432 = arith.constant 0 : i32
        %dma_start3A_433 = tpu.memref_slice %arg7[%dma_start3A_431, %dma_start3A_432] : memref<5x80xi32, #tpu.memory_space<vmem>> -> memref<1x80xi32, #tpu.memory_space<vmem>>
        %dma_start3A_434 = tpu.memref_squeeze %dma_start3A_433 : memref<1x80xi32, #tpu.memory_space<vmem>> -> memref<80xi32, #tpu.memory_space<vmem>>
        %dma_start3A_435 = tpu.memref_slice %arg3[%mul3A_430] : memref<320000xi32, #tpu.memory_space<hbm>> -> memref<80xi32, #tpu.memory_space<hbm>>
        %dma_start3A_436 = arith.constant 0 : i32
        %dma_start3A_437 = tpu.memref_slice %arg7[%dma_start3A_431, %dma_start3A_436] : memref<5x80xi32, #tpu.memory_space<vmem>> -> memref<1x80xi32, #tpu.memory_space<vmem>>
        %dma_start3A_438 = tpu.memref_squeeze %dma_start3A_437 : memref<1x80xi32, #tpu.memory_space<vmem>> -> memref<80xi32, #tpu.memory_space<vmem>>
        %dma_start3A_439 = tpu.memref_slice %arg3[%mul3A_430] : memref<320000xi32, #tpu.memory_space<hbm>> -> memref<80xi32, #tpu.memory_space<hbm>>
        tpu.enqueue_dma source(%dma_start3A_439 : memref<80xi32, #tpu.memory_space<hbm>>) target(%dma_start3A_438 : memref<80xi32, #tpu.memory_space<vmem>>) target_semaphore(%arg17 : memref<!tpu.dma_semaphore, #tpu.memory_space<semaphore_mem>>)
      } else {
      }
      %ge3A_318 = arith.constant 2 : i32
      %ge3A_319 = arith.cmpi sge, %add3A_285, %ge3A_318 : i32
      %convert_element_type3A_320 = arith.extui %ge3A_319 : i1 to i32
      %cond3A_321 = arith.constant 0 : i32
      %cond3A_322 = arith.cmpi ne, %convert_element_type3A_320, %cond3A_321 : i32
      scf.if %cond3A_322 {
        %dma_wait3A_426 = arith.constant 0 : i32
        %dma_wait3A_427 = arith.constant 0 : i32
        %dma_wait3A_428 = tpu.memref_slice %arg8[%dma_wait3A_426, %dma_wait3A_427] : memref<5x80xi32, #tpu.memory_space<vmem>> -> memref<1x80xi32, #tpu.memory_space<vmem>>
        %dma_wait3A_429 = tpu.memref_squeeze %dma_wait3A_428 : memref<1x80xi32, #tpu.memory_space<vmem>> -> memref<80xi32, #tpu.memory_space<vmem>>
        %dma_wait3A_430 = arith.constant 0 : i32
        %dma_wait3A_431 = arith.constant 0 : i32
        %dma_wait3A_432 = tpu.memref_slice %arg35[%dma_wait3A_430, %dma_wait3A_431] : memref<10112x64xf32, #tpu.memory_space<vmem_shared>> -> memref<10112x64xf32, #tpu.memory_space<vmem_shared>>
        tpu.wait_indirect_dma semaphore(%arg30 : memref<!tpu.dma_semaphore, #tpu.memory_space<semaphore_mem>>) src(%arg9 : memref<80x64xf32, #tpu.memory_space<vmem>>) dst(%dma_wait3A_432 : memref<10112x64xf32, #tpu.memory_space<vmem_shared>>)
      } else {
      }
      %add3A_323 = arith.constant 3 : i32
      %add3A_324 = arith.addi %add3A_285, %add3A_323 : i32
      %lt3A_325 = arith.constant 125 : i32
      %lt3A_326 = arith.cmpi slt, %add3A_324, %lt3A_325 : i32
      %convert_element_type3A_327 = arith.extui %lt3A_326 : i1 to i32
      %cond3A_328 = arith.constant 0 : i32
      %cond3A_329 = arith.cmpi ne, %convert_element_type3A_327, %cond3A_328 : i32
      scf.if %cond3A_329 {
        %add3A_426 = arith.constant 3 : i32
        %add3A_427 = arith.addi %add3A_285, %add3A_426 : i32
        %add3A_428 = arith.addi %mul3A_2, %add3A_427 : i32
        %mul3A_429 = arith.constant 80 : i32
        %mul3A_430 = arith.muli %add3A_428, %mul3A_429 : i32
        %dma_start3A_431 = arith.constant 0 : i32
        %dma_start3A_432 = arith.constant 0 : i32
        %dma_start3A_433 = tpu.memref_slice %arg8[%dma_start3A_431, %dma_start3A_432] : memref<5x80xi32, #tpu.memory_space<vmem>> -> memref<1x80xi32, #tpu.memory_space<vmem>>
        %dma_start3A_434 = tpu.memref_squeeze %dma_start3A_433 : memref<1x80xi32, #tpu.memory_space<vmem>> -> memref<80xi32, #tpu.memory_space<vmem>>
        %dma_start3A_435 = tpu.memref_slice %arg4[%mul3A_430] : memref<320000xi32, #tpu.memory_space<hbm>> -> memref<80xi32, #tpu.memory_space<hbm>>
        %dma_start3A_436 = arith.constant 0 : i32
        %dma_start3A_437 = tpu.memref_slice %arg8[%dma_start3A_431, %dma_start3A_436] : memref<5x80xi32, #tpu.memory_space<vmem>> -> memref<1x80xi32, #tpu.memory_space<vmem>>
        %dma_start3A_438 = tpu.memref_squeeze %dma_start3A_437 : memref<1x80xi32, #tpu.memory_space<vmem>> -> memref<80xi32, #tpu.memory_space<vmem>>
        %dma_start3A_439 = tpu.memref_slice %arg4[%mul3A_430] : memref<320000xi32, #tpu.memory_space<hbm>> -> memref<80xi32, #tpu.memory_space<hbm>>
        tpu.enqueue_dma source(%dma_start3A_439 : memref<80xi32, #tpu.memory_space<hbm>>) target(%dma_start3A_438 : memref<80xi32, #tpu.memory_space<vmem>>) target_semaphore(%arg20 : memref<!tpu.dma_semaphore, #tpu.memory_space<semaphore_mem>>)
        %dma_wait3A_440 = arith.constant 0 : i32
        %dma_wait3A_441 = arith.constant 0 : i32
        %dma_wait3A_442 = tpu.memref_slice %arg7[%dma_wait3A_440, %dma_wait3A_441] : memref<5x80xi32, #tpu.memory_space<vmem>> -> memref<1x80xi32, #tpu.memory_space<vmem>>
        %dma_wait3A_443 = tpu.memref_squeeze %dma_wait3A_442 : memref<1x80xi32, #tpu.memory_space<vmem>> -> memref<80xi32, #tpu.memory_space<vmem>>
        %dma_wait3A_444 = arith.constant 0 : i32
        %dma_wait3A_445 = tpu.memref_slice %arg3[%dma_wait3A_444] : memref<320000xi32, #tpu.memory_space<hbm>> -> memref<80xi32, #tpu.memory_space<hbm>>
        %dma_wait3A_446 = arith.constant 0 : i32
        %dma_wait3A_447 = tpu.memref_slice %arg7[%dma_wait3A_440, %dma_wait3A_446] : memref<5x80xi32, #tpu.memory_space<vmem>> -> memref<1x80xi32, #tpu.memory_space<vmem>>
        %dma_wait3A_448 = tpu.memref_squeeze %dma_wait3A_447 : memref<1x80xi32, #tpu.memory_space<vmem>> -> memref<80xi32, #tpu.memory_space<vmem>>
        %dma_wait3A_449 = arith.constant 0 : i32
        %dma_wait3A_450 = tpu.memref_slice %arg3[%dma_wait3A_449] : memref<320000xi32, #tpu.memory_space<hbm>> -> memref<80xi32, #tpu.memory_space<hbm>>
        tpu.wait_dma2 semaphore(%arg15 : memref<!tpu.dma_semaphore, #tpu.memory_space<semaphore_mem>>) src(%dma_wait3A_450 : memref<80xi32, #tpu.memory_space<hbm>>) dst(%dma_wait3A_448 : memref<80xi32, #tpu.memory_space<vmem>>)
        %dma_start3A_451 = arith.constant 0 : i32
        %dma_start3A_452 = arith.constant 0 : i32
        %dma_start3A_453 = tpu.memref_slice %arg7[%dma_start3A_451, %dma_start3A_452] : memref<5x80xi32, #tpu.memory_space<vmem>> -> memref<1x80xi32, #tpu.memory_space<vmem>>
        %dma_start3A_454 = tpu.memref_squeeze %dma_start3A_453 : memref<1x80xi32, #tpu.memory_space<vmem>> -> memref<80xi32, #tpu.memory_space<vmem>>
        %dma_start3A_455 = arith.constant 0 : i32
        %dma_start3A_456 = arith.constant 0 : i32
        %dma_start3A_457 = tpu.memref_slice %arg2[%dma_start3A_455, %dma_start3A_456] : memref<10112x64xf32, #tpu.memory_space<hbm>> -> memref<10112x64xf32, #tpu.memory_space<hbm>>
        tpu.enqueue_indirect_dma source(%dma_start3A_457 : memref<10112x64xf32, #tpu.memory_space<hbm>>) target(%arg9 : memref<80x64xf32, #tpu.memory_space<vmem>>) offsets(%dma_start3A_454 : memref<80xi32, #tpu.memory_space<vmem>>) semaphore(%arg25 : memref<!tpu.dma_semaphore, #tpu.memory_space<semaphore_mem>>)
      } else {
      }
      %mul3A_330 = arith.constant 5 : i32
      %mul3A_331 = arith.muli %scan3A_189, %mul3A_330 : i32
      %add3A_332 = arith.constant 3 : i32
      %add3A_333 = arith.addi %mul3A_331, %add3A_332 : i32
      %dma_wait3A_334 = arith.constant 3 : i32
      %dma_wait3A_335 = arith.constant 0 : i32
      %dma_wait3A_336 = tpu.memref_slice %arg7[%dma_wait3A_334, %dma_wait3A_335] : memref<5x80xi32, #tpu.memory_space<vmem>> -> memref<1x80xi32, #tpu.memory_space<vmem>>
      %dma_wait3A_337 = tpu.memref_squeeze %dma_wait3A_336 : memref<1x80xi32, #tpu.memory_space<vmem>> -> memref<80xi32, #tpu.memory_space<vmem>>
      %dma_wait3A_338 = arith.constant 0 : i32
      %dma_wait3A_339 = arith.constant 0 : i32
      %dma_wait3A_340 = tpu.memref_slice %arg2[%dma_wait3A_338, %dma_wait3A_339] : memref<10112x64xf32, #tpu.memory_space<hbm>> -> memref<10112x64xf32, #tpu.memory_space<hbm>>
      tpu.wait_indirect_dma semaphore(%arg28 : memref<!tpu.dma_semaphore, #tpu.memory_space<semaphore_mem>>) src(%dma_wait3A_340 : memref<10112x64xf32, #tpu.memory_space<hbm>>) dst(%arg12 : memref<80x64xf32, #tpu.memory_space<vmem>>)
      %dma_wait3A_341 = arith.constant 3 : i32
      %dma_wait3A_342 = arith.constant 0 : i32
      %dma_wait3A_343 = tpu.memref_slice %arg8[%dma_wait3A_341, %dma_wait3A_342] : memref<5x80xi32, #tpu.memory_space<vmem>> -> memref<1x80xi32, #tpu.memory_space<vmem>>
      %dma_wait3A_344 = tpu.memref_squeeze %dma_wait3A_343 : memref<1x80xi32, #tpu.memory_space<vmem>> -> memref<80xi32, #tpu.memory_space<vmem>>
      %dma_wait3A_345 = arith.constant 0 : i32
      %dma_wait3A_346 = tpu.memref_slice %arg3[%dma_wait3A_345] : memref<320000xi32, #tpu.memory_space<hbm>> -> memref<80xi32, #tpu.memory_space<hbm>>
      %dma_wait3A_347 = arith.constant 0 : i32
      %dma_wait3A_348 = tpu.memref_slice %arg8[%dma_wait3A_341, %dma_wait3A_347] : memref<5x80xi32, #tpu.memory_space<vmem>> -> memref<1x80xi32, #tpu.memory_space<vmem>>
      %dma_wait3A_349 = tpu.memref_squeeze %dma_wait3A_348 : memref<1x80xi32, #tpu.memory_space<vmem>> -> memref<80xi32, #tpu.memory_space<vmem>>
      %dma_wait3A_350 = arith.constant 0 : i32
      %dma_wait3A_351 = tpu.memref_slice %arg3[%dma_wait3A_350] : memref<320000xi32, #tpu.memory_space<hbm>> -> memref<80xi32, #tpu.memory_space<hbm>>
      tpu.wait_dma2 semaphore(%arg23 : memref<!tpu.dma_semaphore, #tpu.memory_space<semaphore_mem>>) src(%dma_wait3A_351 : memref<80xi32, #tpu.memory_space<hbm>>) dst(%dma_wait3A_349 : memref<80xi32, #tpu.memory_space<vmem>>)
      %dma_start3A_352 = arith.constant 3 : i32
      %dma_start3A_353 = arith.constant 0 : i32
      %dma_start3A_354 = tpu.memref_slice %arg8[%dma_start3A_352, %dma_start3A_353] : memref<5x80xi32, #tpu.memory_space<vmem>> -> memref<1x80xi32, #tpu.memory_space<vmem>>
      %dma_start3A_355 = tpu.memref_squeeze %dma_start3A_354 : memref<1x80xi32, #tpu.memory_space<vmem>> -> memref<80xi32, #tpu.memory_space<vmem>>
      %dma_start3A_356 = arith.constant 0 : i32
      %dma_start3A_357 = arith.constant 0 : i32
      %dma_start3A_358 = tpu.memref_slice %arg35[%dma_start3A_356, %dma_start3A_357] : memref<10112x64xf32, #tpu.memory_space<vmem_shared>> -> memref<10112x64xf32, #tpu.memory_space<vmem_shared>>
      tpu.enqueue_indirect_dma source(%arg12 : memref<80x64xf32, #tpu.memory_space<vmem>>) target(%dma_start3A_358 : memref<10112x64xf32, #tpu.memory_space<vmem_shared>>) offsets(%dma_start3A_355 : memref<80xi32, #tpu.memory_space<vmem>>) semaphore(%arg33 : memref<!tpu.dma_semaphore, #tpu.memory_space<semaphore_mem>>) {add = true}
      %add3A_359 = arith.constant 5 : i32
      %add3A_360 = arith.addi %add3A_333, %add3A_359 : i32
      %lt3A_361 = arith.constant 125 : i32
      %lt3A_362 = arith.cmpi slt, %add3A_360, %lt3A_361 : i32
      %convert_element_type3A_363 = arith.extui %lt3A_362 : i1 to i32
      %cond3A_364 = arith.constant 0 : i32
      %cond3A_365 = arith.cmpi ne, %convert_element_type3A_363, %cond3A_364 : i32
      scf.if %cond3A_365 {
        %add3A_426 = arith.constant 5 : i32
        %add3A_427 = arith.addi %add3A_333, %add3A_426 : i32
        %add3A_428 = arith.addi %mul3A_2, %add3A_427 : i32
        %mul3A_429 = arith.constant 80 : i32
        %mul3A_430 = arith.muli %add3A_428, %mul3A_429 : i32
        %dma_start3A_431 = arith.constant 3 : i32
        %dma_start3A_432 = arith.constant 0 : i32
        %dma_start3A_433 = tpu.memref_slice %arg7[%dma_start3A_431, %dma_start3A_432] : memref<5x80xi32, #tpu.memory_space<vmem>> -> memref<1x80xi32, #tpu.memory_space<vmem>>
        %dma_start3A_434 = tpu.memref_squeeze %dma_start3A_433 : memref<1x80xi32, #tpu.memory_space<vmem>> -> memref<80xi32, #tpu.memory_space<vmem>>
        %dma_start3A_435 = tpu.memref_slice %arg3[%mul3A_430] : memref<320000xi32, #tpu.memory_space<hbm>> -> memref<80xi32, #tpu.memory_space<hbm>>
        %dma_start3A_436 = arith.constant 0 : i32
        %dma_start3A_437 = tpu.memref_slice %arg7[%dma_start3A_431, %dma_start3A_436] : memref<5x80xi32, #tpu.memory_space<vmem>> -> memref<1x80xi32, #tpu.memory_space<vmem>>
        %dma_start3A_438 = tpu.memref_squeeze %dma_start3A_437 : memref<1x80xi32, #tpu.memory_space<vmem>> -> memref<80xi32, #tpu.memory_space<vmem>>
        %dma_start3A_439 = tpu.memref_slice %arg3[%mul3A_430] : memref<320000xi32, #tpu.memory_space<hbm>> -> memref<80xi32, #tpu.memory_space<hbm>>
        tpu.enqueue_dma source(%dma_start3A_439 : memref<80xi32, #tpu.memory_space<hbm>>) target(%dma_start3A_438 : memref<80xi32, #tpu.memory_space<vmem>>) target_semaphore(%arg18 : memref<!tpu.dma_semaphore, #tpu.memory_space<semaphore_mem>>)
      } else {
      }
      %ge3A_366 = arith.constant 2 : i32
      %ge3A_367 = arith.cmpi sge, %add3A_333, %ge3A_366 : i32
      %convert_element_type3A_368 = arith.extui %ge3A_367 : i1 to i32
      %cond3A_369 = arith.constant 0 : i32
      %cond3A_370 = arith.cmpi ne, %convert_element_type3A_368, %cond3A_369 : i32
      scf.if %cond3A_370 {
        %dma_wait3A_426 = arith.constant 1 : i32
        %dma_wait3A_427 = arith.constant 0 : i32
        %dma_wait3A_428 = tpu.memref_slice %arg8[%dma_wait3A_426, %dma_wait3A_427] : memref<5x80xi32, #tpu.memory_space<vmem>> -> memref<1x80xi32, #tpu.memory_space<vmem>>
        %dma_wait3A_429 = tpu.memref_squeeze %dma_wait3A_428 : memref<1x80xi32, #tpu.memory_space<vmem>> -> memref<80xi32, #tpu.memory_space<vmem>>
        %dma_wait3A_430 = arith.constant 0 : i32
        %dma_wait3A_431 = arith.constant 0 : i32
        %dma_wait3A_432 = tpu.memref_slice %arg35[%dma_wait3A_430, %dma_wait3A_431] : memref<10112x64xf32, #tpu.memory_space<vmem_shared>> -> memref<10112x64xf32, #tpu.memory_space<vmem_shared>>
        tpu.wait_indirect_dma semaphore(%arg31 : memref<!tpu.dma_semaphore, #tpu.memory_space<semaphore_mem>>) src(%arg10 : memref<80x64xf32, #tpu.memory_space<vmem>>) dst(%dma_wait3A_432 : memref<10112x64xf32, #tpu.memory_space<vmem_shared>>)
      } else {
      }
      %add3A_371 = arith.constant 3 : i32
      %add3A_372 = arith.addi %add3A_333, %add3A_371 : i32
      %lt3A_373 = arith.constant 125 : i32
      %lt3A_374 = arith.cmpi slt, %add3A_372, %lt3A_373 : i32
      %convert_element_type3A_375 = arith.extui %lt3A_374 : i1 to i32
      %cond3A_376 = arith.constant 0 : i32
      %cond3A_377 = arith.cmpi ne, %convert_element_type3A_375, %cond3A_376 : i32
      scf.if %cond3A_377 {
        %add3A_426 = arith.constant 3 : i32
        %add3A_427 = arith.addi %add3A_333, %add3A_426 : i32
        %add3A_428 = arith.addi %mul3A_2, %add3A_427 : i32
        %mul3A_429 = arith.constant 80 : i32
        %mul3A_430 = arith.muli %add3A_428, %mul3A_429 : i32
        %dma_start3A_431 = arith.constant 1 : i32
        %dma_start3A_432 = arith.constant 0 : i32
        %dma_start3A_433 = tpu.memref_slice %arg8[%dma_start3A_431, %dma_start3A_432] : memref<5x80xi32, #tpu.memory_space<vmem>> -> memref<1x80xi32, #tpu.memory_space<vmem>>
        %dma_start3A_434 = tpu.memref_squeeze %dma_start3A_433 : memref<1x80xi32, #tpu.memory_space<vmem>> -> memref<80xi32, #tpu.memory_space<vmem>>
        %dma_start3A_435 = tpu.memref_slice %arg4[%mul3A_430] : memref<320000xi32, #tpu.memory_space<hbm>> -> memref<80xi32, #tpu.memory_space<hbm>>
        %dma_start3A_436 = arith.constant 0 : i32
        %dma_start3A_437 = tpu.memref_slice %arg8[%dma_start3A_431, %dma_start3A_436] : memref<5x80xi32, #tpu.memory_space<vmem>> -> memref<1x80xi32, #tpu.memory_space<vmem>>
        %dma_start3A_438 = tpu.memref_squeeze %dma_start3A_437 : memref<1x80xi32, #tpu.memory_space<vmem>> -> memref<80xi32, #tpu.memory_space<vmem>>
        %dma_start3A_439 = tpu.memref_slice %arg4[%mul3A_430] : memref<320000xi32, #tpu.memory_space<hbm>> -> memref<80xi32, #tpu.memory_space<hbm>>
        tpu.enqueue_dma source(%dma_start3A_439 : memref<80xi32, #tpu.memory_space<hbm>>) target(%dma_start3A_438 : memref<80xi32, #tpu.memory_space<vmem>>) target_semaphore(%arg21 : memref<!tpu.dma_semaphore, #tpu.memory_space<semaphore_mem>>)
        %dma_wait3A_440 = arith.constant 1 : i32
        %dma_wait3A_441 = arith.constant 0 : i32
        %dma_wait3A_442 = tpu.memref_slice %arg7[%dma_wait3A_440, %dma_wait3A_441] : memref<5x80xi32, #tpu.memory_space<vmem>> -> memref<1x80xi32, #tpu.memory_space<vmem>>
        %dma_wait3A_443 = tpu.memref_squeeze %dma_wait3A_442 : memref<1x80xi32, #tpu.memory_space<vmem>> -> memref<80xi32, #tpu.memory_space<vmem>>
        %dma_wait3A_444 = arith.constant 0 : i32
        %dma_wait3A_445 = tpu.memref_slice %arg3[%dma_wait3A_444] : memref<320000xi32, #tpu.memory_space<hbm>> -> memref<80xi32, #tpu.memory_space<hbm>>
        %dma_wait3A_446 = arith.constant 0 : i32
        %dma_wait3A_447 = tpu.memref_slice %arg7[%dma_wait3A_440, %dma_wait3A_446] : memref<5x80xi32, #tpu.memory_space<vmem>> -> memref<1x80xi32, #tpu.memory_space<vmem>>
        %dma_wait3A_448 = tpu.memref_squeeze %dma_wait3A_447 : memref<1x80xi32, #tpu.memory_space<vmem>> -> memref<80xi32, #tpu.memory_space<vmem>>
        %dma_wait3A_449 = arith.constant 0 : i32
        %dma_wait3A_450 = tpu.memref_slice %arg3[%dma_wait3A_449] : memref<320000xi32, #tpu.memory_space<hbm>> -> memref<80xi32, #tpu.memory_space<hbm>>
        tpu.wait_dma2 semaphore(%arg16 : memref<!tpu.dma_semaphore, #tpu.memory_space<semaphore_mem>>) src(%dma_wait3A_450 : memref<80xi32, #tpu.memory_space<hbm>>) dst(%dma_wait3A_448 : memref<80xi32, #tpu.memory_space<vmem>>)
        %dma_start3A_451 = arith.constant 1 : i32
        %dma_start3A_452 = arith.constant 0 : i32
        %dma_start3A_453 = tpu.memref_slice %arg7[%dma_start3A_451, %dma_start3A_452] : memref<5x80xi32, #tpu.memory_space<vmem>> -> memref<1x80xi32, #tpu.memory_space<vmem>>
        %dma_start3A_454 = tpu.memref_squeeze %dma_start3A_453 : memref<1x80xi32, #tpu.memory_space<vmem>> -> memref<80xi32, #tpu.memory_space<vmem>>
        %dma_start3A_455 = arith.constant 0 : i32
        %dma_start3A_456 = arith.constant 0 : i32
        %dma_start3A_457 = tpu.memref_slice %arg2[%dma_start3A_455, %dma_start3A_456] : memref<10112x64xf32, #tpu.memory_space<hbm>> -> memref<10112x64xf32, #tpu.memory_space<hbm>>
        tpu.enqueue_indirect_dma source(%dma_start3A_457 : memref<10112x64xf32, #tpu.memory_space<hbm>>) target(%arg10 : memref<80x64xf32, #tpu.memory_space<vmem>>) offsets(%dma_start3A_454 : memref<80xi32, #tpu.memory_space<vmem>>) semaphore(%arg26 : memref<!tpu.dma_semaphore, #tpu.memory_space<semaphore_mem>>)
      } else {
      }
      %mul3A_378 = arith.constant 5 : i32
      %mul3A_379 = arith.muli %scan3A_189, %mul3A_378 : i32
      %add3A_380 = arith.constant 4 : i32
      %add3A_381 = arith.addi %mul3A_379, %add3A_380 : i32
      %dma_wait3A_382 = arith.constant 4 : i32
      %dma_wait3A_383 = arith.constant 0 : i32
      %dma_wait3A_384 = tpu.memref_slice %arg7[%dma_wait3A_382, %dma_wait3A_383] : memref<5x80xi32, #tpu.memory_space<vmem>> -> memref<1x80xi32, #tpu.memory_space<vmem>>
      %dma_wait3A_385 = tpu.memref_squeeze %dma_wait3A_384 : memref<1x80xi32, #tpu.memory_space<vmem>> -> memref<80xi32, #tpu.memory_space<vmem>>
      %dma_wait3A_386 = arith.constant 0 : i32
      %dma_wait3A_387 = arith.constant 0 : i32
      %dma_wait3A_388 = tpu.memref_slice %arg2[%dma_wait3A_386, %dma_wait3A_387] : memref<10112x64xf32, #tpu.memory_space<hbm>> -> memref<10112x64xf32, #tpu.memory_space<hbm>>
      tpu.wait_indirect_dma semaphore(%arg29 : memref<!tpu.dma_semaphore, #tpu.memory_space<semaphore_mem>>) src(%dma_wait3A_388 : memref<10112x64xf32, #tpu.memory_space<hbm>>) dst(%arg13 : memref<80x64xf32, #tpu.memory_space<vmem>>)
      %dma_wait3A_389 = arith.constant 4 : i32
      %dma_wait3A_390 = arith.constant 0 : i32
      %dma_wait3A_391 = tpu.memref_slice %arg8[%dma_wait3A_389, %dma_wait3A_390] : memref<5x80xi32, #tpu.memory_space<vmem>> -> memref<1x80xi32, #tpu.memory_space<vmem>>
      %dma_wait3A_392 = tpu.memref_squeeze %dma_wait3A_391 : memref<1x80xi32, #tpu.memory_space<vmem>> -> memref<80xi32, #tpu.memory_space<vmem>>
      %dma_wait3A_393 = arith.constant 0 : i32
      %dma_wait3A_394 = tpu.memref_slice %arg3[%dma_wait3A_393] : memref<320000xi32, #tpu.memory_space<hbm>> -> memref<80xi32, #tpu.memory_space<hbm>>
      %dma_wait3A_395 = arith.constant 0 : i32
      %dma_wait3A_396 = tpu.memref_slice %arg8[%dma_wait3A_389, %dma_wait3A_395] : memref<5x80xi32, #tpu.memory_space<vmem>> -> memref<1x80xi32, #tpu.memory_space<vmem>>
      %dma_wait3A_397 = tpu.memref_squeeze %dma_wait3A_396 : memref<1x80xi32, #tpu.memory_space<vmem>> -> memref<80xi32, #tpu.memory_space<vmem>>
      %dma_wait3A_398 = arith.constant 0 : i32
      %dma_wait3A_399 = tpu.memref_slice %arg3[%dma_wait3A_398] : memref<320000xi32, #tpu.memory_space<hbm>> -> memref<80xi32, #tpu.memory_space<hbm>>
      tpu.wait_dma2 semaphore(%arg24 : memref<!tpu.dma_semaphore, #tpu.memory_space<semaphore_mem>>) src(%dma_wait3A_399 : memref<80xi32, #tpu.memory_space<hbm>>) dst(%dma_wait3A_397 : memref<80xi32, #tpu.memory_space<vmem>>)
      %dma_start3A_400 = arith.constant 4 : i32
      %dma_start3A_401 = arith.constant 0 : i32
      %dma_start3A_402 = tpu.memref_slice %arg8[%dma_start3A_400, %dma_start3A_401] : memref<5x80xi32, #tpu.memory_space<vmem>> -> memref<1x80xi32, #tpu.memory_space<vmem>>
      %dma_start3A_403 = tpu.memref_squeeze %dma_start3A_402 : memref<1x80xi32, #tpu.memory_space<vmem>> -> memref<80xi32, #tpu.memory_space<vmem>>
      %dma_start3A_404 = arith.constant 0 : i32
      %dma_start3A_405 = arith.constant 0 : i32
      %dma_start3A_406 = tpu.memref_slice %arg35[%dma_start3A_404, %dma_start3A_405] : memref<10112x64xf32, #tpu.memory_space<vmem_shared>> -> memref<10112x64xf32, #tpu.memory_space<vmem_shared>>
      tpu.enqueue_indirect_dma source(%arg13 : memref<80x64xf32, #tpu.memory_space<vmem>>) target(%dma_start3A_406 : memref<10112x64xf32, #tpu.memory_space<vmem_shared>>) offsets(%dma_start3A_403 : memref<80xi32, #tpu.memory_space<vmem>>) semaphore(%arg34 : memref<!tpu.dma_semaphore, #tpu.memory_space<semaphore_mem>>) {add = true}
      %add3A_407 = arith.constant 5 : i32
      %add3A_408 = arith.addi %add3A_381, %add3A_407 : i32
      %lt3A_409 = arith.constant 125 : i32
      %lt3A_410 = arith.cmpi slt, %add3A_408, %lt3A_409 : i32
      %convert_element_type3A_411 = arith.extui %lt3A_410 : i1 to i32
      %cond3A_412 = arith.constant 0 : i32
      %cond3A_413 = arith.cmpi ne, %convert_element_type3A_411, %cond3A_412 : i32
      scf.if %cond3A_413 {
        %add3A_426 = arith.constant 5 : i32
        %add3A_427 = arith.addi %add3A_381, %add3A_426 : i32
        %add3A_428 = arith.addi %mul3A_2, %add3A_427 : i32
        %mul3A_429 = arith.constant 80 : i32
        %mul3A_430 = arith.muli %add3A_428, %mul3A_429 : i32
        %dma_start3A_431 = arith.constant 4 : i32
        %dma_start3A_432 = arith.constant 0 : i32
        %dma_start3A_433 = tpu.memref_slice %arg7[%dma_start3A_431, %dma_start3A_432] : memref<5x80xi32, #tpu.memory_space<vmem>> -> memref<1x80xi32, #tpu.memory_space<vmem>>
        %dma_start3A_434 = tpu.memref_squeeze %dma_start3A_433 : memref<1x80xi32, #tpu.memory_space<vmem>> -> memref<80xi32, #tpu.memory_space<vmem>>
        %dma_start3A_435 = tpu.memref_slice %arg3[%mul3A_430] : memref<320000xi32, #tpu.memory_space<hbm>> -> memref<80xi32, #tpu.memory_space<hbm>>
        %dma_start3A_436 = arith.constant 0 : i32
        %dma_start3A_437 = tpu.memref_slice %arg7[%dma_start3A_431, %dma_start3A_436] : memref<5x80xi32, #tpu.memory_space<vmem>> -> memref<1x80xi32, #tpu.memory_space<vmem>>
        %dma_start3A_438 = tpu.memref_squeeze %dma_start3A_437 : memref<1x80xi32, #tpu.memory_space<vmem>> -> memref<80xi32, #tpu.memory_space<vmem>>
        %dma_start3A_439 = tpu.memref_slice %arg3[%mul3A_430] : memref<320000xi32, #tpu.memory_space<hbm>> -> memref<80xi32, #tpu.memory_space<hbm>>
        tpu.enqueue_dma source(%dma_start3A_439 : memref<80xi32, #tpu.memory_space<hbm>>) target(%dma_start3A_438 : memref<80xi32, #tpu.memory_space<vmem>>) target_semaphore(%arg19 : memref<!tpu.dma_semaphore, #tpu.memory_space<semaphore_mem>>)
      } else {
      }
      %ge3A_414 = arith.constant 2 : i32
      %ge3A_415 = arith.cmpi sge, %add3A_381, %ge3A_414 : i32
      %convert_element_type3A_416 = arith.extui %ge3A_415 : i1 to i32
      %cond3A_417 = arith.constant 0 : i32
      %cond3A_418 = arith.cmpi ne, %convert_element_type3A_416, %cond3A_417 : i32
      scf.if %cond3A_418 {
        %dma_wait3A_426 = arith.constant 2 : i32
        %dma_wait3A_427 = arith.constant 0 : i32
        %dma_wait3A_428 = tpu.memref_slice %arg8[%dma_wait3A_426, %dma_wait3A_427] : memref<5x80xi32, #tpu.memory_space<vmem>> -> memref<1x80xi32, #tpu.memory_space<vmem>>
        %dma_wait3A_429 = tpu.memref_squeeze %dma_wait3A_428 : memref<1x80xi32, #tpu.memory_space<vmem>> -> memref<80xi32, #tpu.memory_space<vmem>>
        %dma_wait3A_430 = arith.constant 0 : i32
        %dma_wait3A_431 = arith.constant 0 : i32
        %dma_wait3A_432 = tpu.memref_slice %arg35[%dma_wait3A_430, %dma_wait3A_431] : memref<10112x64xf32, #tpu.memory_space<vmem_shared>> -> memref<10112x64xf32, #tpu.memory_space<vmem_shared>>
        tpu.wait_indirect_dma semaphore(%arg32 : memref<!tpu.dma_semaphore, #tpu.memory_space<semaphore_mem>>) src(%arg11 : memref<80x64xf32, #tpu.memory_space<vmem>>) dst(%dma_wait3A_432 : memref<10112x64xf32, #tpu.memory_space<vmem_shared>>)
      } else {
      }
      %add3A_419 = arith.constant 3 : i32
      %add3A_420 = arith.addi %add3A_381, %add3A_419 : i32
      %lt3A_421 = arith.constant 125 : i32
      %lt3A_422 = arith.cmpi slt, %add3A_420, %lt3A_421 : i32
      %convert_element_type3A_423 = arith.extui %lt3A_422 : i1 to i32
      %cond3A_424 = arith.constant 0 : i32
      %cond3A_425 = arith.cmpi ne, %convert_element_type3A_423, %cond3A_424 : i32
      scf.if %cond3A_425 {
        %add3A_426 = arith.constant 3 : i32
        %add3A_427 = arith.addi %add3A_381, %add3A_426 : i32
        %add3A_428 = arith.addi %mul3A_2, %add3A_427 : i32
        %mul3A_429 = arith.constant 80 : i32
        %mul3A_430 = arith.muli %add3A_428, %mul3A_429 : i32
        %dma_start3A_431 = arith.constant 2 : i32
        %dma_start3A_432 = arith.constant 0 : i32
        %dma_start3A_433 = tpu.memref_slice %arg8[%dma_start3A_431, %dma_start3A_432] : memref<5x80xi32, #tpu.memory_space<vmem>> -> memref<1x80xi32, #tpu.memory_space<vmem>>
        %dma_start3A_434 = tpu.memref_squeeze %dma_start3A_433 : memref<1x80xi32, #tpu.memory_space<vmem>> -> memref<80xi32, #tpu.memory_space<vmem>>
        %dma_start3A_435 = tpu.memref_slice %arg4[%mul3A_430] : memref<320000xi32, #tpu.memory_space<hbm>> -> memref<80xi32, #tpu.memory_space<hbm>>
        %dma_start3A_436 = arith.constant 0 : i32
        %dma_start3A_437 = tpu.memref_slice %arg8[%dma_start3A_431, %dma_start3A_436] : memref<5x80xi32, #tpu.memory_space<vmem>> -> memref<1x80xi32, #tpu.memory_space<vmem>>
        %dma_start3A_438 = tpu.memref_squeeze %dma_start3A_437 : memref<1x80xi32, #tpu.memory_space<vmem>> -> memref<80xi32, #tpu.memory_space<vmem>>
        %dma_start3A_439 = tpu.memref_slice %arg4[%mul3A_430] : memref<320000xi32, #tpu.memory_space<hbm>> -> memref<80xi32, #tpu.memory_space<hbm>>
        tpu.enqueue_dma source(%dma_start3A_439 : memref<80xi32, #tpu.memory_space<hbm>>) target(%dma_start3A_438 : memref<80xi32, #tpu.memory_space<vmem>>) target_semaphore(%arg22 : memref<!tpu.dma_semaphore, #tpu.memory_space<semaphore_mem>>)
        %dma_wait3A_440 = arith.constant 2 : i32
        %dma_wait3A_441 = arith.constant 0 : i32
        %dma_wait3A_442 = tpu.memref_slice %arg7[%dma_wait3A_440, %dma_wait3A_441] : memref<5x80xi32, #tpu.memory_space<vmem>> -> memref<1x80xi32, #tpu.memory_space<vmem>>
        %dma_wait3A_443 = tpu.memref_squeeze %dma_wait3A_442 : memref<1x80xi32, #tpu.memory_space<vmem>> -> memref<80xi32, #tpu.memory_space<vmem>>
        %dma_wait3A_444 = arith.constant 0 : i32
        %dma_wait3A_445 = tpu.memref_slice %arg3[%dma_wait3A_444] : memref<320000xi32, #tpu.memory_space<hbm>> -> memref<80xi32, #tpu.memory_space<hbm>>
        %dma_wait3A_446 = arith.constant 0 : i32
        %dma_wait3A_447 = tpu.memref_slice %arg7[%dma_wait3A_440, %dma_wait3A_446] : memref<5x80xi32, #tpu.memory_space<vmem>> -> memref<1x80xi32, #tpu.memory_space<vmem>>
        %dma_wait3A_448 = tpu.memref_squeeze %dma_wait3A_447 : memref<1x80xi32, #tpu.memory_space<vmem>> -> memref<80xi32, #tpu.memory_space<vmem>>
        %dma_wait3A_449 = arith.constant 0 : i32
        %dma_wait3A_450 = tpu.memref_slice %arg3[%dma_wait3A_449] : memref<320000xi32, #tpu.memory_space<hbm>> -> memref<80xi32, #tpu.memory_space<hbm>>
        tpu.wait_dma2 semaphore(%arg17 : memref<!tpu.dma_semaphore, #tpu.memory_space<semaphore_mem>>) src(%dma_wait3A_450 : memref<80xi32, #tpu.memory_space<hbm>>) dst(%dma_wait3A_448 : memref<80xi32, #tpu.memory_space<vmem>>)
        %dma_start3A_451 = arith.constant 2 : i32
        %dma_start3A_452 = arith.constant 0 : i32
        %dma_start3A_453 = tpu.memref_slice %arg7[%dma_start3A_451, %dma_start3A_452] : memref<5x80xi32, #tpu.memory_space<vmem>> -> memref<1x80xi32, #tpu.memory_space<vmem>>
        %dma_start3A_454 = tpu.memref_squeeze %dma_start3A_453 : memref<1x80xi32, #tpu.memory_space<vmem>> -> memref<80xi32, #tpu.memory_space<vmem>>
        %dma_start3A_455 = arith.constant 0 : i32
        %dma_start3A_456 = arith.constant 0 : i32
        %dma_start3A_457 = tpu.memref_slice %arg2[%dma_start3A_455, %dma_start3A_456] : memref<10112x64xf32, #tpu.memory_space<hbm>> -> memref<10112x64xf32, #tpu.memory_space<hbm>>
        tpu.enqueue_indirect_dma source(%dma_start3A_457 : memref<10112x64xf32, #tpu.memory_space<hbm>>) target(%arg11 : memref<80x64xf32, #tpu.memory_space<vmem>>) offsets(%dma_start3A_454 : memref<80xi32, #tpu.memory_space<vmem>>) semaphore(%arg27 : memref<!tpu.dma_semaphore, #tpu.memory_space<semaphore_mem>>)
      } else {
      }
    }
    %scan3A_169 = arith.constant 25 : i32
    %dma_wait3A_170 = arith.constant 3 : i32
    %dma_wait3A_171 = arith.constant 0 : i32
    %dma_wait3A_172 = tpu.memref_slice %arg8[%dma_wait3A_170, %dma_wait3A_171] : memref<5x80xi32, #tpu.memory_space<vmem>> -> memref<1x80xi32, #tpu.memory_space<vmem>>
    %dma_wait3A_173 = tpu.memref_squeeze %dma_wait3A_172 : memref<1x80xi32, #tpu.memory_space<vmem>> -> memref<80xi32, #tpu.memory_space<vmem>>
    %dma_wait3A_174 = arith.constant 0 : i32
    %dma_wait3A_175 = arith.constant 0 : i32
    %dma_wait3A_176 = tpu.memref_slice %arg35[%dma_wait3A_174, %dma_wait3A_175] : memref<10112x64xf32, #tpu.memory_space<vmem_shared>> -> memref<10112x64xf32, #tpu.memory_space<vmem_shared>>
    tpu.wait_indirect_dma semaphore(%arg33 : memref<!tpu.dma_semaphore, #tpu.memory_space<semaphore_mem>>) src(%arg12 : memref<80x64xf32, #tpu.memory_space<vmem>>) dst(%dma_wait3A_176 : memref<10112x64xf32, #tpu.memory_space<vmem_shared>>)
    %dma_wait3A_177 = arith.constant 4 : i32
    %dma_wait3A_178 = arith.constant 0 : i32
    %dma_wait3A_179 = tpu.memref_slice %arg8[%dma_wait3A_177, %dma_wait3A_178] : memref<5x80xi32, #tpu.memory_space<vmem>> -> memref<1x80xi32, #tpu.memory_space<vmem>>
    %dma_wait3A_180 = tpu.memref_squeeze %dma_wait3A_179 : memref<1x80xi32, #tpu.memory_space<vmem>> -> memref<80xi32, #tpu.memory_space<vmem>>
    %dma_wait3A_181 = arith.constant 0 : i32
    %dma_wait3A_182 = arith.constant 0 : i32
    %dma_wait3A_183 = tpu.memref_slice %arg35[%dma_wait3A_181, %dma_wait3A_182] : memref<10112x64xf32, #tpu.memory_space<vmem_shared>> -> memref<10112x64xf32, #tpu.memory_space<vmem_shared>>
    tpu.wait_indirect_dma semaphore(%arg34 : memref<!tpu.dma_semaphore, #tpu.memory_space<semaphore_mem>>) src(%arg13 : memref<80x64xf32, #tpu.memory_space<vmem>>) dst(%dma_wait3A_183 : memref<10112x64xf32, #tpu.memory_space<vmem_shared>>)
    %barrier3A_184 = arith.constant 0 : index
    tpu.barrier barrier_id(%barrier3A_184)
    %mul3A_185 = arith.constant 632 : i32
    %mul3A_186 = arith.muli %arg1, %mul3A_185 : i32
    %mul3A_187 = arith.constant 632 : i32
    %mul3A_188 = arith.muli %arg1, %mul3A_187 : i32
    "tpu.region"() ({
      %run_scoped3A = tpu.sem_alloc : memref<!tpu.dma_semaphore, #tpu.memory_space<semaphore_mem>>
      %dma_start3A_189 = arith.constant 0 : i32
      %dma_start3A_190 = tpu.memref_slice %arg6[%arg0, %mul3A_188, %dma_start3A_189] : memref<2x10112x64xf32, #tpu.memory_space<hbm>> -> memref<1x632x64xf32, #tpu.memory_space<hbm>>
      %dma_start3A_191 = tpu.memref_squeeze %dma_start3A_190 : memref<1x632x64xf32, #tpu.memory_space<hbm>> -> memref<632x64xf32, #tpu.memory_space<hbm>>
      %dma_start3A_192 = arith.constant 0 : i32
      %dma_start3A_193 = tpu.memref_slice %arg35[%mul3A_186, %dma_start3A_192] : memref<10112x64xf32, #tpu.memory_space<vmem_shared>> -> memref<632x64xf32, #tpu.memory_space<vmem_shared>>
      tpu.enqueue_dma source(%dma_start3A_193 : memref<632x64xf32, #tpu.memory_space<vmem_shared>>) target(%dma_start3A_191 : memref<632x64xf32, #tpu.memory_space<hbm>>) target_semaphore(%run_scoped3A : memref<!tpu.dma_semaphore, #tpu.memory_space<semaphore_mem>>)
      %dma_wait3A_194 = arith.constant 0 : i32
      %dma_wait3A_195 = tpu.memref_slice %arg6[%arg0, %mul3A_188, %dma_wait3A_194] : memref<2x10112x64xf32, #tpu.memory_space<hbm>> -> memref<1x632x64xf32, #tpu.memory_space<hbm>>
      %dma_wait3A_196 = tpu.memref_squeeze %dma_wait3A_195 : memref<1x632x64xf32, #tpu.memory_space<hbm>> -> memref<632x64xf32, #tpu.memory_space<hbm>>
      %dma_wait3A_197 = arith.constant 0 : i32
      %dma_wait3A_198 = tpu.memref_slice %arg35[%mul3A_186, %dma_wait3A_197] : memref<10112x64xf32, #tpu.memory_space<vmem_shared>> -> memref<632x64xf32, #tpu.memory_space<vmem_shared>>
      tpu.wait_dma2 semaphore(%run_scoped3A : memref<!tpu.dma_semaphore, #tpu.memory_space<semaphore_mem>>) src(%dma_wait3A_198 : memref<632x64xf32, #tpu.memory_space<vmem_shared>>) dst(%dma_wait3A_196 : memref<632x64xf32, #tpu.memory_space<hbm>>)
      tpu.yield
    }) : () -> ()
    return
  }
}

#map = affine_map<(d0, d1) -> (0, 0)>
#map1 = affine_map<(d0, d1) -> (0)>
#map2 = affine_map<(d0, d1) -> (0, 0, 0)>
module attributes {stable_mosaic.version = 14 : i64} {
  func.func @_prop_body(%arg0: i32, %arg1: i32, %arg2: memref<10112x128xf32, #tpu.memory_space<hbm>>, %arg3: memref<320000xi32, #tpu.memory_space<hbm>>, %arg4: memref<320000xi32, #tpu.memory_space<hbm>>, %arg5: memref<632x128xf32, #tpu.memory_space<hbm>>, %arg6: memref<2x10112x128xf32, #tpu.memory_space<hbm>>, %arg7: memref<5x40xi32, #tpu.memory_space<vmem>>, %arg8: memref<5x40xi32, #tpu.memory_space<vmem>>, %arg9: memref<40x128xf32, #tpu.memory_space<vmem>>, %arg10: memref<40x128xf32, #tpu.memory_space<vmem>>, %arg11: memref<40x128xf32, #tpu.memory_space<vmem>>, %arg12: memref<40x128xf32, #tpu.memory_space<vmem>>, %arg13: memref<40x128xf32, #tpu.memory_space<vmem>>, %arg14: memref<!tpu.dma_semaphore, #tpu.memory_space<semaphore_mem>>, %arg15: memref<!tpu.dma_semaphore, #tpu.memory_space<semaphore_mem>>, %arg16: memref<!tpu.dma_semaphore, #tpu.memory_space<semaphore_mem>>, %arg17: memref<!tpu.dma_semaphore, #tpu.memory_space<semaphore_mem>>, %arg18: memref<!tpu.dma_semaphore, #tpu.memory_space<semaphore_mem>>, %arg19: memref<!tpu.dma_semaphore, #tpu.memory_space<semaphore_mem>>, %arg20: memref<!tpu.dma_semaphore, #tpu.memory_space<semaphore_mem>>, %arg21: memref<!tpu.dma_semaphore, #tpu.memory_space<semaphore_mem>>, %arg22: memref<!tpu.dma_semaphore, #tpu.memory_space<semaphore_mem>>, %arg23: memref<!tpu.dma_semaphore, #tpu.memory_space<semaphore_mem>>, %arg24: memref<!tpu.dma_semaphore, #tpu.memory_space<semaphore_mem>>, %arg25: memref<!tpu.dma_semaphore, #tpu.memory_space<semaphore_mem>>, %arg26: memref<!tpu.dma_semaphore, #tpu.memory_space<semaphore_mem>>, %arg27: memref<!tpu.dma_semaphore, #tpu.memory_space<semaphore_mem>>, %arg28: memref<!tpu.dma_semaphore, #tpu.memory_space<semaphore_mem>>, %arg29: memref<!tpu.dma_semaphore, #tpu.memory_space<semaphore_mem>>, %arg30: memref<!tpu.dma_semaphore, #tpu.memory_space<semaphore_mem>>, %arg31: memref<!tpu.dma_semaphore, #tpu.memory_space<semaphore_mem>>, %arg32: memref<!tpu.dma_semaphore, #tpu.memory_space<semaphore_mem>>, %arg33: memref<!tpu.dma_semaphore, #tpu.memory_space<semaphore_mem>>, %arg34: memref<!tpu.dma_semaphore, #tpu.memory_space<semaphore_mem>>, %arg35: memref<10112x128xf32, #tpu.memory_space<vmem_shared>>) attributes {dimension_semantics = [#tpu.dimension_semantics<core_parallel>, #tpu.dimension_semantics<subcore_parallel>], iteration_bounds = array<i64: 2, 16>, scalar_prefetch = 0 : i64, scratch_operands = 29 : i64, tpu.core_type = #tpu.core_type<sc_vector_subcore>, window_params = [{transform_indices = #map}, {transform_indices = #map1}, {transform_indices = #map1}, {transform_indices = #map}, {transform_indices = #map2}]} {
    %mul3A = arith.constant 16 : i32
    %mul3A_0 = arith.muli %arg0, %mul3A : i32
    %add3A = arith.addi %mul3A_0, %arg1 : i32
    %mul3A_1 = arith.constant 250 : i32
    %mul3A_2 = arith.muli %add3A, %mul3A_1 : i32
    %mul3A_3 = arith.constant 632 : i32
    %mul3A_4 = arith.muli %arg1, %mul3A_3 : i32
    %dma_start3A = arith.constant 0 : i32
    %dma_start3A_5 = tpu.memref_slice %arg35[%mul3A_4, %dma_start3A] : memref<10112x128xf32, #tpu.memory_space<vmem_shared>> -> memref<632x128xf32, #tpu.memory_space<vmem_shared>>
    tpu.enqueue_dma source(%arg5 : memref<632x128xf32, #tpu.memory_space<hbm>>) target(%dma_start3A_5 : memref<632x128xf32, #tpu.memory_space<vmem_shared>>) target_semaphore(%arg14 : memref<!tpu.dma_semaphore, #tpu.memory_space<semaphore_mem>>)
    %add3A_6 = arith.constant 0 : i32
    %add3A_7 = arith.addi %mul3A_2, %add3A_6 : i32
    %mul3A_8 = arith.constant 40 : i32
    %mul3A_9 = arith.muli %add3A_7, %mul3A_8 : i32
    %dma_start3A_10 = arith.constant 0 : i32
    %dma_start3A_11 = arith.constant 0 : i32
    %dma_start3A_12 = tpu.memref_slice %arg7[%dma_start3A_10, %dma_start3A_11] : memref<5x40xi32, #tpu.memory_space<vmem>> -> memref<1x40xi32, #tpu.memory_space<vmem>>
    %dma_start3A_13 = tpu.memref_squeeze %dma_start3A_12 : memref<1x40xi32, #tpu.memory_space<vmem>> -> memref<40xi32, #tpu.memory_space<vmem>>
    %dma_start3A_14 = tpu.memref_slice %arg3[%mul3A_9] : memref<320000xi32, #tpu.memory_space<hbm>> -> memref<40xi32, #tpu.memory_space<hbm>>
    %dma_start3A_15 = arith.constant 0 : i32
    %dma_start3A_16 = tpu.memref_slice %arg7[%dma_start3A_10, %dma_start3A_15] : memref<5x40xi32, #tpu.memory_space<vmem>> -> memref<1x40xi32, #tpu.memory_space<vmem>>
    %dma_start3A_17 = tpu.memref_squeeze %dma_start3A_16 : memref<1x40xi32, #tpu.memory_space<vmem>> -> memref<40xi32, #tpu.memory_space<vmem>>
    %dma_start3A_18 = tpu.memref_slice %arg3[%mul3A_9] : memref<320000xi32, #tpu.memory_space<hbm>> -> memref<40xi32, #tpu.memory_space<hbm>>
    tpu.enqueue_dma source(%dma_start3A_18 : memref<40xi32, #tpu.memory_space<hbm>>) target(%dma_start3A_17 : memref<40xi32, #tpu.memory_space<vmem>>) target_semaphore(%arg15 : memref<!tpu.dma_semaphore, #tpu.memory_space<semaphore_mem>>)
    %add3A_19 = arith.constant 1 : i32
    %add3A_20 = arith.addi %mul3A_2, %add3A_19 : i32
    %mul3A_21 = arith.constant 40 : i32
    %mul3A_22 = arith.muli %add3A_20, %mul3A_21 : i32
    %dma_start3A_23 = arith.constant 1 : i32
    %dma_start3A_24 = arith.constant 0 : i32
    %dma_start3A_25 = tpu.memref_slice %arg7[%dma_start3A_23, %dma_start3A_24] : memref<5x40xi32, #tpu.memory_space<vmem>> -> memref<1x40xi32, #tpu.memory_space<vmem>>
    %dma_start3A_26 = tpu.memref_squeeze %dma_start3A_25 : memref<1x40xi32, #tpu.memory_space<vmem>> -> memref<40xi32, #tpu.memory_space<vmem>>
    %dma_start3A_27 = tpu.memref_slice %arg3[%mul3A_22] : memref<320000xi32, #tpu.memory_space<hbm>> -> memref<40xi32, #tpu.memory_space<hbm>>
    %dma_start3A_28 = arith.constant 0 : i32
    %dma_start3A_29 = tpu.memref_slice %arg7[%dma_start3A_23, %dma_start3A_28] : memref<5x40xi32, #tpu.memory_space<vmem>> -> memref<1x40xi32, #tpu.memory_space<vmem>>
    %dma_start3A_30 = tpu.memref_squeeze %dma_start3A_29 : memref<1x40xi32, #tpu.memory_space<vmem>> -> memref<40xi32, #tpu.memory_space<vmem>>
    %dma_start3A_31 = tpu.memref_slice %arg3[%mul3A_22] : memref<320000xi32, #tpu.memory_space<hbm>> -> memref<40xi32, #tpu.memory_space<hbm>>
    tpu.enqueue_dma source(%dma_start3A_31 : memref<40xi32, #tpu.memory_space<hbm>>) target(%dma_start3A_30 : memref<40xi32, #tpu.memory_space<vmem>>) target_semaphore(%arg16 : memref<!tpu.dma_semaphore, #tpu.memory_space<semaphore_mem>>)
    %add3A_32 = arith.constant 2 : i32
    %add3A_33 = arith.addi %mul3A_2, %add3A_32 : i32
    %mul3A_34 = arith.constant 40 : i32
    %mul3A_35 = arith.muli %add3A_33, %mul3A_34 : i32
    %dma_start3A_36 = arith.constant 2 : i32
    %dma_start3A_37 = arith.constant 0 : i32
    %dma_start3A_38 = tpu.memref_slice %arg7[%dma_start3A_36, %dma_start3A_37] : memref<5x40xi32, #tpu.memory_space<vmem>> -> memref<1x40xi32, #tpu.memory_space<vmem>>
    %dma_start3A_39 = tpu.memref_squeeze %dma_start3A_38 : memref<1x40xi32, #tpu.memory_space<vmem>> -> memref<40xi32, #tpu.memory_space<vmem>>
    %dma_start3A_40 = tpu.memref_slice %arg3[%mul3A_35] : memref<320000xi32, #tpu.memory_space<hbm>> -> memref<40xi32, #tpu.memory_space<hbm>>
    %dma_start3A_41 = arith.constant 0 : i32
    %dma_start3A_42 = tpu.memref_slice %arg7[%dma_start3A_36, %dma_start3A_41] : memref<5x40xi32, #tpu.memory_space<vmem>> -> memref<1x40xi32, #tpu.memory_space<vmem>>
    %dma_start3A_43 = tpu.memref_squeeze %dma_start3A_42 : memref<1x40xi32, #tpu.memory_space<vmem>> -> memref<40xi32, #tpu.memory_space<vmem>>
    %dma_start3A_44 = tpu.memref_slice %arg3[%mul3A_35] : memref<320000xi32, #tpu.memory_space<hbm>> -> memref<40xi32, #tpu.memory_space<hbm>>
    tpu.enqueue_dma source(%dma_start3A_44 : memref<40xi32, #tpu.memory_space<hbm>>) target(%dma_start3A_43 : memref<40xi32, #tpu.memory_space<vmem>>) target_semaphore(%arg17 : memref<!tpu.dma_semaphore, #tpu.memory_space<semaphore_mem>>)
    %add3A_45 = arith.constant 3 : i32
    %add3A_46 = arith.addi %mul3A_2, %add3A_45 : i32
    %mul3A_47 = arith.constant 40 : i32
    %mul3A_48 = arith.muli %add3A_46, %mul3A_47 : i32
    %dma_start3A_49 = arith.constant 3 : i32
    %dma_start3A_50 = arith.constant 0 : i32
    %dma_start3A_51 = tpu.memref_slice %arg7[%dma_start3A_49, %dma_start3A_50] : memref<5x40xi32, #tpu.memory_space<vmem>> -> memref<1x40xi32, #tpu.memory_space<vmem>>
    %dma_start3A_52 = tpu.memref_squeeze %dma_start3A_51 : memref<1x40xi32, #tpu.memory_space<vmem>> -> memref<40xi32, #tpu.memory_space<vmem>>
    %dma_start3A_53 = tpu.memref_slice %arg3[%mul3A_48] : memref<320000xi32, #tpu.memory_space<hbm>> -> memref<40xi32, #tpu.memory_space<hbm>>
    %dma_start3A_54 = arith.constant 0 : i32
    %dma_start3A_55 = tpu.memref_slice %arg7[%dma_start3A_49, %dma_start3A_54] : memref<5x40xi32, #tpu.memory_space<vmem>> -> memref<1x40xi32, #tpu.memory_space<vmem>>
    %dma_start3A_56 = tpu.memref_squeeze %dma_start3A_55 : memref<1x40xi32, #tpu.memory_space<vmem>> -> memref<40xi32, #tpu.memory_space<vmem>>
    %dma_start3A_57 = tpu.memref_slice %arg3[%mul3A_48] : memref<320000xi32, #tpu.memory_space<hbm>> -> memref<40xi32, #tpu.memory_space<hbm>>
    tpu.enqueue_dma source(%dma_start3A_57 : memref<40xi32, #tpu.memory_space<hbm>>) target(%dma_start3A_56 : memref<40xi32, #tpu.memory_space<vmem>>) target_semaphore(%arg18 : memref<!tpu.dma_semaphore, #tpu.memory_space<semaphore_mem>>)
    %add3A_58 = arith.constant 4 : i32
    %add3A_59 = arith.addi %mul3A_2, %add3A_58 : i32
    %mul3A_60 = arith.constant 40 : i32
    %mul3A_61 = arith.muli %add3A_59, %mul3A_60 : i32
    %dma_start3A_62 = arith.constant 4 : i32
    %dma_start3A_63 = arith.constant 0 : i32
    %dma_start3A_64 = tpu.memref_slice %arg7[%dma_start3A_62, %dma_start3A_63] : memref<5x40xi32, #tpu.memory_space<vmem>> -> memref<1x40xi32, #tpu.memory_space<vmem>>
    %dma_start3A_65 = tpu.memref_squeeze %dma_start3A_64 : memref<1x40xi32, #tpu.memory_space<vmem>> -> memref<40xi32, #tpu.memory_space<vmem>>
    %dma_start3A_66 = tpu.memref_slice %arg3[%mul3A_61] : memref<320000xi32, #tpu.memory_space<hbm>> -> memref<40xi32, #tpu.memory_space<hbm>>
    %dma_start3A_67 = arith.constant 0 : i32
    %dma_start3A_68 = tpu.memref_slice %arg7[%dma_start3A_62, %dma_start3A_67] : memref<5x40xi32, #tpu.memory_space<vmem>> -> memref<1x40xi32, #tpu.memory_space<vmem>>
    %dma_start3A_69 = tpu.memref_squeeze %dma_start3A_68 : memref<1x40xi32, #tpu.memory_space<vmem>> -> memref<40xi32, #tpu.memory_space<vmem>>
    %dma_start3A_70 = tpu.memref_slice %arg3[%mul3A_61] : memref<320000xi32, #tpu.memory_space<hbm>> -> memref<40xi32, #tpu.memory_space<hbm>>
    tpu.enqueue_dma source(%dma_start3A_70 : memref<40xi32, #tpu.memory_space<hbm>>) target(%dma_start3A_69 : memref<40xi32, #tpu.memory_space<vmem>>) target_semaphore(%arg19 : memref<!tpu.dma_semaphore, #tpu.memory_space<semaphore_mem>>)
    %add3A_71 = arith.constant 0 : i32
    %add3A_72 = arith.addi %mul3A_2, %add3A_71 : i32
    %mul3A_73 = arith.constant 40 : i32
    %mul3A_74 = arith.muli %add3A_72, %mul3A_73 : i32
    %dma_start3A_75 = arith.constant 0 : i32
    %dma_start3A_76 = arith.constant 0 : i32
    %dma_start3A_77 = tpu.memref_slice %arg8[%dma_start3A_75, %dma_start3A_76] : memref<5x40xi32, #tpu.memory_space<vmem>> -> memref<1x40xi32, #tpu.memory_space<vmem>>
    %dma_start3A_78 = tpu.memref_squeeze %dma_start3A_77 : memref<1x40xi32, #tpu.memory_space<vmem>> -> memref<40xi32, #tpu.memory_space<vmem>>
    %dma_start3A_79 = tpu.memref_slice %arg4[%mul3A_74] : memref<320000xi32, #tpu.memory_space<hbm>> -> memref<40xi32, #tpu.memory_space<hbm>>
    %dma_start3A_80 = arith.constant 0 : i32
    %dma_start3A_81 = tpu.memref_slice %arg8[%dma_start3A_75, %dma_start3A_80] : memref<5x40xi32, #tpu.memory_space<vmem>> -> memref<1x40xi32, #tpu.memory_space<vmem>>
    %dma_start3A_82 = tpu.memref_squeeze %dma_start3A_81 : memref<1x40xi32, #tpu.memory_space<vmem>> -> memref<40xi32, #tpu.memory_space<vmem>>
    %dma_start3A_83 = tpu.memref_slice %arg4[%mul3A_74] : memref<320000xi32, #tpu.memory_space<hbm>> -> memref<40xi32, #tpu.memory_space<hbm>>
    tpu.enqueue_dma source(%dma_start3A_83 : memref<40xi32, #tpu.memory_space<hbm>>) target(%dma_start3A_82 : memref<40xi32, #tpu.memory_space<vmem>>) target_semaphore(%arg20 : memref<!tpu.dma_semaphore, #tpu.memory_space<semaphore_mem>>)
    %add3A_84 = arith.constant 1 : i32
    %add3A_85 = arith.addi %mul3A_2, %add3A_84 : i32
    %mul3A_86 = arith.constant 40 : i32
    %mul3A_87 = arith.muli %add3A_85, %mul3A_86 : i32
    %dma_start3A_88 = arith.constant 1 : i32
    %dma_start3A_89 = arith.constant 0 : i32
    %dma_start3A_90 = tpu.memref_slice %arg8[%dma_start3A_88, %dma_start3A_89] : memref<5x40xi32, #tpu.memory_space<vmem>> -> memref<1x40xi32, #tpu.memory_space<vmem>>
    %dma_start3A_91 = tpu.memref_squeeze %dma_start3A_90 : memref<1x40xi32, #tpu.memory_space<vmem>> -> memref<40xi32, #tpu.memory_space<vmem>>
    %dma_start3A_92 = tpu.memref_slice %arg4[%mul3A_87] : memref<320000xi32, #tpu.memory_space<hbm>> -> memref<40xi32, #tpu.memory_space<hbm>>
    %dma_start3A_93 = arith.constant 0 : i32
    %dma_start3A_94 = tpu.memref_slice %arg8[%dma_start3A_88, %dma_start3A_93] : memref<5x40xi32, #tpu.memory_space<vmem>> -> memref<1x40xi32, #tpu.memory_space<vmem>>
    %dma_start3A_95 = tpu.memref_squeeze %dma_start3A_94 : memref<1x40xi32, #tpu.memory_space<vmem>> -> memref<40xi32, #tpu.memory_space<vmem>>
    %dma_start3A_96 = tpu.memref_slice %arg4[%mul3A_87] : memref<320000xi32, #tpu.memory_space<hbm>> -> memref<40xi32, #tpu.memory_space<hbm>>
    tpu.enqueue_dma source(%dma_start3A_96 : memref<40xi32, #tpu.memory_space<hbm>>) target(%dma_start3A_95 : memref<40xi32, #tpu.memory_space<vmem>>) target_semaphore(%arg21 : memref<!tpu.dma_semaphore, #tpu.memory_space<semaphore_mem>>)
    %add3A_97 = arith.constant 2 : i32
    %add3A_98 = arith.addi %mul3A_2, %add3A_97 : i32
    %mul3A_99 = arith.constant 40 : i32
    %mul3A_100 = arith.muli %add3A_98, %mul3A_99 : i32
    %dma_start3A_101 = arith.constant 2 : i32
    %dma_start3A_102 = arith.constant 0 : i32
    %dma_start3A_103 = tpu.memref_slice %arg8[%dma_start3A_101, %dma_start3A_102] : memref<5x40xi32, #tpu.memory_space<vmem>> -> memref<1x40xi32, #tpu.memory_space<vmem>>
    %dma_start3A_104 = tpu.memref_squeeze %dma_start3A_103 : memref<1x40xi32, #tpu.memory_space<vmem>> -> memref<40xi32, #tpu.memory_space<vmem>>
    %dma_start3A_105 = tpu.memref_slice %arg4[%mul3A_100] : memref<320000xi32, #tpu.memory_space<hbm>> -> memref<40xi32, #tpu.memory_space<hbm>>
    %dma_start3A_106 = arith.constant 0 : i32
    %dma_start3A_107 = tpu.memref_slice %arg8[%dma_start3A_101, %dma_start3A_106] : memref<5x40xi32, #tpu.memory_space<vmem>> -> memref<1x40xi32, #tpu.memory_space<vmem>>
    %dma_start3A_108 = tpu.memref_squeeze %dma_start3A_107 : memref<1x40xi32, #tpu.memory_space<vmem>> -> memref<40xi32, #tpu.memory_space<vmem>>
    %dma_start3A_109 = tpu.memref_slice %arg4[%mul3A_100] : memref<320000xi32, #tpu.memory_space<hbm>> -> memref<40xi32, #tpu.memory_space<hbm>>
    tpu.enqueue_dma source(%dma_start3A_109 : memref<40xi32, #tpu.memory_space<hbm>>) target(%dma_start3A_108 : memref<40xi32, #tpu.memory_space<vmem>>) target_semaphore(%arg22 : memref<!tpu.dma_semaphore, #tpu.memory_space<semaphore_mem>>)
    %dma_wait3A = arith.constant 0 : i32
    %dma_wait3A_110 = arith.constant 0 : i32
    %dma_wait3A_111 = tpu.memref_slice %arg7[%dma_wait3A, %dma_wait3A_110] : memref<5x40xi32, #tpu.memory_space<vmem>> -> memref<1x40xi32, #tpu.memory_space<vmem>>
    %dma_wait3A_112 = tpu.memref_squeeze %dma_wait3A_111 : memref<1x40xi32, #tpu.memory_space<vmem>> -> memref<40xi32, #tpu.memory_space<vmem>>
    %dma_wait3A_113 = arith.constant 0 : i32
    %dma_wait3A_114 = tpu.memref_slice %arg3[%dma_wait3A_113] : memref<320000xi32, #tpu.memory_space<hbm>> -> memref<40xi32, #tpu.memory_space<hbm>>
    %dma_wait3A_115 = arith.constant 0 : i32
    %dma_wait3A_116 = tpu.memref_slice %arg7[%dma_wait3A, %dma_wait3A_115] : memref<5x40xi32, #tpu.memory_space<vmem>> -> memref<1x40xi32, #tpu.memory_space<vmem>>
    %dma_wait3A_117 = tpu.memref_squeeze %dma_wait3A_116 : memref<1x40xi32, #tpu.memory_space<vmem>> -> memref<40xi32, #tpu.memory_space<vmem>>
    %dma_wait3A_118 = arith.constant 0 : i32
    %dma_wait3A_119 = tpu.memref_slice %arg3[%dma_wait3A_118] : memref<320000xi32, #tpu.memory_space<hbm>> -> memref<40xi32, #tpu.memory_space<hbm>>
    tpu.wait_dma2 semaphore(%arg15 : memref<!tpu.dma_semaphore, #tpu.memory_space<semaphore_mem>>) src(%dma_wait3A_119 : memref<40xi32, #tpu.memory_space<hbm>>) dst(%dma_wait3A_117 : memref<40xi32, #tpu.memory_space<vmem>>)
    %dma_start3A_120 = arith.constant 0 : i32
    %dma_start3A_121 = arith.constant 0 : i32
    %dma_start3A_122 = tpu.memref_slice %arg7[%dma_start3A_120, %dma_start3A_121] : memref<5x40xi32, #tpu.memory_space<vmem>> -> memref<1x40xi32, #tpu.memory_space<vmem>>
    %dma_start3A_123 = tpu.memref_squeeze %dma_start3A_122 : memref<1x40xi32, #tpu.memory_space<vmem>> -> memref<40xi32, #tpu.memory_space<vmem>>
    %dma_start3A_124 = arith.constant 0 : i32
    %dma_start3A_125 = arith.constant 0 : i32
    %dma_start3A_126 = tpu.memref_slice %arg2[%dma_start3A_124, %dma_start3A_125] : memref<10112x128xf32, #tpu.memory_space<hbm>> -> memref<10112x128xf32, #tpu.memory_space<hbm>>
    tpu.enqueue_indirect_dma source(%dma_start3A_126 : memref<10112x128xf32, #tpu.memory_space<hbm>>) target(%arg9 : memref<40x128xf32, #tpu.memory_space<vmem>>) offsets(%dma_start3A_123 : memref<40xi32, #tpu.memory_space<vmem>>) semaphore(%arg25 : memref<!tpu.dma_semaphore, #tpu.memory_space<semaphore_mem>>)
    %dma_wait3A_127 = arith.constant 1 : i32
    %dma_wait3A_128 = arith.constant 0 : i32
    %dma_wait3A_129 = tpu.memref_slice %arg7[%dma_wait3A_127, %dma_wait3A_128] : memref<5x40xi32, #tpu.memory_space<vmem>> -> memref<1x40xi32, #tpu.memory_space<vmem>>
    %dma_wait3A_130 = tpu.memref_squeeze %dma_wait3A_129 : memref<1x40xi32, #tpu.memory_space<vmem>> -> memref<40xi32, #tpu.memory_space<vmem>>
    %dma_wait3A_131 = arith.constant 0 : i32
    %dma_wait3A_132 = tpu.memref_slice %arg3[%dma_wait3A_131] : memref<320000xi32, #tpu.memory_space<hbm>> -> memref<40xi32, #tpu.memory_space<hbm>>
    %dma_wait3A_133 = arith.constant 0 : i32
    %dma_wait3A_134 = tpu.memref_slice %arg7[%dma_wait3A_127, %dma_wait3A_133] : memref<5x40xi32, #tpu.memory_space<vmem>> -> memref<1x40xi32, #tpu.memory_space<vmem>>
    %dma_wait3A_135 = tpu.memref_squeeze %dma_wait3A_134 : memref<1x40xi32, #tpu.memory_space<vmem>> -> memref<40xi32, #tpu.memory_space<vmem>>
    %dma_wait3A_136 = arith.constant 0 : i32
    %dma_wait3A_137 = tpu.memref_slice %arg3[%dma_wait3A_136] : memref<320000xi32, #tpu.memory_space<hbm>> -> memref<40xi32, #tpu.memory_space<hbm>>
    tpu.wait_dma2 semaphore(%arg16 : memref<!tpu.dma_semaphore, #tpu.memory_space<semaphore_mem>>) src(%dma_wait3A_137 : memref<40xi32, #tpu.memory_space<hbm>>) dst(%dma_wait3A_135 : memref<40xi32, #tpu.memory_space<vmem>>)
    %dma_start3A_138 = arith.constant 1 : i32
    %dma_start3A_139 = arith.constant 0 : i32
    %dma_start3A_140 = tpu.memref_slice %arg7[%dma_start3A_138, %dma_start3A_139] : memref<5x40xi32, #tpu.memory_space<vmem>> -> memref<1x40xi32, #tpu.memory_space<vmem>>
    %dma_start3A_141 = tpu.memref_squeeze %dma_start3A_140 : memref<1x40xi32, #tpu.memory_space<vmem>> -> memref<40xi32, #tpu.memory_space<vmem>>
    %dma_start3A_142 = arith.constant 0 : i32
    %dma_start3A_143 = arith.constant 0 : i32
    %dma_start3A_144 = tpu.memref_slice %arg2[%dma_start3A_142, %dma_start3A_143] : memref<10112x128xf32, #tpu.memory_space<hbm>> -> memref<10112x128xf32, #tpu.memory_space<hbm>>
    tpu.enqueue_indirect_dma source(%dma_start3A_144 : memref<10112x128xf32, #tpu.memory_space<hbm>>) target(%arg10 : memref<40x128xf32, #tpu.memory_space<vmem>>) offsets(%dma_start3A_141 : memref<40xi32, #tpu.memory_space<vmem>>) semaphore(%arg26 : memref<!tpu.dma_semaphore, #tpu.memory_space<semaphore_mem>>)
    %dma_wait3A_145 = arith.constant 2 : i32
    %dma_wait3A_146 = arith.constant 0 : i32
    %dma_wait3A_147 = tpu.memref_slice %arg7[%dma_wait3A_145, %dma_wait3A_146] : memref<5x40xi32, #tpu.memory_space<vmem>> -> memref<1x40xi32, #tpu.memory_space<vmem>>
    %dma_wait3A_148 = tpu.memref_squeeze %dma_wait3A_147 : memref<1x40xi32, #tpu.memory_space<vmem>> -> memref<40xi32, #tpu.memory_space<vmem>>
    %dma_wait3A_149 = arith.constant 0 : i32
    %dma_wait3A_150 = tpu.memref_slice %arg3[%dma_wait3A_149] : memref<320000xi32, #tpu.memory_space<hbm>> -> memref<40xi32, #tpu.memory_space<hbm>>
    %dma_wait3A_151 = arith.constant 0 : i32
    %dma_wait3A_152 = tpu.memref_slice %arg7[%dma_wait3A_145, %dma_wait3A_151] : memref<5x40xi32, #tpu.memory_space<vmem>> -> memref<1x40xi32, #tpu.memory_space<vmem>>
    %dma_wait3A_153 = tpu.memref_squeeze %dma_wait3A_152 : memref<1x40xi32, #tpu.memory_space<vmem>> -> memref<40xi32, #tpu.memory_space<vmem>>
    %dma_wait3A_154 = arith.constant 0 : i32
    %dma_wait3A_155 = tpu.memref_slice %arg3[%dma_wait3A_154] : memref<320000xi32, #tpu.memory_space<hbm>> -> memref<40xi32, #tpu.memory_space<hbm>>
    tpu.wait_dma2 semaphore(%arg17 : memref<!tpu.dma_semaphore, #tpu.memory_space<semaphore_mem>>) src(%dma_wait3A_155 : memref<40xi32, #tpu.memory_space<hbm>>) dst(%dma_wait3A_153 : memref<40xi32, #tpu.memory_space<vmem>>)
    %dma_start3A_156 = arith.constant 2 : i32
    %dma_start3A_157 = arith.constant 0 : i32
    %dma_start3A_158 = tpu.memref_slice %arg7[%dma_start3A_156, %dma_start3A_157] : memref<5x40xi32, #tpu.memory_space<vmem>> -> memref<1x40xi32, #tpu.memory_space<vmem>>
    %dma_start3A_159 = tpu.memref_squeeze %dma_start3A_158 : memref<1x40xi32, #tpu.memory_space<vmem>> -> memref<40xi32, #tpu.memory_space<vmem>>
    %dma_start3A_160 = arith.constant 0 : i32
    %dma_start3A_161 = arith.constant 0 : i32
    %dma_start3A_162 = tpu.memref_slice %arg2[%dma_start3A_160, %dma_start3A_161] : memref<10112x128xf32, #tpu.memory_space<hbm>> -> memref<10112x128xf32, #tpu.memory_space<hbm>>
    tpu.enqueue_indirect_dma source(%dma_start3A_162 : memref<10112x128xf32, #tpu.memory_space<hbm>>) target(%arg11 : memref<40x128xf32, #tpu.memory_space<vmem>>) offsets(%dma_start3A_159 : memref<40xi32, #tpu.memory_space<vmem>>) semaphore(%arg27 : memref<!tpu.dma_semaphore, #tpu.memory_space<semaphore_mem>>)
    %dma_wait3A_163 = arith.constant 0 : i32
    %dma_wait3A_164 = tpu.memref_slice %arg35[%mul3A_4, %dma_wait3A_163] : memref<10112x128xf32, #tpu.memory_space<vmem_shared>> -> memref<632x128xf32, #tpu.memory_space<vmem_shared>>
    tpu.wait_dma2 semaphore(%arg14 : memref<!tpu.dma_semaphore, #tpu.memory_space<semaphore_mem>>) src(%arg5 : memref<632x128xf32, #tpu.memory_space<hbm>>) dst(%dma_wait3A_164 : memref<632x128xf32, #tpu.memory_space<vmem_shared>>)
    %barrier3A = arith.constant 0 : index
    tpu.barrier barrier_id(%barrier3A)
    %scan3A = arith.constant 0 : i32
    %scan3A_165 = arith.constant 0 : i32
    %scan3A_166 = arith.constant 50 : i32
    %scan3A_167 = arith.addi %scan3A_165, %scan3A_166 : i32
    %scan3A_168 = arith.constant 1 : i32
    scf.for %scan3A_189 = %scan3A_165 to %scan3A_167 step %scan3A_168  : i32 {
      %mul3A_190 = arith.constant 5 : i32
      %mul3A_191 = arith.muli %scan3A_189, %mul3A_190 : i32
      %add3A_192 = arith.constant 0 : i32
      %add3A_193 = arith.addi %mul3A_191, %add3A_192 : i32
      %dma_wait3A_194 = arith.constant 0 : i32
      %dma_wait3A_195 = arith.constant 0 : i32
      %dma_wait3A_196 = tpu.memref_slice %arg7[%dma_wait3A_194, %dma_wait3A_195] : memref<5x40xi32, #tpu.memory_space<vmem>> -> memref<1x40xi32, #tpu.memory_space<vmem>>
      %dma_wait3A_197 = tpu.memref_squeeze %dma_wait3A_196 : memref<1x40xi32, #tpu.memory_space<vmem>> -> memref<40xi32, #tpu.memory_space<vmem>>
      %dma_wait3A_198 = arith.constant 0 : i32
      %dma_wait3A_199 = arith.constant 0 : i32
      %dma_wait3A_200 = tpu.memref_slice %arg2[%dma_wait3A_198, %dma_wait3A_199] : memref<10112x128xf32, #tpu.memory_space<hbm>> -> memref<10112x128xf32, #tpu.memory_space<hbm>>
      tpu.wait_indirect_dma semaphore(%arg25 : memref<!tpu.dma_semaphore, #tpu.memory_space<semaphore_mem>>) src(%dma_wait3A_200 : memref<10112x128xf32, #tpu.memory_space<hbm>>) dst(%arg9 : memref<40x128xf32, #tpu.memory_space<vmem>>)
      %dma_wait3A_201 = arith.constant 0 : i32
      %dma_wait3A_202 = arith.constant 0 : i32
      %dma_wait3A_203 = tpu.memref_slice %arg8[%dma_wait3A_201, %dma_wait3A_202] : memref<5x40xi32, #tpu.memory_space<vmem>> -> memref<1x40xi32, #tpu.memory_space<vmem>>
      %dma_wait3A_204 = tpu.memref_squeeze %dma_wait3A_203 : memref<1x40xi32, #tpu.memory_space<vmem>> -> memref<40xi32, #tpu.memory_space<vmem>>
      %dma_wait3A_205 = arith.constant 0 : i32
      %dma_wait3A_206 = tpu.memref_slice %arg3[%dma_wait3A_205] : memref<320000xi32, #tpu.memory_space<hbm>> -> memref<40xi32, #tpu.memory_space<hbm>>
      %dma_wait3A_207 = arith.constant 0 : i32
      %dma_wait3A_208 = tpu.memref_slice %arg8[%dma_wait3A_201, %dma_wait3A_207] : memref<5x40xi32, #tpu.memory_space<vmem>> -> memref<1x40xi32, #tpu.memory_space<vmem>>
      %dma_wait3A_209 = tpu.memref_squeeze %dma_wait3A_208 : memref<1x40xi32, #tpu.memory_space<vmem>> -> memref<40xi32, #tpu.memory_space<vmem>>
      %dma_wait3A_210 = arith.constant 0 : i32
      %dma_wait3A_211 = tpu.memref_slice %arg3[%dma_wait3A_210] : memref<320000xi32, #tpu.memory_space<hbm>> -> memref<40xi32, #tpu.memory_space<hbm>>
      tpu.wait_dma2 semaphore(%arg20 : memref<!tpu.dma_semaphore, #tpu.memory_space<semaphore_mem>>) src(%dma_wait3A_211 : memref<40xi32, #tpu.memory_space<hbm>>) dst(%dma_wait3A_209 : memref<40xi32, #tpu.memory_space<vmem>>)
      %dma_start3A_212 = arith.constant 0 : i32
      %dma_start3A_213 = arith.constant 0 : i32
      %dma_start3A_214 = tpu.memref_slice %arg8[%dma_start3A_212, %dma_start3A_213] : memref<5x40xi32, #tpu.memory_space<vmem>> -> memref<1x40xi32, #tpu.memory_space<vmem>>
      %dma_start3A_215 = tpu.memref_squeeze %dma_start3A_214 : memref<1x40xi32, #tpu.memory_space<vmem>> -> memref<40xi32, #tpu.memory_space<vmem>>
      %dma_start3A_216 = arith.constant 0 : i32
      %dma_start3A_217 = arith.constant 0 : i32
      %dma_start3A_218 = tpu.memref_slice %arg35[%dma_start3A_216, %dma_start3A_217] : memref<10112x128xf32, #tpu.memory_space<vmem_shared>> -> memref<10112x128xf32, #tpu.memory_space<vmem_shared>>
      tpu.enqueue_indirect_dma source(%arg9 : memref<40x128xf32, #tpu.memory_space<vmem>>) target(%dma_start3A_218 : memref<10112x128xf32, #tpu.memory_space<vmem_shared>>) offsets(%dma_start3A_215 : memref<40xi32, #tpu.memory_space<vmem>>) semaphore(%arg30 : memref<!tpu.dma_semaphore, #tpu.memory_space<semaphore_mem>>) {add = true}
      %add3A_219 = arith.constant 5 : i32
      %add3A_220 = arith.addi %add3A_193, %add3A_219 : i32
      %lt3A = arith.constant 250 : i32
      %lt3A_221 = arith.cmpi slt, %add3A_220, %lt3A : i32
      %convert_element_type3A = arith.extui %lt3A_221 : i1 to i32
      %cond3A = arith.constant 0 : i32
      %cond3A_222 = arith.cmpi ne, %convert_element_type3A, %cond3A : i32
      scf.if %cond3A_222 {
        %add3A_426 = arith.constant 5 : i32
        %add3A_427 = arith.addi %add3A_193, %add3A_426 : i32
        %add3A_428 = arith.addi %mul3A_2, %add3A_427 : i32
        %mul3A_429 = arith.constant 40 : i32
        %mul3A_430 = arith.muli %add3A_428, %mul3A_429 : i32
        %dma_start3A_431 = arith.constant 0 : i32
        %dma_start3A_432 = arith.constant 0 : i32
        %dma_start3A_433 = tpu.memref_slice %arg7[%dma_start3A_431, %dma_start3A_432] : memref<5x40xi32, #tpu.memory_space<vmem>> -> memref<1x40xi32, #tpu.memory_space<vmem>>
        %dma_start3A_434 = tpu.memref_squeeze %dma_start3A_433 : memref<1x40xi32, #tpu.memory_space<vmem>> -> memref<40xi32, #tpu.memory_space<vmem>>
        %dma_start3A_435 = tpu.memref_slice %arg3[%mul3A_430] : memref<320000xi32, #tpu.memory_space<hbm>> -> memref<40xi32, #tpu.memory_space<hbm>>
        %dma_start3A_436 = arith.constant 0 : i32
        %dma_start3A_437 = tpu.memref_slice %arg7[%dma_start3A_431, %dma_start3A_436] : memref<5x40xi32, #tpu.memory_space<vmem>> -> memref<1x40xi32, #tpu.memory_space<vmem>>
        %dma_start3A_438 = tpu.memref_squeeze %dma_start3A_437 : memref<1x40xi32, #tpu.memory_space<vmem>> -> memref<40xi32, #tpu.memory_space<vmem>>
        %dma_start3A_439 = tpu.memref_slice %arg3[%mul3A_430] : memref<320000xi32, #tpu.memory_space<hbm>> -> memref<40xi32, #tpu.memory_space<hbm>>
        tpu.enqueue_dma source(%dma_start3A_439 : memref<40xi32, #tpu.memory_space<hbm>>) target(%dma_start3A_438 : memref<40xi32, #tpu.memory_space<vmem>>) target_semaphore(%arg15 : memref<!tpu.dma_semaphore, #tpu.memory_space<semaphore_mem>>)
      } else {
      }
      %ge3A = arith.constant 2 : i32
      %ge3A_223 = arith.cmpi sge, %add3A_193, %ge3A : i32
      %convert_element_type3A_224 = arith.extui %ge3A_223 : i1 to i32
      %cond3A_225 = arith.constant 0 : i32
      %cond3A_226 = arith.cmpi ne, %convert_element_type3A_224, %cond3A_225 : i32
      scf.if %cond3A_226 {
        %dma_wait3A_426 = arith.constant 3 : i32
        %dma_wait3A_427 = arith.constant 0 : i32
        %dma_wait3A_428 = tpu.memref_slice %arg8[%dma_wait3A_426, %dma_wait3A_427] : memref<5x40xi32, #tpu.memory_space<vmem>> -> memref<1x40xi32, #tpu.memory_space<vmem>>
        %dma_wait3A_429 = tpu.memref_squeeze %dma_wait3A_428 : memref<1x40xi32, #tpu.memory_space<vmem>> -> memref<40xi32, #tpu.memory_space<vmem>>
        %dma_wait3A_430 = arith.constant 0 : i32
        %dma_wait3A_431 = arith.constant 0 : i32
        %dma_wait3A_432 = tpu.memref_slice %arg35[%dma_wait3A_430, %dma_wait3A_431] : memref<10112x128xf32, #tpu.memory_space<vmem_shared>> -> memref<10112x128xf32, #tpu.memory_space<vmem_shared>>
        tpu.wait_indirect_dma semaphore(%arg33 : memref<!tpu.dma_semaphore, #tpu.memory_space<semaphore_mem>>) src(%arg12 : memref<40x128xf32, #tpu.memory_space<vmem>>) dst(%dma_wait3A_432 : memref<10112x128xf32, #tpu.memory_space<vmem_shared>>)
      } else {
      }
      %add3A_227 = arith.constant 3 : i32
      %add3A_228 = arith.addi %add3A_193, %add3A_227 : i32
      %lt3A_229 = arith.constant 250 : i32
      %lt3A_230 = arith.cmpi slt, %add3A_228, %lt3A_229 : i32
      %convert_element_type3A_231 = arith.extui %lt3A_230 : i1 to i32
      %cond3A_232 = arith.constant 0 : i32
      %cond3A_233 = arith.cmpi ne, %convert_element_type3A_231, %cond3A_232 : i32
      scf.if %cond3A_233 {
        %add3A_426 = arith.constant 3 : i32
        %add3A_427 = arith.addi %add3A_193, %add3A_426 : i32
        %add3A_428 = arith.addi %mul3A_2, %add3A_427 : i32
        %mul3A_429 = arith.constant 40 : i32
        %mul3A_430 = arith.muli %add3A_428, %mul3A_429 : i32
        %dma_start3A_431 = arith.constant 3 : i32
        %dma_start3A_432 = arith.constant 0 : i32
        %dma_start3A_433 = tpu.memref_slice %arg8[%dma_start3A_431, %dma_start3A_432] : memref<5x40xi32, #tpu.memory_space<vmem>> -> memref<1x40xi32, #tpu.memory_space<vmem>>
        %dma_start3A_434 = tpu.memref_squeeze %dma_start3A_433 : memref<1x40xi32, #tpu.memory_space<vmem>> -> memref<40xi32, #tpu.memory_space<vmem>>
        %dma_start3A_435 = tpu.memref_slice %arg4[%mul3A_430] : memref<320000xi32, #tpu.memory_space<hbm>> -> memref<40xi32, #tpu.memory_space<hbm>>
        %dma_start3A_436 = arith.constant 0 : i32
        %dma_start3A_437 = tpu.memref_slice %arg8[%dma_start3A_431, %dma_start3A_436] : memref<5x40xi32, #tpu.memory_space<vmem>> -> memref<1x40xi32, #tpu.memory_space<vmem>>
        %dma_start3A_438 = tpu.memref_squeeze %dma_start3A_437 : memref<1x40xi32, #tpu.memory_space<vmem>> -> memref<40xi32, #tpu.memory_space<vmem>>
        %dma_start3A_439 = tpu.memref_slice %arg4[%mul3A_430] : memref<320000xi32, #tpu.memory_space<hbm>> -> memref<40xi32, #tpu.memory_space<hbm>>
        tpu.enqueue_dma source(%dma_start3A_439 : memref<40xi32, #tpu.memory_space<hbm>>) target(%dma_start3A_438 : memref<40xi32, #tpu.memory_space<vmem>>) target_semaphore(%arg23 : memref<!tpu.dma_semaphore, #tpu.memory_space<semaphore_mem>>)
        %dma_wait3A_440 = arith.constant 3 : i32
        %dma_wait3A_441 = arith.constant 0 : i32
        %dma_wait3A_442 = tpu.memref_slice %arg7[%dma_wait3A_440, %dma_wait3A_441] : memref<5x40xi32, #tpu.memory_space<vmem>> -> memref<1x40xi32, #tpu.memory_space<vmem>>
        %dma_wait3A_443 = tpu.memref_squeeze %dma_wait3A_442 : memref<1x40xi32, #tpu.memory_space<vmem>> -> memref<40xi32, #tpu.memory_space<vmem>>
        %dma_wait3A_444 = arith.constant 0 : i32
        %dma_wait3A_445 = tpu.memref_slice %arg3[%dma_wait3A_444] : memref<320000xi32, #tpu.memory_space<hbm>> -> memref<40xi32, #tpu.memory_space<hbm>>
        %dma_wait3A_446 = arith.constant 0 : i32
        %dma_wait3A_447 = tpu.memref_slice %arg7[%dma_wait3A_440, %dma_wait3A_446] : memref<5x40xi32, #tpu.memory_space<vmem>> -> memref<1x40xi32, #tpu.memory_space<vmem>>
        %dma_wait3A_448 = tpu.memref_squeeze %dma_wait3A_447 : memref<1x40xi32, #tpu.memory_space<vmem>> -> memref<40xi32, #tpu.memory_space<vmem>>
        %dma_wait3A_449 = arith.constant 0 : i32
        %dma_wait3A_450 = tpu.memref_slice %arg3[%dma_wait3A_449] : memref<320000xi32, #tpu.memory_space<hbm>> -> memref<40xi32, #tpu.memory_space<hbm>>
        tpu.wait_dma2 semaphore(%arg18 : memref<!tpu.dma_semaphore, #tpu.memory_space<semaphore_mem>>) src(%dma_wait3A_450 : memref<40xi32, #tpu.memory_space<hbm>>) dst(%dma_wait3A_448 : memref<40xi32, #tpu.memory_space<vmem>>)
        %dma_start3A_451 = arith.constant 3 : i32
        %dma_start3A_452 = arith.constant 0 : i32
        %dma_start3A_453 = tpu.memref_slice %arg7[%dma_start3A_451, %dma_start3A_452] : memref<5x40xi32, #tpu.memory_space<vmem>> -> memref<1x40xi32, #tpu.memory_space<vmem>>
        %dma_start3A_454 = tpu.memref_squeeze %dma_start3A_453 : memref<1x40xi32, #tpu.memory_space<vmem>> -> memref<40xi32, #tpu.memory_space<vmem>>
        %dma_start3A_455 = arith.constant 0 : i32
        %dma_start3A_456 = arith.constant 0 : i32
        %dma_start3A_457 = tpu.memref_slice %arg2[%dma_start3A_455, %dma_start3A_456] : memref<10112x128xf32, #tpu.memory_space<hbm>> -> memref<10112x128xf32, #tpu.memory_space<hbm>>
        tpu.enqueue_indirect_dma source(%dma_start3A_457 : memref<10112x128xf32, #tpu.memory_space<hbm>>) target(%arg12 : memref<40x128xf32, #tpu.memory_space<vmem>>) offsets(%dma_start3A_454 : memref<40xi32, #tpu.memory_space<vmem>>) semaphore(%arg28 : memref<!tpu.dma_semaphore, #tpu.memory_space<semaphore_mem>>)
      } else {
      }
      %mul3A_234 = arith.constant 5 : i32
      %mul3A_235 = arith.muli %scan3A_189, %mul3A_234 : i32
      %add3A_236 = arith.constant 1 : i32
      %add3A_237 = arith.addi %mul3A_235, %add3A_236 : i32
      %dma_wait3A_238 = arith.constant 1 : i32
      %dma_wait3A_239 = arith.constant 0 : i32
      %dma_wait3A_240 = tpu.memref_slice %arg7[%dma_wait3A_238, %dma_wait3A_239] : memref<5x40xi32, #tpu.memory_space<vmem>> -> memref<1x40xi32, #tpu.memory_space<vmem>>
      %dma_wait3A_241 = tpu.memref_squeeze %dma_wait3A_240 : memref<1x40xi32, #tpu.memory_space<vmem>> -> memref<40xi32, #tpu.memory_space<vmem>>
      %dma_wait3A_242 = arith.constant 0 : i32
      %dma_wait3A_243 = arith.constant 0 : i32
      %dma_wait3A_244 = tpu.memref_slice %arg2[%dma_wait3A_242, %dma_wait3A_243] : memref<10112x128xf32, #tpu.memory_space<hbm>> -> memref<10112x128xf32, #tpu.memory_space<hbm>>
      tpu.wait_indirect_dma semaphore(%arg26 : memref<!tpu.dma_semaphore, #tpu.memory_space<semaphore_mem>>) src(%dma_wait3A_244 : memref<10112x128xf32, #tpu.memory_space<hbm>>) dst(%arg10 : memref<40x128xf32, #tpu.memory_space<vmem>>)
      %dma_wait3A_245 = arith.constant 1 : i32
      %dma_wait3A_246 = arith.constant 0 : i32
      %dma_wait3A_247 = tpu.memref_slice %arg8[%dma_wait3A_245, %dma_wait3A_246] : memref<5x40xi32, #tpu.memory_space<vmem>> -> memref<1x40xi32, #tpu.memory_space<vmem>>
      %dma_wait3A_248 = tpu.memref_squeeze %dma_wait3A_247 : memref<1x40xi32, #tpu.memory_space<vmem>> -> memref<40xi32, #tpu.memory_space<vmem>>
      %dma_wait3A_249 = arith.constant 0 : i32
      %dma_wait3A_250 = tpu.memref_slice %arg3[%dma_wait3A_249] : memref<320000xi32, #tpu.memory_space<hbm>> -> memref<40xi32, #tpu.memory_space<hbm>>
      %dma_wait3A_251 = arith.constant 0 : i32
      %dma_wait3A_252 = tpu.memref_slice %arg8[%dma_wait3A_245, %dma_wait3A_251] : memref<5x40xi32, #tpu.memory_space<vmem>> -> memref<1x40xi32, #tpu.memory_space<vmem>>
      %dma_wait3A_253 = tpu.memref_squeeze %dma_wait3A_252 : memref<1x40xi32, #tpu.memory_space<vmem>> -> memref<40xi32, #tpu.memory_space<vmem>>
      %dma_wait3A_254 = arith.constant 0 : i32
      %dma_wait3A_255 = tpu.memref_slice %arg3[%dma_wait3A_254] : memref<320000xi32, #tpu.memory_space<hbm>> -> memref<40xi32, #tpu.memory_space<hbm>>
      tpu.wait_dma2 semaphore(%arg21 : memref<!tpu.dma_semaphore, #tpu.memory_space<semaphore_mem>>) src(%dma_wait3A_255 : memref<40xi32, #tpu.memory_space<hbm>>) dst(%dma_wait3A_253 : memref<40xi32, #tpu.memory_space<vmem>>)
      %dma_start3A_256 = arith.constant 1 : i32
      %dma_start3A_257 = arith.constant 0 : i32
      %dma_start3A_258 = tpu.memref_slice %arg8[%dma_start3A_256, %dma_start3A_257] : memref<5x40xi32, #tpu.memory_space<vmem>> -> memref<1x40xi32, #tpu.memory_space<vmem>>
      %dma_start3A_259 = tpu.memref_squeeze %dma_start3A_258 : memref<1x40xi32, #tpu.memory_space<vmem>> -> memref<40xi32, #tpu.memory_space<vmem>>
      %dma_start3A_260 = arith.constant 0 : i32
      %dma_start3A_261 = arith.constant 0 : i32
      %dma_start3A_262 = tpu.memref_slice %arg35[%dma_start3A_260, %dma_start3A_261] : memref<10112x128xf32, #tpu.memory_space<vmem_shared>> -> memref<10112x128xf32, #tpu.memory_space<vmem_shared>>
      tpu.enqueue_indirect_dma source(%arg10 : memref<40x128xf32, #tpu.memory_space<vmem>>) target(%dma_start3A_262 : memref<10112x128xf32, #tpu.memory_space<vmem_shared>>) offsets(%dma_start3A_259 : memref<40xi32, #tpu.memory_space<vmem>>) semaphore(%arg31 : memref<!tpu.dma_semaphore, #tpu.memory_space<semaphore_mem>>) {add = true}
      %add3A_263 = arith.constant 5 : i32
      %add3A_264 = arith.addi %add3A_237, %add3A_263 : i32
      %lt3A_265 = arith.constant 250 : i32
      %lt3A_266 = arith.cmpi slt, %add3A_264, %lt3A_265 : i32
      %convert_element_type3A_267 = arith.extui %lt3A_266 : i1 to i32
      %cond3A_268 = arith.constant 0 : i32
      %cond3A_269 = arith.cmpi ne, %convert_element_type3A_267, %cond3A_268 : i32
      scf.if %cond3A_269 {
        %add3A_426 = arith.constant 5 : i32
        %add3A_427 = arith.addi %add3A_237, %add3A_426 : i32
        %add3A_428 = arith.addi %mul3A_2, %add3A_427 : i32
        %mul3A_429 = arith.constant 40 : i32
        %mul3A_430 = arith.muli %add3A_428, %mul3A_429 : i32
        %dma_start3A_431 = arith.constant 1 : i32
        %dma_start3A_432 = arith.constant 0 : i32
        %dma_start3A_433 = tpu.memref_slice %arg7[%dma_start3A_431, %dma_start3A_432] : memref<5x40xi32, #tpu.memory_space<vmem>> -> memref<1x40xi32, #tpu.memory_space<vmem>>
        %dma_start3A_434 = tpu.memref_squeeze %dma_start3A_433 : memref<1x40xi32, #tpu.memory_space<vmem>> -> memref<40xi32, #tpu.memory_space<vmem>>
        %dma_start3A_435 = tpu.memref_slice %arg3[%mul3A_430] : memref<320000xi32, #tpu.memory_space<hbm>> -> memref<40xi32, #tpu.memory_space<hbm>>
        %dma_start3A_436 = arith.constant 0 : i32
        %dma_start3A_437 = tpu.memref_slice %arg7[%dma_start3A_431, %dma_start3A_436] : memref<5x40xi32, #tpu.memory_space<vmem>> -> memref<1x40xi32, #tpu.memory_space<vmem>>
        %dma_start3A_438 = tpu.memref_squeeze %dma_start3A_437 : memref<1x40xi32, #tpu.memory_space<vmem>> -> memref<40xi32, #tpu.memory_space<vmem>>
        %dma_start3A_439 = tpu.memref_slice %arg3[%mul3A_430] : memref<320000xi32, #tpu.memory_space<hbm>> -> memref<40xi32, #tpu.memory_space<hbm>>
        tpu.enqueue_dma source(%dma_start3A_439 : memref<40xi32, #tpu.memory_space<hbm>>) target(%dma_start3A_438 : memref<40xi32, #tpu.memory_space<vmem>>) target_semaphore(%arg16 : memref<!tpu.dma_semaphore, #tpu.memory_space<semaphore_mem>>)
      } else {
      }
      %ge3A_270 = arith.constant 2 : i32
      %ge3A_271 = arith.cmpi sge, %add3A_237, %ge3A_270 : i32
      %convert_element_type3A_272 = arith.extui %ge3A_271 : i1 to i32
      %cond3A_273 = arith.constant 0 : i32
      %cond3A_274 = arith.cmpi ne, %convert_element_type3A_272, %cond3A_273 : i32
      scf.if %cond3A_274 {
        %dma_wait3A_426 = arith.constant 4 : i32
        %dma_wait3A_427 = arith.constant 0 : i32
        %dma_wait3A_428 = tpu.memref_slice %arg8[%dma_wait3A_426, %dma_wait3A_427] : memref<5x40xi32, #tpu.memory_space<vmem>> -> memref<1x40xi32, #tpu.memory_space<vmem>>
        %dma_wait3A_429 = tpu.memref_squeeze %dma_wait3A_428 : memref<1x40xi32, #tpu.memory_space<vmem>> -> memref<40xi32, #tpu.memory_space<vmem>>
        %dma_wait3A_430 = arith.constant 0 : i32
        %dma_wait3A_431 = arith.constant 0 : i32
        %dma_wait3A_432 = tpu.memref_slice %arg35[%dma_wait3A_430, %dma_wait3A_431] : memref<10112x128xf32, #tpu.memory_space<vmem_shared>> -> memref<10112x128xf32, #tpu.memory_space<vmem_shared>>
        tpu.wait_indirect_dma semaphore(%arg34 : memref<!tpu.dma_semaphore, #tpu.memory_space<semaphore_mem>>) src(%arg13 : memref<40x128xf32, #tpu.memory_space<vmem>>) dst(%dma_wait3A_432 : memref<10112x128xf32, #tpu.memory_space<vmem_shared>>)
      } else {
      }
      %add3A_275 = arith.constant 3 : i32
      %add3A_276 = arith.addi %add3A_237, %add3A_275 : i32
      %lt3A_277 = arith.constant 250 : i32
      %lt3A_278 = arith.cmpi slt, %add3A_276, %lt3A_277 : i32
      %convert_element_type3A_279 = arith.extui %lt3A_278 : i1 to i32
      %cond3A_280 = arith.constant 0 : i32
      %cond3A_281 = arith.cmpi ne, %convert_element_type3A_279, %cond3A_280 : i32
      scf.if %cond3A_281 {
        %add3A_426 = arith.constant 3 : i32
        %add3A_427 = arith.addi %add3A_237, %add3A_426 : i32
        %add3A_428 = arith.addi %mul3A_2, %add3A_427 : i32
        %mul3A_429 = arith.constant 40 : i32
        %mul3A_430 = arith.muli %add3A_428, %mul3A_429 : i32
        %dma_start3A_431 = arith.constant 4 : i32
        %dma_start3A_432 = arith.constant 0 : i32
        %dma_start3A_433 = tpu.memref_slice %arg8[%dma_start3A_431, %dma_start3A_432] : memref<5x40xi32, #tpu.memory_space<vmem>> -> memref<1x40xi32, #tpu.memory_space<vmem>>
        %dma_start3A_434 = tpu.memref_squeeze %dma_start3A_433 : memref<1x40xi32, #tpu.memory_space<vmem>> -> memref<40xi32, #tpu.memory_space<vmem>>
        %dma_start3A_435 = tpu.memref_slice %arg4[%mul3A_430] : memref<320000xi32, #tpu.memory_space<hbm>> -> memref<40xi32, #tpu.memory_space<hbm>>
        %dma_start3A_436 = arith.constant 0 : i32
        %dma_start3A_437 = tpu.memref_slice %arg8[%dma_start3A_431, %dma_start3A_436] : memref<5x40xi32, #tpu.memory_space<vmem>> -> memref<1x40xi32, #tpu.memory_space<vmem>>
        %dma_start3A_438 = tpu.memref_squeeze %dma_start3A_437 : memref<1x40xi32, #tpu.memory_space<vmem>> -> memref<40xi32, #tpu.memory_space<vmem>>
        %dma_start3A_439 = tpu.memref_slice %arg4[%mul3A_430] : memref<320000xi32, #tpu.memory_space<hbm>> -> memref<40xi32, #tpu.memory_space<hbm>>
        tpu.enqueue_dma source(%dma_start3A_439 : memref<40xi32, #tpu.memory_space<hbm>>) target(%dma_start3A_438 : memref<40xi32, #tpu.memory_space<vmem>>) target_semaphore(%arg24 : memref<!tpu.dma_semaphore, #tpu.memory_space<semaphore_mem>>)
        %dma_wait3A_440 = arith.constant 4 : i32
        %dma_wait3A_441 = arith.constant 0 : i32
        %dma_wait3A_442 = tpu.memref_slice %arg7[%dma_wait3A_440, %dma_wait3A_441] : memref<5x40xi32, #tpu.memory_space<vmem>> -> memref<1x40xi32, #tpu.memory_space<vmem>>
        %dma_wait3A_443 = tpu.memref_squeeze %dma_wait3A_442 : memref<1x40xi32, #tpu.memory_space<vmem>> -> memref<40xi32, #tpu.memory_space<vmem>>
        %dma_wait3A_444 = arith.constant 0 : i32
        %dma_wait3A_445 = tpu.memref_slice %arg3[%dma_wait3A_444] : memref<320000xi32, #tpu.memory_space<hbm>> -> memref<40xi32, #tpu.memory_space<hbm>>
        %dma_wait3A_446 = arith.constant 0 : i32
        %dma_wait3A_447 = tpu.memref_slice %arg7[%dma_wait3A_440, %dma_wait3A_446] : memref<5x40xi32, #tpu.memory_space<vmem>> -> memref<1x40xi32, #tpu.memory_space<vmem>>
        %dma_wait3A_448 = tpu.memref_squeeze %dma_wait3A_447 : memref<1x40xi32, #tpu.memory_space<vmem>> -> memref<40xi32, #tpu.memory_space<vmem>>
        %dma_wait3A_449 = arith.constant 0 : i32
        %dma_wait3A_450 = tpu.memref_slice %arg3[%dma_wait3A_449] : memref<320000xi32, #tpu.memory_space<hbm>> -> memref<40xi32, #tpu.memory_space<hbm>>
        tpu.wait_dma2 semaphore(%arg19 : memref<!tpu.dma_semaphore, #tpu.memory_space<semaphore_mem>>) src(%dma_wait3A_450 : memref<40xi32, #tpu.memory_space<hbm>>) dst(%dma_wait3A_448 : memref<40xi32, #tpu.memory_space<vmem>>)
        %dma_start3A_451 = arith.constant 4 : i32
        %dma_start3A_452 = arith.constant 0 : i32
        %dma_start3A_453 = tpu.memref_slice %arg7[%dma_start3A_451, %dma_start3A_452] : memref<5x40xi32, #tpu.memory_space<vmem>> -> memref<1x40xi32, #tpu.memory_space<vmem>>
        %dma_start3A_454 = tpu.memref_squeeze %dma_start3A_453 : memref<1x40xi32, #tpu.memory_space<vmem>> -> memref<40xi32, #tpu.memory_space<vmem>>
        %dma_start3A_455 = arith.constant 0 : i32
        %dma_start3A_456 = arith.constant 0 : i32
        %dma_start3A_457 = tpu.memref_slice %arg2[%dma_start3A_455, %dma_start3A_456] : memref<10112x128xf32, #tpu.memory_space<hbm>> -> memref<10112x128xf32, #tpu.memory_space<hbm>>
        tpu.enqueue_indirect_dma source(%dma_start3A_457 : memref<10112x128xf32, #tpu.memory_space<hbm>>) target(%arg13 : memref<40x128xf32, #tpu.memory_space<vmem>>) offsets(%dma_start3A_454 : memref<40xi32, #tpu.memory_space<vmem>>) semaphore(%arg29 : memref<!tpu.dma_semaphore, #tpu.memory_space<semaphore_mem>>)
      } else {
      }
      %mul3A_282 = arith.constant 5 : i32
      %mul3A_283 = arith.muli %scan3A_189, %mul3A_282 : i32
      %add3A_284 = arith.constant 2 : i32
      %add3A_285 = arith.addi %mul3A_283, %add3A_284 : i32
      %dma_wait3A_286 = arith.constant 2 : i32
      %dma_wait3A_287 = arith.constant 0 : i32
      %dma_wait3A_288 = tpu.memref_slice %arg7[%dma_wait3A_286, %dma_wait3A_287] : memref<5x40xi32, #tpu.memory_space<vmem>> -> memref<1x40xi32, #tpu.memory_space<vmem>>
      %dma_wait3A_289 = tpu.memref_squeeze %dma_wait3A_288 : memref<1x40xi32, #tpu.memory_space<vmem>> -> memref<40xi32, #tpu.memory_space<vmem>>
      %dma_wait3A_290 = arith.constant 0 : i32
      %dma_wait3A_291 = arith.constant 0 : i32
      %dma_wait3A_292 = tpu.memref_slice %arg2[%dma_wait3A_290, %dma_wait3A_291] : memref<10112x128xf32, #tpu.memory_space<hbm>> -> memref<10112x128xf32, #tpu.memory_space<hbm>>
      tpu.wait_indirect_dma semaphore(%arg27 : memref<!tpu.dma_semaphore, #tpu.memory_space<semaphore_mem>>) src(%dma_wait3A_292 : memref<10112x128xf32, #tpu.memory_space<hbm>>) dst(%arg11 : memref<40x128xf32, #tpu.memory_space<vmem>>)
      %dma_wait3A_293 = arith.constant 2 : i32
      %dma_wait3A_294 = arith.constant 0 : i32
      %dma_wait3A_295 = tpu.memref_slice %arg8[%dma_wait3A_293, %dma_wait3A_294] : memref<5x40xi32, #tpu.memory_space<vmem>> -> memref<1x40xi32, #tpu.memory_space<vmem>>
      %dma_wait3A_296 = tpu.memref_squeeze %dma_wait3A_295 : memref<1x40xi32, #tpu.memory_space<vmem>> -> memref<40xi32, #tpu.memory_space<vmem>>
      %dma_wait3A_297 = arith.constant 0 : i32
      %dma_wait3A_298 = tpu.memref_slice %arg3[%dma_wait3A_297] : memref<320000xi32, #tpu.memory_space<hbm>> -> memref<40xi32, #tpu.memory_space<hbm>>
      %dma_wait3A_299 = arith.constant 0 : i32
      %dma_wait3A_300 = tpu.memref_slice %arg8[%dma_wait3A_293, %dma_wait3A_299] : memref<5x40xi32, #tpu.memory_space<vmem>> -> memref<1x40xi32, #tpu.memory_space<vmem>>
      %dma_wait3A_301 = tpu.memref_squeeze %dma_wait3A_300 : memref<1x40xi32, #tpu.memory_space<vmem>> -> memref<40xi32, #tpu.memory_space<vmem>>
      %dma_wait3A_302 = arith.constant 0 : i32
      %dma_wait3A_303 = tpu.memref_slice %arg3[%dma_wait3A_302] : memref<320000xi32, #tpu.memory_space<hbm>> -> memref<40xi32, #tpu.memory_space<hbm>>
      tpu.wait_dma2 semaphore(%arg22 : memref<!tpu.dma_semaphore, #tpu.memory_space<semaphore_mem>>) src(%dma_wait3A_303 : memref<40xi32, #tpu.memory_space<hbm>>) dst(%dma_wait3A_301 : memref<40xi32, #tpu.memory_space<vmem>>)
      %dma_start3A_304 = arith.constant 2 : i32
      %dma_start3A_305 = arith.constant 0 : i32
      %dma_start3A_306 = tpu.memref_slice %arg8[%dma_start3A_304, %dma_start3A_305] : memref<5x40xi32, #tpu.memory_space<vmem>> -> memref<1x40xi32, #tpu.memory_space<vmem>>
      %dma_start3A_307 = tpu.memref_squeeze %dma_start3A_306 : memref<1x40xi32, #tpu.memory_space<vmem>> -> memref<40xi32, #tpu.memory_space<vmem>>
      %dma_start3A_308 = arith.constant 0 : i32
      %dma_start3A_309 = arith.constant 0 : i32
      %dma_start3A_310 = tpu.memref_slice %arg35[%dma_start3A_308, %dma_start3A_309] : memref<10112x128xf32, #tpu.memory_space<vmem_shared>> -> memref<10112x128xf32, #tpu.memory_space<vmem_shared>>
      tpu.enqueue_indirect_dma source(%arg11 : memref<40x128xf32, #tpu.memory_space<vmem>>) target(%dma_start3A_310 : memref<10112x128xf32, #tpu.memory_space<vmem_shared>>) offsets(%dma_start3A_307 : memref<40xi32, #tpu.memory_space<vmem>>) semaphore(%arg32 : memref<!tpu.dma_semaphore, #tpu.memory_space<semaphore_mem>>) {add = true}
      %add3A_311 = arith.constant 5 : i32
      %add3A_312 = arith.addi %add3A_285, %add3A_311 : i32
      %lt3A_313 = arith.constant 250 : i32
      %lt3A_314 = arith.cmpi slt, %add3A_312, %lt3A_313 : i32
      %convert_element_type3A_315 = arith.extui %lt3A_314 : i1 to i32
      %cond3A_316 = arith.constant 0 : i32
      %cond3A_317 = arith.cmpi ne, %convert_element_type3A_315, %cond3A_316 : i32
      scf.if %cond3A_317 {
        %add3A_426 = arith.constant 5 : i32
        %add3A_427 = arith.addi %add3A_285, %add3A_426 : i32
        %add3A_428 = arith.addi %mul3A_2, %add3A_427 : i32
        %mul3A_429 = arith.constant 40 : i32
        %mul3A_430 = arith.muli %add3A_428, %mul3A_429 : i32
        %dma_start3A_431 = arith.constant 2 : i32
        %dma_start3A_432 = arith.constant 0 : i32
        %dma_start3A_433 = tpu.memref_slice %arg7[%dma_start3A_431, %dma_start3A_432] : memref<5x40xi32, #tpu.memory_space<vmem>> -> memref<1x40xi32, #tpu.memory_space<vmem>>
        %dma_start3A_434 = tpu.memref_squeeze %dma_start3A_433 : memref<1x40xi32, #tpu.memory_space<vmem>> -> memref<40xi32, #tpu.memory_space<vmem>>
        %dma_start3A_435 = tpu.memref_slice %arg3[%mul3A_430] : memref<320000xi32, #tpu.memory_space<hbm>> -> memref<40xi32, #tpu.memory_space<hbm>>
        %dma_start3A_436 = arith.constant 0 : i32
        %dma_start3A_437 = tpu.memref_slice %arg7[%dma_start3A_431, %dma_start3A_436] : memref<5x40xi32, #tpu.memory_space<vmem>> -> memref<1x40xi32, #tpu.memory_space<vmem>>
        %dma_start3A_438 = tpu.memref_squeeze %dma_start3A_437 : memref<1x40xi32, #tpu.memory_space<vmem>> -> memref<40xi32, #tpu.memory_space<vmem>>
        %dma_start3A_439 = tpu.memref_slice %arg3[%mul3A_430] : memref<320000xi32, #tpu.memory_space<hbm>> -> memref<40xi32, #tpu.memory_space<hbm>>
        tpu.enqueue_dma source(%dma_start3A_439 : memref<40xi32, #tpu.memory_space<hbm>>) target(%dma_start3A_438 : memref<40xi32, #tpu.memory_space<vmem>>) target_semaphore(%arg17 : memref<!tpu.dma_semaphore, #tpu.memory_space<semaphore_mem>>)
      } else {
      }
      %ge3A_318 = arith.constant 2 : i32
      %ge3A_319 = arith.cmpi sge, %add3A_285, %ge3A_318 : i32
      %convert_element_type3A_320 = arith.extui %ge3A_319 : i1 to i32
      %cond3A_321 = arith.constant 0 : i32
      %cond3A_322 = arith.cmpi ne, %convert_element_type3A_320, %cond3A_321 : i32
      scf.if %cond3A_322 {
        %dma_wait3A_426 = arith.constant 0 : i32
        %dma_wait3A_427 = arith.constant 0 : i32
        %dma_wait3A_428 = tpu.memref_slice %arg8[%dma_wait3A_426, %dma_wait3A_427] : memref<5x40xi32, #tpu.memory_space<vmem>> -> memref<1x40xi32, #tpu.memory_space<vmem>>
        %dma_wait3A_429 = tpu.memref_squeeze %dma_wait3A_428 : memref<1x40xi32, #tpu.memory_space<vmem>> -> memref<40xi32, #tpu.memory_space<vmem>>
        %dma_wait3A_430 = arith.constant 0 : i32
        %dma_wait3A_431 = arith.constant 0 : i32
        %dma_wait3A_432 = tpu.memref_slice %arg35[%dma_wait3A_430, %dma_wait3A_431] : memref<10112x128xf32, #tpu.memory_space<vmem_shared>> -> memref<10112x128xf32, #tpu.memory_space<vmem_shared>>
        tpu.wait_indirect_dma semaphore(%arg30 : memref<!tpu.dma_semaphore, #tpu.memory_space<semaphore_mem>>) src(%arg9 : memref<40x128xf32, #tpu.memory_space<vmem>>) dst(%dma_wait3A_432 : memref<10112x128xf32, #tpu.memory_space<vmem_shared>>)
      } else {
      }
      %add3A_323 = arith.constant 3 : i32
      %add3A_324 = arith.addi %add3A_285, %add3A_323 : i32
      %lt3A_325 = arith.constant 250 : i32
      %lt3A_326 = arith.cmpi slt, %add3A_324, %lt3A_325 : i32
      %convert_element_type3A_327 = arith.extui %lt3A_326 : i1 to i32
      %cond3A_328 = arith.constant 0 : i32
      %cond3A_329 = arith.cmpi ne, %convert_element_type3A_327, %cond3A_328 : i32
      scf.if %cond3A_329 {
        %add3A_426 = arith.constant 3 : i32
        %add3A_427 = arith.addi %add3A_285, %add3A_426 : i32
        %add3A_428 = arith.addi %mul3A_2, %add3A_427 : i32
        %mul3A_429 = arith.constant 40 : i32
        %mul3A_430 = arith.muli %add3A_428, %mul3A_429 : i32
        %dma_start3A_431 = arith.constant 0 : i32
        %dma_start3A_432 = arith.constant 0 : i32
        %dma_start3A_433 = tpu.memref_slice %arg8[%dma_start3A_431, %dma_start3A_432] : memref<5x40xi32, #tpu.memory_space<vmem>> -> memref<1x40xi32, #tpu.memory_space<vmem>>
        %dma_start3A_434 = tpu.memref_squeeze %dma_start3A_433 : memref<1x40xi32, #tpu.memory_space<vmem>> -> memref<40xi32, #tpu.memory_space<vmem>>
        %dma_start3A_435 = tpu.memref_slice %arg4[%mul3A_430] : memref<320000xi32, #tpu.memory_space<hbm>> -> memref<40xi32, #tpu.memory_space<hbm>>
        %dma_start3A_436 = arith.constant 0 : i32
        %dma_start3A_437 = tpu.memref_slice %arg8[%dma_start3A_431, %dma_start3A_436] : memref<5x40xi32, #tpu.memory_space<vmem>> -> memref<1x40xi32, #tpu.memory_space<vmem>>
        %dma_start3A_438 = tpu.memref_squeeze %dma_start3A_437 : memref<1x40xi32, #tpu.memory_space<vmem>> -> memref<40xi32, #tpu.memory_space<vmem>>
        %dma_start3A_439 = tpu.memref_slice %arg4[%mul3A_430] : memref<320000xi32, #tpu.memory_space<hbm>> -> memref<40xi32, #tpu.memory_space<hbm>>
        tpu.enqueue_dma source(%dma_start3A_439 : memref<40xi32, #tpu.memory_space<hbm>>) target(%dma_start3A_438 : memref<40xi32, #tpu.memory_space<vmem>>) target_semaphore(%arg20 : memref<!tpu.dma_semaphore, #tpu.memory_space<semaphore_mem>>)
        %dma_wait3A_440 = arith.constant 0 : i32
        %dma_wait3A_441 = arith.constant 0 : i32
        %dma_wait3A_442 = tpu.memref_slice %arg7[%dma_wait3A_440, %dma_wait3A_441] : memref<5x40xi32, #tpu.memory_space<vmem>> -> memref<1x40xi32, #tpu.memory_space<vmem>>
        %dma_wait3A_443 = tpu.memref_squeeze %dma_wait3A_442 : memref<1x40xi32, #tpu.memory_space<vmem>> -> memref<40xi32, #tpu.memory_space<vmem>>
        %dma_wait3A_444 = arith.constant 0 : i32
        %dma_wait3A_445 = tpu.memref_slice %arg3[%dma_wait3A_444] : memref<320000xi32, #tpu.memory_space<hbm>> -> memref<40xi32, #tpu.memory_space<hbm>>
        %dma_wait3A_446 = arith.constant 0 : i32
        %dma_wait3A_447 = tpu.memref_slice %arg7[%dma_wait3A_440, %dma_wait3A_446] : memref<5x40xi32, #tpu.memory_space<vmem>> -> memref<1x40xi32, #tpu.memory_space<vmem>>
        %dma_wait3A_448 = tpu.memref_squeeze %dma_wait3A_447 : memref<1x40xi32, #tpu.memory_space<vmem>> -> memref<40xi32, #tpu.memory_space<vmem>>
        %dma_wait3A_449 = arith.constant 0 : i32
        %dma_wait3A_450 = tpu.memref_slice %arg3[%dma_wait3A_449] : memref<320000xi32, #tpu.memory_space<hbm>> -> memref<40xi32, #tpu.memory_space<hbm>>
        tpu.wait_dma2 semaphore(%arg15 : memref<!tpu.dma_semaphore, #tpu.memory_space<semaphore_mem>>) src(%dma_wait3A_450 : memref<40xi32, #tpu.memory_space<hbm>>) dst(%dma_wait3A_448 : memref<40xi32, #tpu.memory_space<vmem>>)
        %dma_start3A_451 = arith.constant 0 : i32
        %dma_start3A_452 = arith.constant 0 : i32
        %dma_start3A_453 = tpu.memref_slice %arg7[%dma_start3A_451, %dma_start3A_452] : memref<5x40xi32, #tpu.memory_space<vmem>> -> memref<1x40xi32, #tpu.memory_space<vmem>>
        %dma_start3A_454 = tpu.memref_squeeze %dma_start3A_453 : memref<1x40xi32, #tpu.memory_space<vmem>> -> memref<40xi32, #tpu.memory_space<vmem>>
        %dma_start3A_455 = arith.constant 0 : i32
        %dma_start3A_456 = arith.constant 0 : i32
        %dma_start3A_457 = tpu.memref_slice %arg2[%dma_start3A_455, %dma_start3A_456] : memref<10112x128xf32, #tpu.memory_space<hbm>> -> memref<10112x128xf32, #tpu.memory_space<hbm>>
        tpu.enqueue_indirect_dma source(%dma_start3A_457 : memref<10112x128xf32, #tpu.memory_space<hbm>>) target(%arg9 : memref<40x128xf32, #tpu.memory_space<vmem>>) offsets(%dma_start3A_454 : memref<40xi32, #tpu.memory_space<vmem>>) semaphore(%arg25 : memref<!tpu.dma_semaphore, #tpu.memory_space<semaphore_mem>>)
      } else {
      }
      %mul3A_330 = arith.constant 5 : i32
      %mul3A_331 = arith.muli %scan3A_189, %mul3A_330 : i32
      %add3A_332 = arith.constant 3 : i32
      %add3A_333 = arith.addi %mul3A_331, %add3A_332 : i32
      %dma_wait3A_334 = arith.constant 3 : i32
      %dma_wait3A_335 = arith.constant 0 : i32
      %dma_wait3A_336 = tpu.memref_slice %arg7[%dma_wait3A_334, %dma_wait3A_335] : memref<5x40xi32, #tpu.memory_space<vmem>> -> memref<1x40xi32, #tpu.memory_space<vmem>>
      %dma_wait3A_337 = tpu.memref_squeeze %dma_wait3A_336 : memref<1x40xi32, #tpu.memory_space<vmem>> -> memref<40xi32, #tpu.memory_space<vmem>>
      %dma_wait3A_338 = arith.constant 0 : i32
      %dma_wait3A_339 = arith.constant 0 : i32
      %dma_wait3A_340 = tpu.memref_slice %arg2[%dma_wait3A_338, %dma_wait3A_339] : memref<10112x128xf32, #tpu.memory_space<hbm>> -> memref<10112x128xf32, #tpu.memory_space<hbm>>
      tpu.wait_indirect_dma semaphore(%arg28 : memref<!tpu.dma_semaphore, #tpu.memory_space<semaphore_mem>>) src(%dma_wait3A_340 : memref<10112x128xf32, #tpu.memory_space<hbm>>) dst(%arg12 : memref<40x128xf32, #tpu.memory_space<vmem>>)
      %dma_wait3A_341 = arith.constant 3 : i32
      %dma_wait3A_342 = arith.constant 0 : i32
      %dma_wait3A_343 = tpu.memref_slice %arg8[%dma_wait3A_341, %dma_wait3A_342] : memref<5x40xi32, #tpu.memory_space<vmem>> -> memref<1x40xi32, #tpu.memory_space<vmem>>
      %dma_wait3A_344 = tpu.memref_squeeze %dma_wait3A_343 : memref<1x40xi32, #tpu.memory_space<vmem>> -> memref<40xi32, #tpu.memory_space<vmem>>
      %dma_wait3A_345 = arith.constant 0 : i32
      %dma_wait3A_346 = tpu.memref_slice %arg3[%dma_wait3A_345] : memref<320000xi32, #tpu.memory_space<hbm>> -> memref<40xi32, #tpu.memory_space<hbm>>
      %dma_wait3A_347 = arith.constant 0 : i32
      %dma_wait3A_348 = tpu.memref_slice %arg8[%dma_wait3A_341, %dma_wait3A_347] : memref<5x40xi32, #tpu.memory_space<vmem>> -> memref<1x40xi32, #tpu.memory_space<vmem>>
      %dma_wait3A_349 = tpu.memref_squeeze %dma_wait3A_348 : memref<1x40xi32, #tpu.memory_space<vmem>> -> memref<40xi32, #tpu.memory_space<vmem>>
      %dma_wait3A_350 = arith.constant 0 : i32
      %dma_wait3A_351 = tpu.memref_slice %arg3[%dma_wait3A_350] : memref<320000xi32, #tpu.memory_space<hbm>> -> memref<40xi32, #tpu.memory_space<hbm>>
      tpu.wait_dma2 semaphore(%arg23 : memref<!tpu.dma_semaphore, #tpu.memory_space<semaphore_mem>>) src(%dma_wait3A_351 : memref<40xi32, #tpu.memory_space<hbm>>) dst(%dma_wait3A_349 : memref<40xi32, #tpu.memory_space<vmem>>)
      %dma_start3A_352 = arith.constant 3 : i32
      %dma_start3A_353 = arith.constant 0 : i32
      %dma_start3A_354 = tpu.memref_slice %arg8[%dma_start3A_352, %dma_start3A_353] : memref<5x40xi32, #tpu.memory_space<vmem>> -> memref<1x40xi32, #tpu.memory_space<vmem>>
      %dma_start3A_355 = tpu.memref_squeeze %dma_start3A_354 : memref<1x40xi32, #tpu.memory_space<vmem>> -> memref<40xi32, #tpu.memory_space<vmem>>
      %dma_start3A_356 = arith.constant 0 : i32
      %dma_start3A_357 = arith.constant 0 : i32
      %dma_start3A_358 = tpu.memref_slice %arg35[%dma_start3A_356, %dma_start3A_357] : memref<10112x128xf32, #tpu.memory_space<vmem_shared>> -> memref<10112x128xf32, #tpu.memory_space<vmem_shared>>
      tpu.enqueue_indirect_dma source(%arg12 : memref<40x128xf32, #tpu.memory_space<vmem>>) target(%dma_start3A_358 : memref<10112x128xf32, #tpu.memory_space<vmem_shared>>) offsets(%dma_start3A_355 : memref<40xi32, #tpu.memory_space<vmem>>) semaphore(%arg33 : memref<!tpu.dma_semaphore, #tpu.memory_space<semaphore_mem>>) {add = true}
      %add3A_359 = arith.constant 5 : i32
      %add3A_360 = arith.addi %add3A_333, %add3A_359 : i32
      %lt3A_361 = arith.constant 250 : i32
      %lt3A_362 = arith.cmpi slt, %add3A_360, %lt3A_361 : i32
      %convert_element_type3A_363 = arith.extui %lt3A_362 : i1 to i32
      %cond3A_364 = arith.constant 0 : i32
      %cond3A_365 = arith.cmpi ne, %convert_element_type3A_363, %cond3A_364 : i32
      scf.if %cond3A_365 {
        %add3A_426 = arith.constant 5 : i32
        %add3A_427 = arith.addi %add3A_333, %add3A_426 : i32
        %add3A_428 = arith.addi %mul3A_2, %add3A_427 : i32
        %mul3A_429 = arith.constant 40 : i32
        %mul3A_430 = arith.muli %add3A_428, %mul3A_429 : i32
        %dma_start3A_431 = arith.constant 3 : i32
        %dma_start3A_432 = arith.constant 0 : i32
        %dma_start3A_433 = tpu.memref_slice %arg7[%dma_start3A_431, %dma_start3A_432] : memref<5x40xi32, #tpu.memory_space<vmem>> -> memref<1x40xi32, #tpu.memory_space<vmem>>
        %dma_start3A_434 = tpu.memref_squeeze %dma_start3A_433 : memref<1x40xi32, #tpu.memory_space<vmem>> -> memref<40xi32, #tpu.memory_space<vmem>>
        %dma_start3A_435 = tpu.memref_slice %arg3[%mul3A_430] : memref<320000xi32, #tpu.memory_space<hbm>> -> memref<40xi32, #tpu.memory_space<hbm>>
        %dma_start3A_436 = arith.constant 0 : i32
        %dma_start3A_437 = tpu.memref_slice %arg7[%dma_start3A_431, %dma_start3A_436] : memref<5x40xi32, #tpu.memory_space<vmem>> -> memref<1x40xi32, #tpu.memory_space<vmem>>
        %dma_start3A_438 = tpu.memref_squeeze %dma_start3A_437 : memref<1x40xi32, #tpu.memory_space<vmem>> -> memref<40xi32, #tpu.memory_space<vmem>>
        %dma_start3A_439 = tpu.memref_slice %arg3[%mul3A_430] : memref<320000xi32, #tpu.memory_space<hbm>> -> memref<40xi32, #tpu.memory_space<hbm>>
        tpu.enqueue_dma source(%dma_start3A_439 : memref<40xi32, #tpu.memory_space<hbm>>) target(%dma_start3A_438 : memref<40xi32, #tpu.memory_space<vmem>>) target_semaphore(%arg18 : memref<!tpu.dma_semaphore, #tpu.memory_space<semaphore_mem>>)
      } else {
      }
      %ge3A_366 = arith.constant 2 : i32
      %ge3A_367 = arith.cmpi sge, %add3A_333, %ge3A_366 : i32
      %convert_element_type3A_368 = arith.extui %ge3A_367 : i1 to i32
      %cond3A_369 = arith.constant 0 : i32
      %cond3A_370 = arith.cmpi ne, %convert_element_type3A_368, %cond3A_369 : i32
      scf.if %cond3A_370 {
        %dma_wait3A_426 = arith.constant 1 : i32
        %dma_wait3A_427 = arith.constant 0 : i32
        %dma_wait3A_428 = tpu.memref_slice %arg8[%dma_wait3A_426, %dma_wait3A_427] : memref<5x40xi32, #tpu.memory_space<vmem>> -> memref<1x40xi32, #tpu.memory_space<vmem>>
        %dma_wait3A_429 = tpu.memref_squeeze %dma_wait3A_428 : memref<1x40xi32, #tpu.memory_space<vmem>> -> memref<40xi32, #tpu.memory_space<vmem>>
        %dma_wait3A_430 = arith.constant 0 : i32
        %dma_wait3A_431 = arith.constant 0 : i32
        %dma_wait3A_432 = tpu.memref_slice %arg35[%dma_wait3A_430, %dma_wait3A_431] : memref<10112x128xf32, #tpu.memory_space<vmem_shared>> -> memref<10112x128xf32, #tpu.memory_space<vmem_shared>>
        tpu.wait_indirect_dma semaphore(%arg31 : memref<!tpu.dma_semaphore, #tpu.memory_space<semaphore_mem>>) src(%arg10 : memref<40x128xf32, #tpu.memory_space<vmem>>) dst(%dma_wait3A_432 : memref<10112x128xf32, #tpu.memory_space<vmem_shared>>)
      } else {
      }
      %add3A_371 = arith.constant 3 : i32
      %add3A_372 = arith.addi %add3A_333, %add3A_371 : i32
      %lt3A_373 = arith.constant 250 : i32
      %lt3A_374 = arith.cmpi slt, %add3A_372, %lt3A_373 : i32
      %convert_element_type3A_375 = arith.extui %lt3A_374 : i1 to i32
      %cond3A_376 = arith.constant 0 : i32
      %cond3A_377 = arith.cmpi ne, %convert_element_type3A_375, %cond3A_376 : i32
      scf.if %cond3A_377 {
        %add3A_426 = arith.constant 3 : i32
        %add3A_427 = arith.addi %add3A_333, %add3A_426 : i32
        %add3A_428 = arith.addi %mul3A_2, %add3A_427 : i32
        %mul3A_429 = arith.constant 40 : i32
        %mul3A_430 = arith.muli %add3A_428, %mul3A_429 : i32
        %dma_start3A_431 = arith.constant 1 : i32
        %dma_start3A_432 = arith.constant 0 : i32
        %dma_start3A_433 = tpu.memref_slice %arg8[%dma_start3A_431, %dma_start3A_432] : memref<5x40xi32, #tpu.memory_space<vmem>> -> memref<1x40xi32, #tpu.memory_space<vmem>>
        %dma_start3A_434 = tpu.memref_squeeze %dma_start3A_433 : memref<1x40xi32, #tpu.memory_space<vmem>> -> memref<40xi32, #tpu.memory_space<vmem>>
        %dma_start3A_435 = tpu.memref_slice %arg4[%mul3A_430] : memref<320000xi32, #tpu.memory_space<hbm>> -> memref<40xi32, #tpu.memory_space<hbm>>
        %dma_start3A_436 = arith.constant 0 : i32
        %dma_start3A_437 = tpu.memref_slice %arg8[%dma_start3A_431, %dma_start3A_436] : memref<5x40xi32, #tpu.memory_space<vmem>> -> memref<1x40xi32, #tpu.memory_space<vmem>>
        %dma_start3A_438 = tpu.memref_squeeze %dma_start3A_437 : memref<1x40xi32, #tpu.memory_space<vmem>> -> memref<40xi32, #tpu.memory_space<vmem>>
        %dma_start3A_439 = tpu.memref_slice %arg4[%mul3A_430] : memref<320000xi32, #tpu.memory_space<hbm>> -> memref<40xi32, #tpu.memory_space<hbm>>
        tpu.enqueue_dma source(%dma_start3A_439 : memref<40xi32, #tpu.memory_space<hbm>>) target(%dma_start3A_438 : memref<40xi32, #tpu.memory_space<vmem>>) target_semaphore(%arg21 : memref<!tpu.dma_semaphore, #tpu.memory_space<semaphore_mem>>)
        %dma_wait3A_440 = arith.constant 1 : i32
        %dma_wait3A_441 = arith.constant 0 : i32
        %dma_wait3A_442 = tpu.memref_slice %arg7[%dma_wait3A_440, %dma_wait3A_441] : memref<5x40xi32, #tpu.memory_space<vmem>> -> memref<1x40xi32, #tpu.memory_space<vmem>>
        %dma_wait3A_443 = tpu.memref_squeeze %dma_wait3A_442 : memref<1x40xi32, #tpu.memory_space<vmem>> -> memref<40xi32, #tpu.memory_space<vmem>>
        %dma_wait3A_444 = arith.constant 0 : i32
        %dma_wait3A_445 = tpu.memref_slice %arg3[%dma_wait3A_444] : memref<320000xi32, #tpu.memory_space<hbm>> -> memref<40xi32, #tpu.memory_space<hbm>>
        %dma_wait3A_446 = arith.constant 0 : i32
        %dma_wait3A_447 = tpu.memref_slice %arg7[%dma_wait3A_440, %dma_wait3A_446] : memref<5x40xi32, #tpu.memory_space<vmem>> -> memref<1x40xi32, #tpu.memory_space<vmem>>
        %dma_wait3A_448 = tpu.memref_squeeze %dma_wait3A_447 : memref<1x40xi32, #tpu.memory_space<vmem>> -> memref<40xi32, #tpu.memory_space<vmem>>
        %dma_wait3A_449 = arith.constant 0 : i32
        %dma_wait3A_450 = tpu.memref_slice %arg3[%dma_wait3A_449] : memref<320000xi32, #tpu.memory_space<hbm>> -> memref<40xi32, #tpu.memory_space<hbm>>
        tpu.wait_dma2 semaphore(%arg16 : memref<!tpu.dma_semaphore, #tpu.memory_space<semaphore_mem>>) src(%dma_wait3A_450 : memref<40xi32, #tpu.memory_space<hbm>>) dst(%dma_wait3A_448 : memref<40xi32, #tpu.memory_space<vmem>>)
        %dma_start3A_451 = arith.constant 1 : i32
        %dma_start3A_452 = arith.constant 0 : i32
        %dma_start3A_453 = tpu.memref_slice %arg7[%dma_start3A_451, %dma_start3A_452] : memref<5x40xi32, #tpu.memory_space<vmem>> -> memref<1x40xi32, #tpu.memory_space<vmem>>
        %dma_start3A_454 = tpu.memref_squeeze %dma_start3A_453 : memref<1x40xi32, #tpu.memory_space<vmem>> -> memref<40xi32, #tpu.memory_space<vmem>>
        %dma_start3A_455 = arith.constant 0 : i32
        %dma_start3A_456 = arith.constant 0 : i32
        %dma_start3A_457 = tpu.memref_slice %arg2[%dma_start3A_455, %dma_start3A_456] : memref<10112x128xf32, #tpu.memory_space<hbm>> -> memref<10112x128xf32, #tpu.memory_space<hbm>>
        tpu.enqueue_indirect_dma source(%dma_start3A_457 : memref<10112x128xf32, #tpu.memory_space<hbm>>) target(%arg10 : memref<40x128xf32, #tpu.memory_space<vmem>>) offsets(%dma_start3A_454 : memref<40xi32, #tpu.memory_space<vmem>>) semaphore(%arg26 : memref<!tpu.dma_semaphore, #tpu.memory_space<semaphore_mem>>)
      } else {
      }
      %mul3A_378 = arith.constant 5 : i32
      %mul3A_379 = arith.muli %scan3A_189, %mul3A_378 : i32
      %add3A_380 = arith.constant 4 : i32
      %add3A_381 = arith.addi %mul3A_379, %add3A_380 : i32
      %dma_wait3A_382 = arith.constant 4 : i32
      %dma_wait3A_383 = arith.constant 0 : i32
      %dma_wait3A_384 = tpu.memref_slice %arg7[%dma_wait3A_382, %dma_wait3A_383] : memref<5x40xi32, #tpu.memory_space<vmem>> -> memref<1x40xi32, #tpu.memory_space<vmem>>
      %dma_wait3A_385 = tpu.memref_squeeze %dma_wait3A_384 : memref<1x40xi32, #tpu.memory_space<vmem>> -> memref<40xi32, #tpu.memory_space<vmem>>
      %dma_wait3A_386 = arith.constant 0 : i32
      %dma_wait3A_387 = arith.constant 0 : i32
      %dma_wait3A_388 = tpu.memref_slice %arg2[%dma_wait3A_386, %dma_wait3A_387] : memref<10112x128xf32, #tpu.memory_space<hbm>> -> memref<10112x128xf32, #tpu.memory_space<hbm>>
      tpu.wait_indirect_dma semaphore(%arg29 : memref<!tpu.dma_semaphore, #tpu.memory_space<semaphore_mem>>) src(%dma_wait3A_388 : memref<10112x128xf32, #tpu.memory_space<hbm>>) dst(%arg13 : memref<40x128xf32, #tpu.memory_space<vmem>>)
      %dma_wait3A_389 = arith.constant 4 : i32
      %dma_wait3A_390 = arith.constant 0 : i32
      %dma_wait3A_391 = tpu.memref_slice %arg8[%dma_wait3A_389, %dma_wait3A_390] : memref<5x40xi32, #tpu.memory_space<vmem>> -> memref<1x40xi32, #tpu.memory_space<vmem>>
      %dma_wait3A_392 = tpu.memref_squeeze %dma_wait3A_391 : memref<1x40xi32, #tpu.memory_space<vmem>> -> memref<40xi32, #tpu.memory_space<vmem>>
      %dma_wait3A_393 = arith.constant 0 : i32
      %dma_wait3A_394 = tpu.memref_slice %arg3[%dma_wait3A_393] : memref<320000xi32, #tpu.memory_space<hbm>> -> memref<40xi32, #tpu.memory_space<hbm>>
      %dma_wait3A_395 = arith.constant 0 : i32
      %dma_wait3A_396 = tpu.memref_slice %arg8[%dma_wait3A_389, %dma_wait3A_395] : memref<5x40xi32, #tpu.memory_space<vmem>> -> memref<1x40xi32, #tpu.memory_space<vmem>>
      %dma_wait3A_397 = tpu.memref_squeeze %dma_wait3A_396 : memref<1x40xi32, #tpu.memory_space<vmem>> -> memref<40xi32, #tpu.memory_space<vmem>>
      %dma_wait3A_398 = arith.constant 0 : i32
      %dma_wait3A_399 = tpu.memref_slice %arg3[%dma_wait3A_398] : memref<320000xi32, #tpu.memory_space<hbm>> -> memref<40xi32, #tpu.memory_space<hbm>>
      tpu.wait_dma2 semaphore(%arg24 : memref<!tpu.dma_semaphore, #tpu.memory_space<semaphore_mem>>) src(%dma_wait3A_399 : memref<40xi32, #tpu.memory_space<hbm>>) dst(%dma_wait3A_397 : memref<40xi32, #tpu.memory_space<vmem>>)
      %dma_start3A_400 = arith.constant 4 : i32
      %dma_start3A_401 = arith.constant 0 : i32
      %dma_start3A_402 = tpu.memref_slice %arg8[%dma_start3A_400, %dma_start3A_401] : memref<5x40xi32, #tpu.memory_space<vmem>> -> memref<1x40xi32, #tpu.memory_space<vmem>>
      %dma_start3A_403 = tpu.memref_squeeze %dma_start3A_402 : memref<1x40xi32, #tpu.memory_space<vmem>> -> memref<40xi32, #tpu.memory_space<vmem>>
      %dma_start3A_404 = arith.constant 0 : i32
      %dma_start3A_405 = arith.constant 0 : i32
      %dma_start3A_406 = tpu.memref_slice %arg35[%dma_start3A_404, %dma_start3A_405] : memref<10112x128xf32, #tpu.memory_space<vmem_shared>> -> memref<10112x128xf32, #tpu.memory_space<vmem_shared>>
      tpu.enqueue_indirect_dma source(%arg13 : memref<40x128xf32, #tpu.memory_space<vmem>>) target(%dma_start3A_406 : memref<10112x128xf32, #tpu.memory_space<vmem_shared>>) offsets(%dma_start3A_403 : memref<40xi32, #tpu.memory_space<vmem>>) semaphore(%arg34 : memref<!tpu.dma_semaphore, #tpu.memory_space<semaphore_mem>>) {add = true}
      %add3A_407 = arith.constant 5 : i32
      %add3A_408 = arith.addi %add3A_381, %add3A_407 : i32
      %lt3A_409 = arith.constant 250 : i32
      %lt3A_410 = arith.cmpi slt, %add3A_408, %lt3A_409 : i32
      %convert_element_type3A_411 = arith.extui %lt3A_410 : i1 to i32
      %cond3A_412 = arith.constant 0 : i32
      %cond3A_413 = arith.cmpi ne, %convert_element_type3A_411, %cond3A_412 : i32
      scf.if %cond3A_413 {
        %add3A_426 = arith.constant 5 : i32
        %add3A_427 = arith.addi %add3A_381, %add3A_426 : i32
        %add3A_428 = arith.addi %mul3A_2, %add3A_427 : i32
        %mul3A_429 = arith.constant 40 : i32
        %mul3A_430 = arith.muli %add3A_428, %mul3A_429 : i32
        %dma_start3A_431 = arith.constant 4 : i32
        %dma_start3A_432 = arith.constant 0 : i32
        %dma_start3A_433 = tpu.memref_slice %arg7[%dma_start3A_431, %dma_start3A_432] : memref<5x40xi32, #tpu.memory_space<vmem>> -> memref<1x40xi32, #tpu.memory_space<vmem>>
        %dma_start3A_434 = tpu.memref_squeeze %dma_start3A_433 : memref<1x40xi32, #tpu.memory_space<vmem>> -> memref<40xi32, #tpu.memory_space<vmem>>
        %dma_start3A_435 = tpu.memref_slice %arg3[%mul3A_430] : memref<320000xi32, #tpu.memory_space<hbm>> -> memref<40xi32, #tpu.memory_space<hbm>>
        %dma_start3A_436 = arith.constant 0 : i32
        %dma_start3A_437 = tpu.memref_slice %arg7[%dma_start3A_431, %dma_start3A_436] : memref<5x40xi32, #tpu.memory_space<vmem>> -> memref<1x40xi32, #tpu.memory_space<vmem>>
        %dma_start3A_438 = tpu.memref_squeeze %dma_start3A_437 : memref<1x40xi32, #tpu.memory_space<vmem>> -> memref<40xi32, #tpu.memory_space<vmem>>
        %dma_start3A_439 = tpu.memref_slice %arg3[%mul3A_430] : memref<320000xi32, #tpu.memory_space<hbm>> -> memref<40xi32, #tpu.memory_space<hbm>>
        tpu.enqueue_dma source(%dma_start3A_439 : memref<40xi32, #tpu.memory_space<hbm>>) target(%dma_start3A_438 : memref<40xi32, #tpu.memory_space<vmem>>) target_semaphore(%arg19 : memref<!tpu.dma_semaphore, #tpu.memory_space<semaphore_mem>>)
      } else {
      }
      %ge3A_414 = arith.constant 2 : i32
      %ge3A_415 = arith.cmpi sge, %add3A_381, %ge3A_414 : i32
      %convert_element_type3A_416 = arith.extui %ge3A_415 : i1 to i32
      %cond3A_417 = arith.constant 0 : i32
      %cond3A_418 = arith.cmpi ne, %convert_element_type3A_416, %cond3A_417 : i32
      scf.if %cond3A_418 {
        %dma_wait3A_426 = arith.constant 2 : i32
        %dma_wait3A_427 = arith.constant 0 : i32
        %dma_wait3A_428 = tpu.memref_slice %arg8[%dma_wait3A_426, %dma_wait3A_427] : memref<5x40xi32, #tpu.memory_space<vmem>> -> memref<1x40xi32, #tpu.memory_space<vmem>>
        %dma_wait3A_429 = tpu.memref_squeeze %dma_wait3A_428 : memref<1x40xi32, #tpu.memory_space<vmem>> -> memref<40xi32, #tpu.memory_space<vmem>>
        %dma_wait3A_430 = arith.constant 0 : i32
        %dma_wait3A_431 = arith.constant 0 : i32
        %dma_wait3A_432 = tpu.memref_slice %arg35[%dma_wait3A_430, %dma_wait3A_431] : memref<10112x128xf32, #tpu.memory_space<vmem_shared>> -> memref<10112x128xf32, #tpu.memory_space<vmem_shared>>
        tpu.wait_indirect_dma semaphore(%arg32 : memref<!tpu.dma_semaphore, #tpu.memory_space<semaphore_mem>>) src(%arg11 : memref<40x128xf32, #tpu.memory_space<vmem>>) dst(%dma_wait3A_432 : memref<10112x128xf32, #tpu.memory_space<vmem_shared>>)
      } else {
      }
      %add3A_419 = arith.constant 3 : i32
      %add3A_420 = arith.addi %add3A_381, %add3A_419 : i32
      %lt3A_421 = arith.constant 250 : i32
      %lt3A_422 = arith.cmpi slt, %add3A_420, %lt3A_421 : i32
      %convert_element_type3A_423 = arith.extui %lt3A_422 : i1 to i32
      %cond3A_424 = arith.constant 0 : i32
      %cond3A_425 = arith.cmpi ne, %convert_element_type3A_423, %cond3A_424 : i32
      scf.if %cond3A_425 {
        %add3A_426 = arith.constant 3 : i32
        %add3A_427 = arith.addi %add3A_381, %add3A_426 : i32
        %add3A_428 = arith.addi %mul3A_2, %add3A_427 : i32
        %mul3A_429 = arith.constant 40 : i32
        %mul3A_430 = arith.muli %add3A_428, %mul3A_429 : i32
        %dma_start3A_431 = arith.constant 2 : i32
        %dma_start3A_432 = arith.constant 0 : i32
        %dma_start3A_433 = tpu.memref_slice %arg8[%dma_start3A_431, %dma_start3A_432] : memref<5x40xi32, #tpu.memory_space<vmem>> -> memref<1x40xi32, #tpu.memory_space<vmem>>
        %dma_start3A_434 = tpu.memref_squeeze %dma_start3A_433 : memref<1x40xi32, #tpu.memory_space<vmem>> -> memref<40xi32, #tpu.memory_space<vmem>>
        %dma_start3A_435 = tpu.memref_slice %arg4[%mul3A_430] : memref<320000xi32, #tpu.memory_space<hbm>> -> memref<40xi32, #tpu.memory_space<hbm>>
        %dma_start3A_436 = arith.constant 0 : i32
        %dma_start3A_437 = tpu.memref_slice %arg8[%dma_start3A_431, %dma_start3A_436] : memref<5x40xi32, #tpu.memory_space<vmem>> -> memref<1x40xi32, #tpu.memory_space<vmem>>
        %dma_start3A_438 = tpu.memref_squeeze %dma_start3A_437 : memref<1x40xi32, #tpu.memory_space<vmem>> -> memref<40xi32, #tpu.memory_space<vmem>>
        %dma_start3A_439 = tpu.memref_slice %arg4[%mul3A_430] : memref<320000xi32, #tpu.memory_space<hbm>> -> memref<40xi32, #tpu.memory_space<hbm>>
        tpu.enqueue_dma source(%dma_start3A_439 : memref<40xi32, #tpu.memory_space<hbm>>) target(%dma_start3A_438 : memref<40xi32, #tpu.memory_space<vmem>>) target_semaphore(%arg22 : memref<!tpu.dma_semaphore, #tpu.memory_space<semaphore_mem>>)
        %dma_wait3A_440 = arith.constant 2 : i32
        %dma_wait3A_441 = arith.constant 0 : i32
        %dma_wait3A_442 = tpu.memref_slice %arg7[%dma_wait3A_440, %dma_wait3A_441] : memref<5x40xi32, #tpu.memory_space<vmem>> -> memref<1x40xi32, #tpu.memory_space<vmem>>
        %dma_wait3A_443 = tpu.memref_squeeze %dma_wait3A_442 : memref<1x40xi32, #tpu.memory_space<vmem>> -> memref<40xi32, #tpu.memory_space<vmem>>
        %dma_wait3A_444 = arith.constant 0 : i32
        %dma_wait3A_445 = tpu.memref_slice %arg3[%dma_wait3A_444] : memref<320000xi32, #tpu.memory_space<hbm>> -> memref<40xi32, #tpu.memory_space<hbm>>
        %dma_wait3A_446 = arith.constant 0 : i32
        %dma_wait3A_447 = tpu.memref_slice %arg7[%dma_wait3A_440, %dma_wait3A_446] : memref<5x40xi32, #tpu.memory_space<vmem>> -> memref<1x40xi32, #tpu.memory_space<vmem>>
        %dma_wait3A_448 = tpu.memref_squeeze %dma_wait3A_447 : memref<1x40xi32, #tpu.memory_space<vmem>> -> memref<40xi32, #tpu.memory_space<vmem>>
        %dma_wait3A_449 = arith.constant 0 : i32
        %dma_wait3A_450 = tpu.memref_slice %arg3[%dma_wait3A_449] : memref<320000xi32, #tpu.memory_space<hbm>> -> memref<40xi32, #tpu.memory_space<hbm>>
        tpu.wait_dma2 semaphore(%arg17 : memref<!tpu.dma_semaphore, #tpu.memory_space<semaphore_mem>>) src(%dma_wait3A_450 : memref<40xi32, #tpu.memory_space<hbm>>) dst(%dma_wait3A_448 : memref<40xi32, #tpu.memory_space<vmem>>)
        %dma_start3A_451 = arith.constant 2 : i32
        %dma_start3A_452 = arith.constant 0 : i32
        %dma_start3A_453 = tpu.memref_slice %arg7[%dma_start3A_451, %dma_start3A_452] : memref<5x40xi32, #tpu.memory_space<vmem>> -> memref<1x40xi32, #tpu.memory_space<vmem>>
        %dma_start3A_454 = tpu.memref_squeeze %dma_start3A_453 : memref<1x40xi32, #tpu.memory_space<vmem>> -> memref<40xi32, #tpu.memory_space<vmem>>
        %dma_start3A_455 = arith.constant 0 : i32
        %dma_start3A_456 = arith.constant 0 : i32
        %dma_start3A_457 = tpu.memref_slice %arg2[%dma_start3A_455, %dma_start3A_456] : memref<10112x128xf32, #tpu.memory_space<hbm>> -> memref<10112x128xf32, #tpu.memory_space<hbm>>
        tpu.enqueue_indirect_dma source(%dma_start3A_457 : memref<10112x128xf32, #tpu.memory_space<hbm>>) target(%arg11 : memref<40x128xf32, #tpu.memory_space<vmem>>) offsets(%dma_start3A_454 : memref<40xi32, #tpu.memory_space<vmem>>) semaphore(%arg27 : memref<!tpu.dma_semaphore, #tpu.memory_space<semaphore_mem>>)
      } else {
      }
    }
    %scan3A_169 = arith.constant 50 : i32
    %dma_wait3A_170 = arith.constant 3 : i32
    %dma_wait3A_171 = arith.constant 0 : i32
    %dma_wait3A_172 = tpu.memref_slice %arg8[%dma_wait3A_170, %dma_wait3A_171] : memref<5x40xi32, #tpu.memory_space<vmem>> -> memref<1x40xi32, #tpu.memory_space<vmem>>
    %dma_wait3A_173 = tpu.memref_squeeze %dma_wait3A_172 : memref<1x40xi32, #tpu.memory_space<vmem>> -> memref<40xi32, #tpu.memory_space<vmem>>
    %dma_wait3A_174 = arith.constant 0 : i32
    %dma_wait3A_175 = arith.constant 0 : i32
    %dma_wait3A_176 = tpu.memref_slice %arg35[%dma_wait3A_174, %dma_wait3A_175] : memref<10112x128xf32, #tpu.memory_space<vmem_shared>> -> memref<10112x128xf32, #tpu.memory_space<vmem_shared>>
    tpu.wait_indirect_dma semaphore(%arg33 : memref<!tpu.dma_semaphore, #tpu.memory_space<semaphore_mem>>) src(%arg12 : memref<40x128xf32, #tpu.memory_space<vmem>>) dst(%dma_wait3A_176 : memref<10112x128xf32, #tpu.memory_space<vmem_shared>>)
    %dma_wait3A_177 = arith.constant 4 : i32
    %dma_wait3A_178 = arith.constant 0 : i32
    %dma_wait3A_179 = tpu.memref_slice %arg8[%dma_wait3A_177, %dma_wait3A_178] : memref<5x40xi32, #tpu.memory_space<vmem>> -> memref<1x40xi32, #tpu.memory_space<vmem>>
    %dma_wait3A_180 = tpu.memref_squeeze %dma_wait3A_179 : memref<1x40xi32, #tpu.memory_space<vmem>> -> memref<40xi32, #tpu.memory_space<vmem>>
    %dma_wait3A_181 = arith.constant 0 : i32
    %dma_wait3A_182 = arith.constant 0 : i32
    %dma_wait3A_183 = tpu.memref_slice %arg35[%dma_wait3A_181, %dma_wait3A_182] : memref<10112x128xf32, #tpu.memory_space<vmem_shared>> -> memref<10112x128xf32, #tpu.memory_space<vmem_shared>>
    tpu.wait_indirect_dma semaphore(%arg34 : memref<!tpu.dma_semaphore, #tpu.memory_space<semaphore_mem>>) src(%arg13 : memref<40x128xf32, #tpu.memory_space<vmem>>) dst(%dma_wait3A_183 : memref<10112x128xf32, #tpu.memory_space<vmem_shared>>)
    %barrier3A_184 = arith.constant 0 : index
    tpu.barrier barrier_id(%barrier3A_184)
    %mul3A_185 = arith.constant 632 : i32
    %mul3A_186 = arith.muli %arg1, %mul3A_185 : i32
    %mul3A_187 = arith.constant 632 : i32
    %mul3A_188 = arith.muli %arg1, %mul3A_187 : i32
    "tpu.region"() ({
      %run_scoped3A = tpu.sem_alloc : memref<!tpu.dma_semaphore, #tpu.memory_space<semaphore_mem>>
      %dma_start3A_189 = arith.constant 0 : i32
      %dma_start3A_190 = tpu.memref_slice %arg6[%arg0, %mul3A_188, %dma_start3A_189] : memref<2x10112x128xf32, #tpu.memory_space<hbm>> -> memref<1x632x128xf32, #tpu.memory_space<hbm>>
      %dma_start3A_191 = tpu.memref_squeeze %dma_start3A_190 : memref<1x632x128xf32, #tpu.memory_space<hbm>> -> memref<632x128xf32, #tpu.memory_space<hbm>>
      %dma_start3A_192 = arith.constant 0 : i32
      %dma_start3A_193 = tpu.memref_slice %arg35[%mul3A_186, %dma_start3A_192] : memref<10112x128xf32, #tpu.memory_space<vmem_shared>> -> memref<632x128xf32, #tpu.memory_space<vmem_shared>>
      tpu.enqueue_dma source(%dma_start3A_193 : memref<632x128xf32, #tpu.memory_space<vmem_shared>>) target(%dma_start3A_191 : memref<632x128xf32, #tpu.memory_space<hbm>>) target_semaphore(%run_scoped3A : memref<!tpu.dma_semaphore, #tpu.memory_space<semaphore_mem>>)
      %dma_wait3A_194 = arith.constant 0 : i32
      %dma_wait3A_195 = tpu.memref_slice %arg6[%arg0, %mul3A_188, %dma_wait3A_194] : memref<2x10112x128xf32, #tpu.memory_space<hbm>> -> memref<1x632x128xf32, #tpu.memory_space<hbm>>
      %dma_wait3A_196 = tpu.memref_squeeze %dma_wait3A_195 : memref<1x632x128xf32, #tpu.memory_space<hbm>> -> memref<632x128xf32, #tpu.memory_space<hbm>>
      %dma_wait3A_197 = arith.constant 0 : i32
      %dma_wait3A_198 = tpu.memref_slice %arg35[%mul3A_186, %dma_wait3A_197] : memref<10112x128xf32, #tpu.memory_space<vmem_shared>> -> memref<632x128xf32, #tpu.memory_space<vmem_shared>>
      tpu.wait_dma2 semaphore(%run_scoped3A : memref<!tpu.dma_semaphore, #tpu.memory_space<semaphore_mem>>) src(%dma_wait3A_198 : memref<632x128xf32, #tpu.memory_space<vmem_shared>>) dst(%dma_wait3A_196 : memref<632x128xf32, #tpu.memory_space<hbm>>)
      tpu.yield
    }) : () -> ()
    return
  }
}

module attributes {stable_mosaic.version = 14 : i64} {
  func.func @_mm1_body(%arg0: i32, %arg1: memref<632x128xf32, #tpu.memory_space<vmem>>, %arg2: memref<632x1xf32, #tpu.memory_space<vmem>>, %arg3: memref<128x128xf32, #tpu.memory_space<vmem>>, %arg4: memref<632x128xf32, #tpu.memory_space<vmem>>) attributes {dimension_semantics = [#tpu.dimension_semantics<arbitrary>], iteration_bounds = array<i64: 16>, scalar_prefetch = 0 : i64, scratch_operands = 0 : i64, tpu.core_type = #tpu.core_type<tc>, window_params = [{transform_indices = @transform_0, window_bounds = array<i64: 632, 128>}, {transform_indices = @transform_1, window_bounds = array<i64: 632, 1>}, {pipeline_mode = #tpu.pipeline_mode<synchronous>, transform_indices = @transform_2, window_bounds = array<i64: 128, 128>}, {transform_indices = @transform_3, window_bounds = array<i64: 632, 128>}]} {
    %get3A = arith.constant 0 : index
    %get3A_0 = arith.constant 0 : index
    %get3A_1 = vector.load %arg1[%get3A, %get3A_0] : memref<632x128xf32, #tpu.memory_space<vmem>>, vector<632x128xf32>
    %get3A_2 = arith.constant 0 : index
    %get3A_3 = arith.constant 0 : index
    %get3A_4 = vector.load %arg2[%get3A_2, %get3A_3] : memref<632x1xf32, #tpu.memory_space<vmem>>, vector<632x1xf32>
    %mul3A = vector.broadcast %get3A_4 : vector<632x1xf32> to vector<632x128xf32>
    %mul3A_5 = arith.mulf %get3A_1, %mul3A : vector<632x128xf32>
    %get3A_6 = arith.constant 0 : index
    %get3A_7 = arith.constant 0 : index
    %get3A_8 = vector.load %arg3[%get3A_6, %get3A_7] : memref<128x128xf32, #tpu.memory_space<vmem>>, vector<128x128xf32>
    %dot_general3A = arith.constant dense<0.000000e+00> : vector<632x128xf32>
    %dot_general3A_9 = tpu.matmul %mul3A_5, %get3A_8, %dot_general3A {dimension_numbers = #tpu.dot_dimension_numbers<[1], [0], [0], [1], [0, 0, 1, 1], [], []>, transpose_lhs_hint = false} : vector<632x128xf32>, vector<128x128xf32>, vector<632x128xf32> -> vector<632x128xf32>
    %swap3A = arith.constant 0 : index
    %swap3A_10 = arith.constant 0 : index
    %swap3A_11 = vector.load %arg4[%swap3A, %swap3A_10] : memref<632x128xf32, #tpu.memory_space<vmem>>, vector<632x128xf32>
    tpu.vector_store %arg4[%swap3A, %swap3A_10], %dot_general3A_9 {strides = array<i32>} : memref<632x128xf32, #tpu.memory_space<vmem>>, vector<632x128xf32>,
    return
  }
  func.func @transform_0(%arg0: i32) -> (i32, i32) {
    %c0_i32 = arith.constant 0 : i32
    %c0_i32_0 = arith.constant 0 : i32
    return %arg0, %c0_i32 : i32, i32
  }
  func.func @transform_1(%arg0: i32) -> (i32, i32) {
    %c0_i32 = arith.constant 0 : i32
    %c0_i32_0 = arith.constant 0 : i32
    return %arg0, %c0_i32 : i32, i32
  }
  func.func @transform_2(%arg0: i32) -> (i32, i32) {
    %c0_i32 = arith.constant 0 : i32
    %c0_i32_0 = arith.constant 0 : i32
    %c0_i32_1 = arith.constant 0 : i32
    return %c0_i32, %c0_i32_0 : i32, i32
  }
  func.func @transform_3(%arg0: i32) -> (i32, i32) {
    %c0_i32 = arith.constant 0 : i32
    %c0_i32_0 = arith.constant 0 : i32
    return %arg0, %c0_i32 : i32, i32
  }
}

module attributes {stable_mosaic.version = 14 : i64} {
  func.func @_epi1_body(%arg0: i32, %arg1: memref<2x632x128xf32, #tpu.memory_space<vmem>>, %arg2: memref<632x128xf32, #tpu.memory_space<vmem>>, %arg3: memref<632x1xf32, #tpu.memory_space<vmem>>, %arg4: memref<1x128xf32, #tpu.memory_space<vmem>>, %arg5: memref<128x64xf32, #tpu.memory_space<vmem>>, %arg6: memref<632x64xf32, #tpu.memory_space<vmem>>) attributes {dimension_semantics = [#tpu.dimension_semantics<arbitrary>], iteration_bounds = array<i64: 16>, scalar_prefetch = 0 : i64, scratch_operands = 0 : i64, tpu.core_type = #tpu.core_type<tc>, window_params = [{transform_indices = @transform_0, window_bounds = array<i64: 2, 632, 128>}, {transform_indices = @transform_1, window_bounds = array<i64: 632, 128>}, {transform_indices = @transform_2, window_bounds = array<i64: 632, 1>}, {pipeline_mode = #tpu.pipeline_mode<synchronous>, transform_indices = @transform_3, window_bounds = array<i64: 1, 128>}, {pipeline_mode = #tpu.pipeline_mode<synchronous>, transform_indices = @transform_4, window_bounds = array<i64: 128, 64>}, {transform_indices = @transform_5, window_bounds = array<i64: 632, 64>}]} {
    %get3A = arith.constant 0 : index
    %get3A_0 = arith.constant 0 : index
    %get3A_1 = arith.constant 0 : index
    %get3A_2 = vector.load %arg1[%get3A, %get3A_0, %get3A_1] : memref<2x632x128xf32, #tpu.memory_space<vmem>>, vector<1x632x128xf32>
    %get3A_3 = vector.shape_cast %get3A_2 : vector<1x632x128xf32> to vector<632x128xf32>
    %get3A_4 = arith.constant 1 : index
    %get3A_5 = arith.constant 0 : index
    %get3A_6 = arith.constant 0 : index
    %get3A_7 = vector.load %arg1[%get3A_4, %get3A_5, %get3A_6] : memref<2x632x128xf32, #tpu.memory_space<vmem>>, vector<1x632x128xf32>
    %get3A_8 = vector.shape_cast %get3A_7 : vector<1x632x128xf32> to vector<632x128xf32>
    %add3A = arith.addf %get3A_3, %get3A_8 : vector<632x128xf32>
    %get3A_9 = arith.constant 0 : index
    %get3A_10 = arith.constant 0 : index
    %get3A_11 = vector.load %arg2[%get3A_9, %get3A_10] : memref<632x128xf32, #tpu.memory_space<vmem>>, vector<632x128xf32>
    %add3A_12 = arith.addf %add3A, %get3A_11 : vector<632x128xf32>
    %get3A_13 = arith.constant 0 : index
    %get3A_14 = arith.constant 0 : index
    %get3A_15 = vector.load %arg3[%get3A_13, %get3A_14] : memref<632x1xf32, #tpu.memory_space<vmem>>, vector<632x1xf32>
    %mul3A = vector.broadcast %get3A_15 : vector<632x1xf32> to vector<632x128xf32>
    %mul3A_16 = arith.mulf %mul3A, %add3A_12 : vector<632x128xf32>
    %get3A_17 = arith.constant 0 : index
    %get3A_18 = arith.constant 0 : index
    %get3A_19 = vector.load %arg4[%get3A_17, %get3A_18] : memref<1x128xf32, #tpu.memory_space<vmem>>, vector<1x128xf32>
    %add3A_20 = vector.broadcast %get3A_19 : vector<1x128xf32> to vector<632x128xf32>
    %add3A_21 = arith.addf %mul3A_16, %add3A_20 : vector<632x128xf32>
    %max3A = arith.constant 0.000000e+00 : f32
    %max3A_22 = vector.broadcast %max3A : f32 to vector<632x128xf32>
    %max3A_23 = arith.maximumf %add3A_21, %max3A_22 : vector<632x128xf32>
    %mul3A_24 = vector.broadcast %get3A_15 : vector<632x1xf32> to vector<632x128xf32>
    %mul3A_25 = arith.mulf %mul3A_24, %max3A_23 : vector<632x128xf32>
    %get3A_26 = arith.constant 0 : index
    %get3A_27 = arith.constant 0 : index
    %get3A_28 = vector.load %arg5[%get3A_26, %get3A_27] : memref<128x64xf32, #tpu.memory_space<vmem>>, vector<128x64xf32>
    %dot_general3A = arith.constant dense<0.000000e+00> : vector<632x64xf32>
    %dot_general3A_29 = tpu.matmul %mul3A_25, %get3A_28, %dot_general3A {dimension_numbers = #tpu.dot_dimension_numbers<[1], [0], [0], [1], [0, 0, 1, 1], [], []>, transpose_lhs_hint = false} : vector<632x128xf32>, vector<128x64xf32>, vector<632x64xf32> -> vector<632x64xf32>
    %swap3A = arith.constant 0 : index
    %swap3A_30 = arith.constant 0 : index
    %swap3A_31 = vector.load %arg6[%swap3A, %swap3A_30] : memref<632x64xf32, #tpu.memory_space<vmem>>, vector<632x64xf32>
    tpu.vector_store %arg6[%swap3A, %swap3A_30], %dot_general3A_29 {strides = array<i32>} : memref<632x64xf32, #tpu.memory_space<vmem>>, vector<632x64xf32>,
    return
  }
  func.func @transform_0(%arg0: i32) -> (i32, i32, i32) {
    %c0_i32 = arith.constant 0 : i32
    %c0_i32_0 = arith.constant 0 : i32
    %c0_i32_1 = arith.constant 0 : i32
    return %c0_i32, %arg0, %c0_i32_0 : i32, i32, i32
  }
  func.func @transform_1(%arg0: i32) -> (i32, i32) {
    %c0_i32 = arith.constant 0 : i32
    %c0_i32_0 = arith.constant 0 : i32
    return %arg0, %c0_i32 : i32, i32
  }
  func.func @transform_2(%arg0: i32) -> (i32, i32) {
    %c0_i32 = arith.constant 0 : i32
    %c0_i32_0 = arith.constant 0 : i32
    return %arg0, %c0_i32 : i32, i32
  }
  func.func @transform_3(%arg0: i32) -> (i32, i32) {
    %c0_i32 = arith.constant 0 : i32
    %c0_i32_0 = arith.constant 0 : i32
    %c0_i32_1 = arith.constant 0 : i32
    return %c0_i32, %c0_i32_0 : i32, i32
  }
  func.func @transform_4(%arg0: i32) -> (i32, i32) {
    %c0_i32 = arith.constant 0 : i32
    %c0_i32_0 = arith.constant 0 : i32
    %c0_i32_1 = arith.constant 0 : i32
    return %c0_i32, %c0_i32_0 : i32, i32
  }
  func.func @transform_5(%arg0: i32) -> (i32, i32) {
    %c0_i32 = arith.constant 0 : i32
    %c0_i32_0 = arith.constant 0 : i32
    return %arg0, %c0_i32 : i32, i32
  }
}

module attributes {stable_mosaic.version = 14 : i64} {
  func.func @_epi2_body(%arg0: i32, %arg1: memref<2x632x64xf32, #tpu.memory_space<vmem>>, %arg2: memref<632x64xf32, #tpu.memory_space<vmem>>, %arg3: memref<632x1xf32, #tpu.memory_space<vmem>>, %arg4: memref<1x64xf32, #tpu.memory_space<vmem>>, %arg5: memref<632x64xf32, #tpu.memory_space<vmem>>) attributes {dimension_semantics = [#tpu.dimension_semantics<arbitrary>], iteration_bounds = array<i64: 16>, scalar_prefetch = 0 : i64, scratch_operands = 0 : i64, tpu.core_type = #tpu.core_type<tc>, window_params = [{transform_indices = @transform_0, window_bounds = array<i64: 2, 632, 64>}, {transform_indices = @transform_1, window_bounds = array<i64: 632, 64>}, {transform_indices = @transform_2, window_bounds = array<i64: 632, 1>}, {pipeline_mode = #tpu.pipeline_mode<synchronous>, transform_indices = @transform_3, window_bounds = array<i64: 1, 64>}, {transform_indices = @transform_4, window_bounds = array<i64: 632, 64>}]} {
    %get3A = arith.constant 0 : index
    %get3A_0 = arith.constant 0 : index
    %get3A_1 = arith.constant 0 : index
    %get3A_2 = vector.load %arg1[%get3A, %get3A_0, %get3A_1] : memref<2x632x64xf32, #tpu.memory_space<vmem>>, vector<1x632x64xf32>
    %get3A_3 = vector.shape_cast %get3A_2 : vector<1x632x64xf32> to vector<632x64xf32>
    %get3A_4 = arith.constant 1 : index
    %get3A_5 = arith.constant 0 : index
    %get3A_6 = arith.constant 0 : index
    %get3A_7 = vector.load %arg1[%get3A_4, %get3A_5, %get3A_6] : memref<2x632x64xf32, #tpu.memory_space<vmem>>, vector<1x632x64xf32>
    %get3A_8 = vector.shape_cast %get3A_7 : vector<1x632x64xf32> to vector<632x64xf32>
    %add3A = arith.addf %get3A_3, %get3A_8 : vector<632x64xf32>
    %get3A_9 = arith.constant 0 : index
    %get3A_10 = arith.constant 0 : index
    %get3A_11 = vector.load %arg2[%get3A_9, %get3A_10] : memref<632x64xf32, #tpu.memory_space<vmem>>, vector<632x64xf32>
    %add3A_12 = arith.addf %add3A, %get3A_11 : vector<632x64xf32>
    %get3A_13 = arith.constant 0 : index
    %get3A_14 = arith.constant 0 : index
    %get3A_15 = vector.load %arg3[%get3A_13, %get3A_14] : memref<632x1xf32, #tpu.memory_space<vmem>>, vector<632x1xf32>
    %mul3A = vector.broadcast %get3A_15 : vector<632x1xf32> to vector<632x64xf32>
    %mul3A_16 = arith.mulf %mul3A, %add3A_12 : vector<632x64xf32>
    %get3A_17 = arith.constant 0 : index
    %get3A_18 = arith.constant 0 : index
    %get3A_19 = vector.load %arg4[%get3A_17, %get3A_18] : memref<1x64xf32, #tpu.memory_space<vmem>>, vector<1x64xf32>
    %add3A_20 = vector.broadcast %get3A_19 : vector<1x64xf32> to vector<632x64xf32>
    %add3A_21 = arith.addf %mul3A_16, %add3A_20 : vector<632x64xf32>
    %reduce_max3A = arith.constant dense<0xFF800000> : vector<632xf32>
    %reduce_max3A_22 = vector.multi_reduction <maximumf>, %add3A_21, %reduce_max3A [1] : vector<632x64xf32> to vector<632xf32>
    %broadcast_in_dim3A = vector.shape_cast %reduce_max3A_22 : vector<632xf32> to vector<632x1xf32>
    %sub3A = vector.broadcast %broadcast_in_dim3A : vector<632x1xf32> to vector<632x64xf32>
    %sub3A_23 = arith.subf %add3A_21, %sub3A : vector<632x64xf32>
    %exp3A = math.exp %sub3A_23 : vector<632x64xf32>
    %reduce_sum3A = arith.constant dense<0.000000e+00> : vector<632xf32>
    %reduce_sum3A_24 = vector.multi_reduction <add>, %exp3A, %reduce_sum3A [1] : vector<632x64xf32> to vector<632xf32>
    %broadcast_in_dim3A_25 = vector.shape_cast %reduce_sum3A_24 : vector<632xf32> to vector<632x1xf32>
    %log3A = math.log %broadcast_in_dim3A_25 : vector<632x1xf32>
    %sub3A_26 = vector.broadcast %broadcast_in_dim3A : vector<632x1xf32> to vector<632x64xf32>
    %sub3A_27 = arith.subf %add3A_21, %sub3A_26 : vector<632x64xf32>
    %sub3A_28 = vector.broadcast %log3A : vector<632x1xf32> to vector<632x64xf32>
    %sub3A_29 = arith.subf %sub3A_27, %sub3A_28 : vector<632x64xf32>
    %swap3A = arith.constant 0 : index
    %swap3A_30 = arith.constant 0 : index
    %swap3A_31 = vector.load %arg5[%swap3A, %swap3A_30] : memref<632x64xf32, #tpu.memory_space<vmem>>, vector<632x64xf32>
    tpu.vector_store %arg5[%swap3A, %swap3A_30], %sub3A_29 {strides = array<i32>} : memref<632x64xf32, #tpu.memory_space<vmem>>, vector<632x64xf32>,
    return
  }
  func.func @transform_0(%arg0: i32) -> (i32, i32, i32) {
    %c0_i32 = arith.constant 0 : i32
    %c0_i32_0 = arith.constant 0 : i32
    %c0_i32_1 = arith.constant 0 : i32
    return %c0_i32, %arg0, %c0_i32_0 : i32, i32, i32
  }
  func.func @transform_1(%arg0: i32) -> (i32, i32) {
    %c0_i32 = arith.constant 0 : i32
    %c0_i32_0 = arith.constant 0 : i32
    return %arg0, %c0_i32 : i32, i32
  }
  func.func @transform_2(%arg0: i32) -> (i32, i32) {
    %c0_i32 = arith.constant 0 : i32
    %c0_i32_0 = arith.constant 0 : i32
    return %arg0, %c0_i32 : i32, i32
  }
  func.func @transform_3(%arg0: i32) -> (i32, i32) {
    %c0_i32 = arith.constant 0 : i32
    %c0_i32_0 = arith.constant 0 : i32
    %c0_i32_1 = arith.constant 0 : i32
    return %c0_i32, %c0_i32_0 : i32, i32
  }
  func.func @transform_4(%arg0: i32) -> (i32, i32) {
    %c0_i32 = arith.constant 0 : i32
    %c0_i32_0 = arith.constant 0 : i32
    return %arg0, %c0_i32 : i32, i32
  }
}

</mosaic_0001>

<sc_bundles>
// kernel: kernel.11.cloned.1.call-start
scs
__scs_entry_jumppad:
0x0: {  	(pc) =	sbr.rel $0x88, $3  }
0x1: {  	(tag) =	ssettag $0x0;
	lr =	simm.s32 $0x1  }
0x2: {  	[smem:$0x3F9B] =	sst lr;
	_ =	strace $0xD0000000  }
0x3: {  	_ = 	snop  }
0x4: {  	_ = 	snop  }
0x5: {  	_ = 	snop  }
0x6: {  	_ = 	snop  }
0x7: {  	_ = 	snop  }
__scs_overlays_trampoline_lowered:
0x8: {  	[smem:$0x3FAA] =	sst s0  }
0x9: {  	[smem:$0x3FAB] =	sst s1  }
0xa: {  	[smem:$0x3FAC] =	sst s2  }
0xb: {  	[smem:$0x3FAD] =	sst s3  }
0xc: {  	[smem:$0x3FAE] =	sst s4  }
0xd: {  	[smem:$0x3FAF] =	sst s5  }
0xe: {  	[smem:$0x3FB0] =	sst s6  }
0xf: {  	[smem:$0x3FB1] =	sst s7  }
0x10: {  	[smem:$0x3FB2] =	sst s8  }
0x11: {  	[smem:$0x3FB3] =	sst s9;
	s0 =	simm.s32 @!p0 $0x0  }
0x12: {  	s1 =	sld [smem:$0x3F99];
	s0 =	simm.s32 @p0 $0x1  }
0x13: {  	[smem:$0x3FB4] =	sst s0;
	s0 =	simm.s32 @!p1 $0x0  }
0x14: {  	s2 =	sld [smem:$0x3F98];
	s0 =	simm.s32 @p1 $0x1  }
0x15: {  	[smem:$0x3FB5] =	sst s0;
	s0 =	simm.s32 @!p2 $0x0  }
0x16: {  	s3 =	sld [smem:$0x3FDB];
	s0 =	simm.s32 @p2 $0x1  }
0x17: {  	s4 =	simm.s32 $0x1BF5;
	[smem:$0x3FB7] =	sst s0  }
0x18: {  	s0 =	sld [smem:$0x3F9A];
	_ =	swait.ge [sflag:s4], $0x0  }
0x19: {  	s7 =	sld [smem:$0x3F9B]  }
0x1a: {  	s8 =	sadd.s32 $0xFFFFE003, lr  }
0x1b: {  	s9 =	sadd.s32 $0xFFFFFEF7, lr;
	s5 =	simm.s32 $0xFFFFFFFF;
	p2 =	slt.u32 s8, $0xFFFFF086  }
0x1c: {  	p1 =	slt.u32 s9, $0xF7A;
	s5 =	simm.s32 @!p2 $0x0  }
0x1d: {  	s5 =	simm.s32 @p1 $0x1;
	p0 =	seq.s32 s7, s2  }
0x1e: {  	s7 =	smul.u32 @!p0 $0xF7A, s2;
	p2 =	seq.s32 @!p0 s5, $0x0  }
0x1f: {  	s9 =	smul.u32 $0xF7A, s1;
	s8 =	simm.s32 @!p0 $0x1BF5;
	p2 =	por !p2, p0  }
0x20: {  	[sflag:s8] =	ssyncset.s32 @!p0 $0xFFFFF086;
	s6 =	sadd.s32 @!p0 s3, s7;
	s7 =	simm.s32 @!p0 $0x108  }
0x21: {  	s3 =	sadd.s32 s3, s9;
	s6 =	sadd.s32 @!p0 $0x88, s6;
	s7 =	simm.s32 @p2 $0x1082  }
0x22: {  	[simem:s7], [sflag:s8] =	dma.local @!p0 [hbm:s6], $0xF7A  }
0x23: {  	s9 =	sor.u32 $0xD0000000, s2;
	s6 =	simm.s32 $0x108;
	_ =	swait.ge @!p0 [sflag:s8], $0x0  }
0x24: {  	s3 =	sadd.s32 $0x88, s3;
	s6 =	simm.s32 @!p1 $0x1082;
	[sflag:s4] =	ssyncset.s32 $0xFFFFF086  }
0x25: {  	[simem:s6], [sflag:s4] =	dma.local [hbm:s3], $0xF7A  }
0x26: {  	[smem:$0x3F9B] =	sst s1;
	(tag) =	ssettag s2;
	_ =	strace s9  }
0x27: {  	s1 =	sld [smem:$0x3FAB]  }
0x28: {  	s2 =	sld [smem:$0x3FAC]  }
0x29: {  	s4 =	sld [smem:$0x3FAE]  }
0x2a: {  	p0 =	seq.s32 s5, $0x0;
	s5 =	sld [smem:$0x3FAF]  }
0x2b: {  	s6 =	sld [smem:$0x3FB0]  }
0x2c: {  	s7 =	sld [smem:$0x3FB1]  }
0x2d: {  	s3 =	simm.s32 $0x108;
	s8 =	sld [smem:$0x3FB2]  }
0x2e: {  	s3 =	simm.s32 @!p0 $0x1082;
	s9 =	sld [smem:$0x3FB3]  }
0x2f: {  	lr =	sadd.s32 s0, s3;
	s0 =	sld [smem:$0x3FAA]  }
0x30: {  	s3 =	sld [smem:$0x3FAD]  }
0x31: {  	[smem:$0x3FB6] =	sst s10  }
0x32: {  	s10 =	sld [smem:$0x3FB4];
	_ =	sdelay $0x3  }
0x33: {  	p0 =	seq.s32 s10, $0x1;
	s10 =	sld [smem:$0x3FB6];
	_ =	sdelay $0x3  }
0x34: {  	[smem:$0x3FB6] =	sst s10  }
0x35: {  	s10 =	sld [smem:$0x3FB5];
	_ =	sdelay $0x3  }
0x36: {  	p1 =	seq.s32 s10, $0x1;
	s10 =	sld [smem:$0x3FB6];
	_ =	sdelay $0x3  }
0x37: {  	[smem:$0x3FB6] =	sst s10  }
0x38: {  	s10 =	sld [smem:$0x3FB7]  }
0x39: {  	_ = 	snop;
	(pc) =	sbr.ind lr, $3  }
0x3a: {  	_ = 	snop  }
0x3b: {  	_ = 	snop  }
0x3c: {  	p2 =	seq.s32 s10, $0x1;
	s10 =	sld [smem:$0x3FB6]  }
0x3d: {  	_ =	shalt  }
0x3e: {  	_ =	shalt  }
0x3f: {  	_ =	shalt  }
0x40: {  	_ =	shalt  }
0x41: {  	_ =	shalt  }
0x42: {  	_ =	shalt  }
0x43: {  	_ =	shalt  }
0x44: {  	_ =	shalt  }
0x45: {  	_ =	shalt  }
0x46: {  	_ =	shalt  }
0x47: {  	_ =	shalt  }
0x48: {  	_ =	shalt  }
0x49: {  	_ =	shalt  }
0x4a: {  	_ =	shalt  }
0x4b: {  	_ =	shalt  }
0x4c: {  	_ =	shalt  }
0x4d: {  	_ =	shalt  }
0x4e: {  	_ =	shalt  }
0x4f: {  	_ =	shalt  }
0x50: {  	_ =	shalt  }
0x51: {  	_ =	shalt  }
0x52: {  	_ =	shalt  }
0x53: {  	_ =	shalt  }
0x54: {  	_ =	shalt  }
0x55: {  	_ =	shalt  }
0x56: {  	_ =	shalt  }
0x57: {  	_ =	shalt  }
0x58: {  	_ =	shalt  }
0x59: {  	_ =	shalt  }
0x5a: {  	_ =	shalt  }
0x5b: {  	_ =	shalt  }
0x5c: {  	_ =	shalt  }
0x5d: {  	_ =	shalt  }
0x5e: {  	_ =	shalt  }
0x5f: {  	_ =	shalt  }
0x60: {  	_ =	shalt  }
0x61: {  	_ =	shalt  }
0x62: {  	_ =	shalt  }
0x63: {  	_ =	shalt  }
0x64: {  	_ =	shalt  }
0x65: {  	_ =	shalt  }
0x66: {  	_ =	shalt  }
0x67: {  	_ =	shalt  }
0x68: {  	_ =	shalt  }
0x69: {  	_ =	shalt  }
0x6a: {  	_ =	shalt  }
0x6b: {  	_ =	shalt  }
0x6c: {  	_ =	shalt  }
0x6d: {  	_ =	shalt  }
0x6e: {  	_ =	shalt  }
0x6f: {  	_ =	shalt  }
0x70: {  	_ =	shalt  }
0x71: {  	_ =	shalt  }
0x72: {  	_ =	shalt  }
0x73: {  	_ =	shalt  }
0x74: {  	_ =	shalt  }
0x75: {  	_ =	shalt  }
0x76: {  	_ =	shalt  }
0x77: {  	_ =	shalt  }
0x78: {  	_ =	shalt  }
0x79: {  	_ =	shalt  }
0x7a: {  	_ =	shalt  }
0x7b: {  	_ =	shalt  }
0x7c: {  	_ =	shalt  }
0x7d: {  	_ =	shalt  }
0x7e: {  	_ =	shalt  }
0x7f: {  	_ =	shalt  }
0x80: {  	_ =	shalt  }
0x81: {  	_ =	shalt  }
0x82: {  	_ =	shalt  }
0x83: {  	_ =	shalt  }
0x84: {  	_ =	shalt  }
0x85: {  	_ =	shalt  }
0x86: {  	_ =	shalt  }
0x87: {  	_ =	shalt  }
.Lfunc_end0:
.L_simem_size_0:
called_computation.1_lowered:
.L_overlay_start_0:
0x88: {  	s2 =	sld [smem:$0x3FD9]  }
0x89: {  	s3 =	sld [smem:$0x3FFE];
	_ =	sdelay $0x1  }
0x8a: {  	s1 =	srdreg.scid  }
0x8b: {  	s0 =	sand.u32 $0x1, s1  }
0x8c: {  	s17 =	sshll.u32 s0, $0xA;
	s2 =	sadd.s32 s3, s2  }
0x8d: {  	s2 =	sadd.s32 s2, s17  }
0x8e: {  	[smem:$0x3FC2] =	sst s2  }
0x8f: {  	_ = 	snop  }
0x90: {  	s2 =	sld [smem:$0x3FD0];
	(tm) =	ssettm $0x1  }
0x91: {  	s18 =	sld [smem:$0x3FFB];
	_ =	sdelay $0x3  }
0x92: {  	_ =	strace s18  }
0x93: {  	s3 =	sld [smem:$0x3FFC];
	_ =	sdelay $0x3  }
0x94: {  	_ =	strace s3  }
0x95: {  	s3 =	sld [smem:$0x3FFD];
	_ =	sdelay $0x3  }
0x96: {  	_ =	strace s3  }
0x97: {  	_ =	strace $0x8FFFFFFF  }
0x98: {  	s19 =	sld [smem:$0x3FDB];
	_ =	sdelay $0x1  }
0x99: {  	s4 =	simm.s32 $_scs_section_size  }
0x9a: {  	s5 =	simm.s32 $_size__tile_overlayer_lowered;
	s6 =	simm.s32 $_tile_overlayer_lowered  }
0x9b: {  	s22 =	simm.s32 $0x1BFF;
	s21 =	sshll.u32 s6, $0x1;
	s3 =	sadd.s32 s4, s19  }
0x9c: {  	s7 =	simm.s32 $0x0;
	s20 =	sshll.u32 s5, $0x1;
	s5 =	sadd.s32 s21, s3  }
0x9d: {  	[timem:s7], [sflag:s22] =	dma.local [hbm:s5], s20  }
0x9e: {  	_ =	swait.ge [sflag:s22], s20  }
0x9f: {  	s4 =	ssub.s32 $0x0, s20;
	[sflag:s22] =	ssyncset.done $0x0  }
0xa0: {  	[sflag:s22] =	ssyncadd.s32 s4;
	_ =	sdelay $0x1  }
0xa1: {  	s23 =	simm.s32 $0x1B8B  }
0xa2: {  	_ =	swait.ge [sflag:s23], $0x1  }
0xa3: {  	[sflag:s23] =	ssyncset.done $0x0  }
0xa4: {  	s25 =	simm.s32 $0x1B8E;
	s24 =	sld [smem:$0x3FFE];
	[sflag:s23] =	ssyncadd.s32 $0xFFFFFFFF  }
0xa5: {  	s26 =	simm.s32 $execute0_lowered;
	[smem:$0x3FD2] =	sst s25  }
0xa6: {  	s5 =	sshll.u32 s26, $0x1;
	_ =	strace $0x80000049;
	[dreg:$0x1] =	wrdreg $0xFFFFFFFF  }
0xa7: {  	s28 =	simm.s32 $_size_execute0_lowered;
	s3 =	sadd.s32 s3, s5;
	[dreg:$0x0] =	wrdreg $0x0  }
0xa8: {  	s5 =	sshll.u32 s28, $0x1;
	[dreg:$0x2] =	wrdreg s3  }
0xa9: {  	[dreg:$0x3] =	wrdreg s5  }
0xaa: {  	[dreg:$0x4] =	wrdreg $0xC0  }
0xab: {  	_ =	task [dreg:s7], $0x5FFFF  }
0xac: {  	[dreg:$0x1] =	wrdreg $0xFFFFFFFF  }
0xad: {  	[dreg:$0x0] =	wrdreg $0x60  }
0xae: {  	[dreg:$0x2] =	wrdreg s24  }
0xaf: {  	[dreg:$0x3] =	wrdreg s2  }
0xb0: {  	[dreg:$0x4] =	wrdreg $0x6C000  }
0xb1: {  	[dreg:$0x5] =	wrdreg $0x9  }
0xb2: {  	_ =	task.clear_ibuf [dreg:s7], $0x6FFFF;
	_ =	strace $0x90000049  }
0xb3: {  	s29 =	simm.s32 $0x9;
	_ =	strace $0x8000004B  }
0xb4: {  	_ =	swait.ge [sflag:s29], $0x1  }
0xb5: {  	[sflag:s29] =	ssyncadd.s32 $0xFFFFFFFF  }
0xb6: {  	_ =	strace $0x9000004B  }
0xb7: {  	_ =	sfence  }
0xb8: {  	s30 =	sld [smem:$0x0];
	_ =	sdelay $0x2  }
0xb9: {  	s31 =	sshll.u32 s1, $0xD;
	s1 =	sshrl.u32 s1, $0x2  }
0xba: {  	s3 =	sand.u32 $0x4000, s31;
	s1 =	sadd.s32 s1, s30  }
0xbb: {  	s0 =	sor.u32 s3, s0;
	s1 =	sshll.u32 s1, $0x11  }
0xbc: {  	s0 =	sor.u32 s1, s0  }
0xbd: {  	s0 =	sadd.s32 $0x8F2B, s0  }
0xbe: {  	[sflag:s0] =	ssyncadd.remote.s32 $0x1  }
0xbf: {  	_ =	sfence.sel $0xFFFF  }
0xc0: {  	[dreg:$0x0] =	wrdreg $0xFFFFFFFF;
	(pc) =	sbr.abs _section_cstart, $3  }
0xc1: {  	[dreg:$0x1] =	wrdreg $0xFFFFFFFF  }
0xc2: {  	_ =	task.clear_ibuf [dreg:s7], $0x2FFFF;
	_ =	strace $0x9FFFFFFF  }
0xc3: {  	(tm) =	ssettm $0x7FFFFFFF  }
tec
execute0_lowered:
.L_overlay_start_1:
0x0: {  	(tag) =	ssettag $0x1  }
0x1: {  	s0 =	rddreg [dreg:$0x0]  }
0x2: {  	s2 =	rddreg [dreg:$0x2]  }
0x3: {  	s1 =	srdreg.scid;
	s4 =	simm.s32 $0x0;
	s13 =	stileid.u32  }
0x4: {  	s30 =	simm.s32 $0x28;
	s15 =	simm.s32 $0x3000;
	s29 =	simm.s32 $0xF  }
0x5: {  	s1 =	sand.u32 $0x1, s1;
	[smem:$0x7FF] =	sst s4;
	s6 =	smul.u32 $0x13C00, s13  }
0x6: {  	s5 =	sadd.s32 $0x15C00, s0;
	s7 =	sadd.s32 $0x2000, s0;
	s9 =	smul.u32 $0x4F000, s13  }
0x7: {  	s8 =	sadd.s32 $0xBE00, s0;
	s18 =	sshll.u32 s13, $0x6;
	s28 =	smul.u32 $0x4E2, s13  }
0x8: {  	s3 =	smul.u32 $0x13C000, s1;
	_ =	strace $0x8000004A;
	s16 =	sshll.u32 s1, $0x4  }
0x9: {  	s17 =	ssub.s32 $0x2, s1;
	[dreg:$0x5] =	wrdreg s18;
	s1 =	smul.u32 $0x4E20, s1  }
0xa: {  	s11 =	sshrl.u32 s17, $0x1;
	s9 =	sshrl.u32 s9, $0x2;
	s3 =	sadd.s32 s6, s3  }
0xb: {  	s6 =	sor.u32 s13, s16;
	s9 =	sadd.s32 s9, s2;
	s31 =	sadd.s32 s1, s7  }
0xc: {  	s1 =	sadd.s32 s1, s8;
	s13 =	simm.s32 $0xD;
	s10 =	smul.u32 $0x4E2, s6  }
0xd: {  	s16 =	simm.s32 $0x6;
	s3 =	sshrl.u32 s3, $0x3;
	s6 =	smul.u32 $0x2710, s6  }
0xe: {  	[dreg:$0x4] =	wrdreg s9;
	s9 =	sor.u32 $0x1C01, s18;
	s18 =	simm.s32 $0x9  }
0xf: {  	s0 =	sadd.s32 s3, s0;
	s3 =	ssub.s32 s17, s11;
	[dreg:$0x6] =	wrdreg s9  }
0x10: {  	s11 =	simm.s32 $0x5;
	s17 =	simm.s32 $0x3000;
	s19 =	sadd.s32 s7, s10  }
0x11: {  	s20 =	sadd.s32 $0x28, s6;
	s21 =	sshrl.u32 s6, $0x3;
	s6 =	sadd.s32 $0x78, s6  }
0x12: {  	s24 =	sadd.s32 s8, s10;
	s0 =	sadd.s32 $0x3D400, s0;
	[dreg:$0x7] =	wrdreg s19  }
0x13: {  	s3 =	smax.u32 s3, $0x1;
	s10 =	simm.s32 $0x5800;
	[dreg:$0xc] =	wrdreg s24  }
0x14: {  	s9 =	sshrl.u32 s20, $0x3;
	s22 =	sadd.s32 $0xA, s21;
	[dreg:$0xf] =	wrdreg s0  }
0x15: {  	s6 =	sshrl.u32 s6, $0x3;
	s23 =	sadd.s32 s7, s21;
	[dreg:$0x10] =	wrdreg s3  }
0x16: {  	s19 =	sadd.s32 s28, s31;
	s20 =	sadd.s32 s28, s1;
	s21 =	simm.s32 $0xE  }
0x17: {  	s0 =	simm.s32 $0xA;
	s12 =	sadd.s32 s7, s9;
	s14 =	sadd.s32 s7, s22  }
0x18: {  	s6 =	sadd.s32 s7, s6;
	s25 =	sadd.s32 s8, s9;
	[dreg:$0x8] =	wrdreg s12  }
.Ltmp0:
0x19: {  	s26 =	sadd.s32 s8, s22;
	[dreg:$0x9] =	wrdreg s14;
	(pc) =	sbr.rel .LBB2_1-.Ltmp0, $4  }
0x1a: {  	s8 =	simm.s32 $0x10;
	s22 =	simm.s32 $0xB;
	[dreg:$0xa] =	wrdreg s6  }
0x1b: {  	s9 =	simm.s32 $0x600;
	s6 =	sadd.s32 $0x14, s23;
	[dreg:$0xd] =	wrdreg s25  }
0x1c: {  	[dreg:$0xe] =	wrdreg s26;
	s14 =	simm.s32 $0x8;
	s23 =	simm.s32 $0x13  }
0x1d: {  	s25 =	simm.s32 $0x580;
	[dreg:$0xb] =	wrdreg s6;
	s6 =	simm.s32 $0x0  }
.LBB2_7:
0x1e: {  	_ =	swait.ge [sflag:s23], $0x1400  }
0x1f: {  	[sflag:s23] =	ssyncset.done $0x0  }
0x20: {  	s1 =	simm.s32 $0x14;
	[sflag:s23] =	ssyncadd.s32 $0xFFFFEC00  }
0x21: {  	_ =	swait.ge [sflag:s1], $0x1400  }
0x22: {  	[sflag:s1] =	ssyncset.done $0x0  }
0x23: {  	s15 =	simm.s32 $0x15;
	[sflag:s1] =	ssyncadd.s32 $0xFFFFEC00  }
0x24: {  	_ =	swait.ge [sflag:s15], $0x1400  }
0x25: {  	[sflag:s15] =	ssyncset.done $0x0  }
0x26: {  	[sflag:s15] =	ssyncadd.s32 $0xFFFFEC00  }
0x27: {  	[bflag:$0x0] =	sbarrier.arrive $0xFFFF  }
0x28: {  	s3 =	rddreg [dreg:$0x5]  }
0x29: {  	s6 =	rddreg [dreg:$0xf]  }
0x2a: {  	s26 =	simm.s32 $0x16;
	s24 =	rddreg [dreg:$0x12];
	s3 =	sor.u32 $0x1C16, s3  }
0x2b: {  	[hbm:s6], [sflag:s3] =	dma.local [spmem:s24], $0x2780  }
0x2c: {  	_ =	swait.ge [sflag:s26], $0x2780  }
0x2d: {  	s28 =	rddreg [dreg:$0x11]  }
0x2e: {  	s31 =	rddreg [dreg:$0x10];
	s6 =	sadd.s32 $0x1, s28  }
0x2f: {  	p0 =	sne.s32 s6, s31  }
.Ltmp1:
0x30: {  	_ = 	snop;
	(pc) =	sbr.rel @!p0 .LBB2_8-.Ltmp1, $3  }
0x31: {  	_ =	sdelay $0x1  }
0x32: {  	[sflag:s26] =	ssyncset.done $0x0  }
0x33: {  	s15 =	simm.s32 $0x3000;
	[sflag:s26] =	ssyncadd.s32 $0xFFFFD880  }
.LBB2_1:
0x34: {  	[dreg:$0x11] =	wrdreg s6  }
0x35: {  	s3 =	rddreg [dreg:$0x4]  }
0x36: {  	s6 =	rddreg [dreg:$0x1]  }
0x37: {  	s7 =	rddreg [dreg:$0x6];
	s1 =	sshrl.u32 s3, $0x3  }
0x38: {  	[dreg:$0x12] =	wrdreg s1  }
0x39: {  	[spmem:s1], [sflag:s7] =	dma.local [hbm:s6], $0x2780  }
0x3a: {  	s3 =	rddreg [dreg:$0x7]  }
0x3b: {  	[tilespmem:s4], [sflag:$0x2] =	stream.linear.gather [hbm4b:s3+s4], $0x28, $0x38;
	[tilespmem:$0x1A800] =	vst v63  }
0x3c: {  	s6 =	simm.s32 $0x80;
	s12 =	rddreg [dreg:$0x8]  }
0x3d: {  	[tilespmem:s6], [sflag:$0x3] =	stream.linear.gather [hbm4b:s12+s4], $0x28, $0x38;
	[tilespmem:$0x1A800] =	vst v63  }
0x3e: {  	s7 =	simm.s32 $0x100;
	s24 =	rddreg [dreg:$0x9]  }
0x3f: {  	[tilespmem:s7], [sflag:$0x4] =	stream.linear.gather [hbm4b:s24+s4], $0x28, $0x38;
	[tilespmem:$0x1A800] =	vst v63  }
0x40: {  	s26 =	rddreg [dreg:$0xa];
	s24 =	simm.s32 $0x180  }
0x41: {  	[tilespmem:s24], [sflag:$0x5] =	stream.linear.gather [hbm4b:s26+s4], $0x28, $0x38;
	[tilespmem:$0x1A800] =	vst v63  }
0x42: {  	s28 =	rddreg [dreg:$0xb];
	s12 =	simm.s32 $0x200  }
0x43: {  	[tilespmem:s12], [sflag:$0x6] =	stream.linear.gather [hbm4b:s28+s4], $0x28, $0x38;
	[tilespmem:$0x1A800] =	vst v63  }
0x44: {  	s1 =	simm.s32 $0x400;
	s31 =	rddreg [dreg:$0xc]  }
0x45: {  	[tilespmem:s1], [sflag:$0x7] =	stream.linear.gather [hbm4b:s31+s4], $0x28, $0x38;
	[tilespmem:$0x1A800] =	vst v63  }
0x46: {  	s24 =	rddreg [dreg:$0xd];
	s26 =	simm.s32 $0x480  }
0x47: {  	[tilespmem:s26], [sflag:$0x8] =	stream.linear.gather [hbm4b:s24+s4], $0x28, $0x38;
	[tilespmem:$0x1A800] =	vst v63  }
0x48: {  	s28 =	rddreg [dreg:$0xe];
	s12 =	simm.s32 $0x500;
	s31 =	simm.s32 $0x2  }
0x49: {  	[tilespmem:s12], [sflag:$0x9] =	stream.linear.gather [hbm4b:s28+s4], $0x28, $0x38;
	[tilespmem:$0x1A800] =	vst v63  }
0x4a: {  	_ =	swait.ge [sflag:s31], $0x28  }
0x4b: {  	[sflag:s31] =	ssyncset.done $0x0  }
0x4c: {  	s1 =	simm.s32 $0x800;
	s24 =	simm.s32 $0x3;
	[sflag:s31] =	ssyncadd.s32 $0xFFFFFFD8  }
0x4d: {  	[tilespmem:s1], [sflag:$0xC] =	stream.indirect.gather [hbm4b:s5+s30], $0x80, s4, s30, $0xb8;
	[tilespmem:$0x1A800] =	vst v63  }
0x4e: {  	_ =	swait.ge [sflag:s24], $0x28  }
0x4f: {  	[sflag:s24] =	ssyncset.done $0x0  }
0x50: {  	s26 =	simm.s32 $0x1C00;
	s28 =	simm.s32 $0x4;
	[sflag:s24] =	ssyncadd.s32 $0xFFFFFFD8  }
0x51: {  	[tilespmem:s26], [sflag:$0xD] =	stream.indirect.gather [hbm4b:s5+s30], $0x80, s6, s30, $0xb8;
	[tilespmem:$0x1A800] =	vst v63  }
0x52: {  	_ =	swait.ge [sflag:s28], $0x28  }
0x53: {  	[sflag:s28] =	ssyncset.done $0x0  }
0x54: {  	s31 =	simm.s32 $0x1;
	[sflag:s28] =	ssyncadd.s32 $0xFFFFFFD8  }
0x55: {  	[tilespmem:s15], [sflag:$0xE] =	stream.indirect.gather [hbm4b:s5+s30], $0x80, s7, s30, $0xb8;
	[tilespmem:$0x1A800] =	vst v63  }
0x56: {  	_ =	swait.ge [sflag:s31], $0x2780  }
0x57: {  	[sflag:s31] =	ssyncset.done $0x0  }
0x58: {  	[sflag:s31] =	ssyncadd.s32 $0xFFFFD880  }
0x59: {  	s26 =	simm.s32 $0x0;
	s7 =	simm.s32 $0x200;
	[bflag:$0x0] =	sbarrier.arrive $0xFFFF  }
.LBB2_2:
0x5a: {  	s1 =	simm.s32 $0xC  }
0x5b: {  	_ =	swait.ge [sflag:s1], $0x1400  }
0x5c: {  	[sflag:s1] =	ssyncset.done $0x0  }
0x5d: {  	s31 =	simm.s32 $0x7;
	p0 =	seq.s32 s26, $0x4C9;
	[sflag:s1] =	ssyncadd.s32 $0xFFFFEC00  }
0x5e: {  	p1 =	seq.s32 @!p0 s26, $0x0;
	_ =	swait.ge [sflag:s31], $0x28  }
0x5f: {  	s3 =	simm.s32 $0x400;
	p1 =	por p0, !p1;
	[sflag:s31] =	ssyncset.done $0x0  }
.Ltmp2:
0x60: {  	s6 =	simm.s32 $0x800;
	[sflag:s31] =	ssyncadd.s32 $0xFFFFFFD8;
	(pc) =	sbr.rel @!p1 .LBB2_3-.Ltmp2, $4  }
0x61: {  	[spmem:s2] =	stream.indirect.scatter.add.f32 [tilespmem:s6], [sflag:$0x11], $0x80, s3, s30, $0xb8;
	[tilespmem:$0x1A800] =	vst v63  }
0x62: {  	s3 =	sadd.s32 @!p0 s26, s19  }
0x63: {  	s24 =	simm.s32 @!p0 $0x0;
	s31 =	sadd.s32 @!p0 $0x19, s3  }
0x64: {  	[tilespmem:s24], [sflag:$0x2] =	stream.linear.gather @!p0 [hbm4b:s31+s24], $0x28, $0x38;
	[tilespmem:$0x1A800] =	vst v63  }
.Ltmp3:
0x65: {  	(pc) =	sbr.rel .LBB2_5-.Ltmp3, $4  }
0x66: {  	s1 =	simm.s32 $0x14  }
0x67: {  	_ =	swait.ge [sflag:s1], $0x1400  }
0x68: {  	[sflag:s1] =	ssyncset.done $0x0  }
0x69: {  	p1 =	por $0x0, $0x0;
	[sflag:s1] =	ssyncadd.s32 $0xFFFFEC00  }
.LBB2_3:
0x6a: {  	p1 =	por @!p0 $0x1, $0x1  }
.LBB2_5:
0x6b: {  	s31 =	sadd.s32 s26, s20  }
0x6c: {  	s28 =	sadd.s32 $0xF, s31  }
0x6d: {  	[tilespmem:s25], [sflag:$0xA] =	stream.linear.gather [hbm4b:s28+s4], $0x28, $0x38;
	[tilespmem:$0x1A800] =	vst v63  }
0x6e: {  	_ =	swait.ge [sflag:s11], $0x28  }
0x6f: {  	[sflag:s11] =	ssyncset.done $0x0  }
0x70: {  	s6 =	simm.s32 $0x180;
	s1 =	simm.s32 $0x4400;
	[sflag:s11] =	ssyncadd.s32 $0xFFFFFFD8  }
0x71: {  	[tilespmem:s1], [sflag:$0xF] =	stream.indirect.gather [hbm4b:s5+s30], $0x80, s6, s30, $0xb8;
	[tilespmem:$0x1A800] =	vst v63  }
0x72: {  	_ =	swait.ge [sflag:s13], $0x1400  }
0x73: {  	[sflag:s13] =	ssyncset.done $0x0  }
0x74: {  	[sflag:s13] =	ssyncadd.s32 $0xFFFFEC00  }
0x75: {  	_ =	swait.ge [sflag:s14], $0x28  }
0x76: {  	[sflag:s14] =	ssyncset.done $0x0  }
0x77: {  	s15 =	simm.s32 $0x1C00;
	s28 =	simm.s32 $0x480;
	[sflag:s14] =	ssyncadd.s32 $0xFFFFFFD8  }
0x78: {  	[spmem:s2] =	stream.indirect.scatter.add.f32 [tilespmem:s15], [sflag:$0x12], $0x80, s28, s30, $0xb8;
	[tilespmem:$0x1A800] =	vst v63  }
0x79: {  	s3 =	sadd.s32 @!p0 $0x1E, s3;
	s28 =	simm.s32 @!p0 $0x80  }
0x7a: {  	[tilespmem:s28], [sflag:$0x3] =	stream.linear.gather @!p0 [hbm4b:s3+s24], $0x28, $0x38;
	[tilespmem:$0x1A800] =	vst v63  }
0x7b: {  	s3 =	simm.s32 @!p1 $0x15  }
0x7c: {  	_ =	swait.ge @!p1 [sflag:s3], $0x1400  }
0x7d: {  	[sflag:s3] =	ssyncset.done @!p1 $0x0  }
0x7e: {  	s28 =	sadd.s32 $0x14, s31;
	[sflag:s3] =	ssyncadd.s32 @!p1 $0xFFFFEC00  }
0x7f: {  	[tilespmem:s9], [sflag:$0xB] =	stream.linear.gather [hbm4b:s28+s4], $0x28, $0x38;
	[tilespmem:$0x1A800] =	vst v63  }
0x80: {  	_ =	swait.ge [sflag:s16], $0x28  }
0x81: {  	[sflag:s16] =	ssyncset.done $0x0  }
0x82: {  	[sflag:s16] =	ssyncadd.s32 $0xFFFFFFD8  }
0x83: {  	[tilespmem:s10], [sflag:$0x10] =	stream.indirect.gather [hbm4b:s5+s30], $0x80, s7, s30, $0xb8;
	[tilespmem:$0x1A800] =	vst v63  }
0x84: {  	_ =	swait.ge [sflag:s21], $0x1400  }
0x85: {  	[sflag:s21] =	ssyncset.done $0x0  }
0x86: {  	[sflag:s21] =	ssyncadd.s32 $0xFFFFEC00  }
0x87: {  	_ =	swait.ge [sflag:s18], $0x28  }
0x88: {  	p1 =	sne.s32 s26, $0x4C9;
	[sflag:s18] =	ssyncset.done $0x0  }
0x89: {  	s3 =	sadd.s32 @p1 s26, s19;
	[sflag:s18] =	ssyncadd.s32 $0xFFFFFFD8  }
0x8a: {  	[spmem:s2] =	stream.indirect.scatter.add.f32 [tilespmem:s17], [sflag:$0x13], $0x80, s12, s30, $0xb8;
	[tilespmem:$0x1A800] =	vst v63  }
0x8b: {  	s28 =	simm.s32 @p1 $0x0;
	s6 =	simm.s32 @p1 $0x100;
	s24 =	sadd.s32 @p1 $0x23, s3  }
0x8c: {  	[tilespmem:s6], [sflag:$0x4] =	stream.linear.gather @p1 [hbm4b:s24+s28], $0x28, $0x38;
	[tilespmem:$0x1A800] =	vst v63  }
0x8d: {  	s6 =	simm.s32 @p1 $0x11  }
0x8e: {  	_ =	swait.ge @p1 [sflag:s6], $0x1400  }
0x8f: {  	s24 =	sadd.s32 @p1 s26, s20;
	[sflag:s6] =	ssyncset.done @p1 $0x0  }
0x90: {  	s7 =	simm.s32 @p1 $0x400;
	[sflag:s6] =	ssyncadd.s32 @p1 $0xFFFFEC00;
	s6 =	sadd.s32 @p1 $0x19, s24  }
0x91: {  	[tilespmem:s7], [sflag:$0x7] =	stream.linear.gather @p1 [hbm4b:s6+s28], $0x28, $0x38;
	[tilespmem:$0x1A800] =	vst v63  }
0x92: {  	s6 =	simm.s32 @p1 $0x2  }
0x93: {  	_ =	swait.ge @p1 [sflag:s6], $0x28  }
0x94: {  	[sflag:s6] =	ssyncset.done @p1 $0x0  }
0x95: {  	s7 =	simm.s32 @p1 $0x800;
	[sflag:s6] =	ssyncadd.s32 @p1 $0xFFFFFFD8;
	s6 =	simm.s32 @p1 $0x28  }
0x96: {  	[tilespmem:s7], [sflag:$0xC] =	stream.indirect.gather @p1 [hbm4b:s5+s6], $0x80, s28, s6, $0xb8;
	[tilespmem:$0x1A800] =	vst v63  }
0x97: {  	s7 =	simm.s32 @!p1 $0x11  }
0x98: {  	_ =	swait.ge @!p1 [sflag:s7], $0x1400  }
0x99: {  	[sflag:s7] =	ssyncset.done @!p1 $0x0  }
0x9a: {  	[sflag:s7] =	ssyncadd.s32 @!p1 $0xFFFFEC00  }
0x9b: {  	_ =	swait.ge [sflag:s29], $0x1400  }
0x9c: {  	[sflag:s29] =	ssyncset.done $0x0  }
0x9d: {  	[sflag:s29] =	ssyncadd.s32 $0xFFFFEC00  }
0x9e: {  	_ =	swait.ge [sflag:s0], $0x28  }
0x9f: {  	[sflag:s0] =	ssyncset.done $0x0  }
0xa0: {  	[sflag:s0] =	ssyncadd.s32 $0xFFFFFFD8  }
0xa1: {  	[spmem:s2] =	stream.indirect.scatter.add.f32 [tilespmem:s1], [sflag:$0x14], $0x80, s25, s30, $0xb8;
	[tilespmem:$0x1A800] =	vst v63  }
0xa2: {  	s3 =	sadd.s32 @p1 $0x28, s3;
	s7 =	simm.s32 @p1 $0x180  }
0xa3: {  	[tilespmem:s7], [sflag:$0x5] =	stream.linear.gather @p1 [hbm4b:s3+s28], $0x28, $0x38;
	[tilespmem:$0x1A800] =	vst v63  }
0xa4: {  	s3 =	simm.s32 @p1 $0x12  }
0xa5: {  	_ =	swait.ge @p1 [sflag:s3], $0x1400  }
0xa6: {  	[sflag:s3] =	ssyncset.done @p1 $0x0  }
0xa7: {  	s7 =	simm.s32 @p1 $0x480;
	[sflag:s3] =	ssyncadd.s32 @p1 $0xFFFFEC00;
	s3 =	sadd.s32 @p1 $0x1E, s24  }
0xa8: {  	[tilespmem:s7], [sflag:$0x8] =	stream.linear.gather @p1 [hbm4b:s3+s28], $0x28, $0x38;
	[tilespmem:$0x1A800] =	vst v63  }
0xa9: {  	s3 =	simm.s32 @p1 $0x3  }
0xaa: {  	_ =	swait.ge @p1 [sflag:s3], $0x28  }
0xab: {  	[sflag:s3] =	ssyncset.done @p1 $0x0  }
0xac: {  	s7 =	simm.s32 @p1 $0x1C00;
	[sflag:s3] =	ssyncadd.s32 @p1 $0xFFFFFFD8;
	s3 =	simm.s32 @p1 $0x80  }
0xad: {  	[tilespmem:s7], [sflag:$0xD] =	stream.indirect.gather @p1 [hbm4b:s5+s6], $0x80, s3, s6, $0xb8;
	[tilespmem:$0x1A800] =	vst v63  }
0xae: {  	s3 =	simm.s32 @!p1 $0x12  }
0xaf: {  	_ =	swait.ge @!p1 [sflag:s3], $0x1400  }
0xb0: {  	[sflag:s3] =	ssyncset.done @!p1 $0x0  }
0xb1: {  	[sflag:s3] =	ssyncadd.s32 @!p1 $0xFFFFEC00  }
0xb2: {  	_ =	swait.ge [sflag:s8], $0x1400  }
0xb3: {  	[sflag:s8] =	ssyncset.done $0x0  }
.Ltmp4:
0xb4: {  	[sflag:s8] =	ssyncadd.s32 $0xFFFFEC00;
	(pc) =	sbr.rel @p0 .LBB2_7-.Ltmp4, $4  }
0xb5: {  	_ =	swait.ge [sflag:s22], $0x28  }
0xb6: {  	[sflag:s22] =	ssyncset.done $0x0  }
0xb7: {  	s15 =	simm.s32 $0x500;
	s12 =	simm.s32 $0x200;
	[sflag:s22] =	ssyncadd.s32 $0xFFFFFFD8  }
0xb8: {  	[spmem:s2] =	stream.indirect.scatter.add.f32 [tilespmem:s10], [sflag:$0x15], $0x80, s9, s30, $0xb8;
	[tilespmem:$0x1A800] =	vst v63  }
0xb9: {  	s3 =	sadd.s32 s26, s19  }
0xba: {  	s3 =	sadd.s32 $0x2D, s3  }
0xbb: {  	[tilespmem:s12], [sflag:$0x6] =	stream.linear.gather [hbm4b:s3+s4], $0x28, $0x38;
	[tilespmem:$0x1A800] =	vst v63  }
0xbc: {  	_ =	swait.ge [sflag:s23], $0x1400  }
0xbd: {  	[sflag:s23] =	ssyncset.done $0x0  }
0xbe: {  	s28 =	sadd.s32 $0x23, s31;
	[sflag:s23] =	ssyncadd.s32 $0xFFFFEC00  }
0xbf: {  	[tilespmem:s15], [sflag:$0x9] =	stream.linear.gather [hbm4b:s28+s4], $0x28, $0x38;
	[tilespmem:$0x1A800] =	vst v63  }
.Ltmp5:
0xc0: {  	s1 =	simm.s32 $0x4;
	(pc) =	sbr.rel .LBB2_2-.Ltmp5, $4  }
0xc1: {  	_ =	swait.ge [sflag:s1], $0x28  }
0xc2: {  	s31 =	simm.s32 $0x100;
	s26 =	sadd.s32 $0x19, s26;
	[sflag:s1] =	ssyncset.done $0x0  }
0xc3: {  	s7 =	simm.s32 $0x200;
	s12 =	simm.s32 $0x500;
	[sflag:s1] =	ssyncadd.s32 $0xFFFFFFD8  }
0xc4: {  	[tilespmem:s17], [sflag:$0xE] =	stream.indirect.gather [hbm4b:s5+s30], $0x80, s31, s30, $0xb8;
	[tilespmem:$0x1A800] =	vst v63  }
.LBB2_8:
0xc5: {  	_ =	sfence.sel $0x180000  }
0xc6: {  	[bflag:$0x0] =	sbarrier.arrive $0xFFFF  }
0xc7: {  	_ =	strace $0x9000004A  }
0xc8: {  	s0 =	stileid.u32;
	[bflag:$0x2] =	sbarrier.arrive $0xFFFF  }
0xc9: {  	p0 =	sne.s32 s0, $0x0;
	s0 =	rddreg [dreg:$0x3]  }
0xca: {  	s0 =	sadd.s32 @!p0 $0x100000, s0  }
0xcb: {  	[sflag:s0] =	ssyncadd.tile.s32 @!p0 $0x1;
	_ =	shalt  }
.Lfunc_end2:
_tile_overlayer_lowered:
.L_overlay_start_2:
0xcc: {  	(tag) =	ssettag $0x2  }
0xcd: {  	s0 =	rddreg [dreg:$0x0];
	s2 =	stileid.u32  }
0xce: {  	s1 =	rddreg [dreg:$0x1];
	p0 =	sne.s32 s2, $0x0  }
0xcf: {  	s3 =	rddreg [dreg:$0x2];
	[bflag:$0x3] =	sbarrier.arrive $0xFFFF;
	s2 =	simm.s32 @!p0 $0x1C16  }
0xd0: {  	[timem:s3], [sflag:s2] =	dma.local @!p0 [hbm:s0], s1  }
0xd1: {  	s0 =	simm.s32 @!p0 $0x16  }
0xd2: {  	_ =	swait.ge @!p0 [sflag:s0], s1  }
0xd3: {  	s1 =	ssub.s32 @!p0 $0x0, s1;
	[sflag:s0] =	ssyncset.done @!p0 $0x0  }
0xd4: {  	[sflag:s0] =	ssyncadd.s32 @!p0 s1  }
0xd5: {  	[bflag:$0x3] =	sbarrier.arrive $0xFFFF  }
0xd6: {  	_ =	shalt  }

// kernel: kernel.14.cloned.1.call-start
scs
__scs_entry_jumppad:
0x0: {  	(pc) =	sbr.rel $0x88, $3  }
0x1: {  	(tag) =	ssettag $0x0;
	lr =	simm.s32 $0x1  }
0x2: {  	[smem:$0x3F9B] =	sst lr;
	_ =	strace $0xD0000000  }
0x3: {  	_ = 	snop  }
0x4: {  	_ = 	snop  }
0x5: {  	_ = 	snop  }
0x6: {  	_ = 	snop  }
0x7: {  	_ = 	snop  }
__scs_overlays_trampoline_lowered:
0x8: {  	[smem:$0x3FAA] =	sst s0  }
0x9: {  	[smem:$0x3FAB] =	sst s1  }
0xa: {  	[smem:$0x3FAC] =	sst s2  }
0xb: {  	[smem:$0x3FAD] =	sst s3  }
0xc: {  	[smem:$0x3FAE] =	sst s4  }
0xd: {  	[smem:$0x3FAF] =	sst s5  }
0xe: {  	[smem:$0x3FB0] =	sst s6  }
0xf: {  	[smem:$0x3FB1] =	sst s7  }
0x10: {  	[smem:$0x3FB2] =	sst s8  }
0x11: {  	[smem:$0x3FB3] =	sst s9;
	s0 =	simm.s32 @!p0 $0x0  }
0x12: {  	s1 =	sld [smem:$0x3F99];
	s0 =	simm.s32 @p0 $0x1  }
0x13: {  	[smem:$0x3FB4] =	sst s0;
	s0 =	simm.s32 @!p1 $0x0  }
0x14: {  	s2 =	sld [smem:$0x3F98];
	s0 =	simm.s32 @p1 $0x1  }
0x15: {  	[smem:$0x3FB5] =	sst s0;
	s0 =	simm.s32 @!p2 $0x0  }
0x16: {  	s3 =	sld [smem:$0x3FDB];
	s0 =	simm.s32 @p2 $0x1  }
0x17: {  	s4 =	simm.s32 $0x1BF5;
	[smem:$0x3FB7] =	sst s0  }
0x18: {  	s0 =	sld [smem:$0x3F9A];
	_ =	swait.ge [sflag:s4], $0x0  }
0x19: {  	s7 =	sld [smem:$0x3F9B]  }
0x1a: {  	s8 =	sadd.s32 $0xFFFFE003, lr  }
0x1b: {  	s9 =	sadd.s32 $0xFFFFFEF7, lr;
	s5 =	simm.s32 $0xFFFFFFFF;
	p2 =	slt.u32 s8, $0xFFFFF086  }
0x1c: {  	p1 =	slt.u32 s9, $0xF7A;
	s5 =	simm.s32 @!p2 $0x0  }
0x1d: {  	s5 =	simm.s32 @p1 $0x1;
	p0 =	seq.s32 s7, s2  }
0x1e: {  	s7 =	smul.u32 @!p0 $0xF7A, s2;
	p2 =	seq.s32 @!p0 s5, $0x0  }
0x1f: {  	s9 =	smul.u32 $0xF7A, s1;
	s8 =	simm.s32 @!p0 $0x1BF5;
	p2 =	por !p2, p0  }
0x20: {  	[sflag:s8] =	ssyncset.s32 @!p0 $0xFFFFF086;
	s6 =	sadd.s32 @!p0 s3, s7;
	s7 =	simm.s32 @!p0 $0x108  }
0x21: {  	s3 =	sadd.s32 s3, s9;
	s6 =	sadd.s32 @!p0 $0x88, s6;
	s7 =	simm.s32 @p2 $0x1082  }
0x22: {  	[simem:s7], [sflag:s8] =	dma.local @!p0 [hbm:s6], $0xF7A  }
0x23: {  	s9 =	sor.u32 $0xD0000000, s2;
	s6 =	simm.s32 $0x108;
	_ =	swait.ge @!p0 [sflag:s8], $0x0  }
0x24: {  	s3 =	sadd.s32 $0x88, s3;
	s6 =	simm.s32 @!p1 $0x1082;
	[sflag:s4] =	ssyncset.s32 $0xFFFFF086  }
0x25: {  	[simem:s6], [sflag:s4] =	dma.local [hbm:s3], $0xF7A  }
0x26: {  	[smem:$0x3F9B] =	sst s1;
	(tag) =	ssettag s2;
	_ =	strace s9  }
0x27: {  	s1 =	sld [smem:$0x3FAB]  }
0x28: {  	s2 =	sld [smem:$0x3FAC]  }
0x29: {  	s4 =	sld [smem:$0x3FAE]  }
0x2a: {  	p0 =	seq.s32 s5, $0x0;
	s5 =	sld [smem:$0x3FAF]  }
0x2b: {  	s6 =	sld [smem:$0x3FB0]  }
0x2c: {  	s7 =	sld [smem:$0x3FB1]  }
0x2d: {  	s3 =	simm.s32 $0x108;
	s8 =	sld [smem:$0x3FB2]  }
0x2e: {  	s3 =	simm.s32 @!p0 $0x1082;
	s9 =	sld [smem:$0x3FB3]  }
0x2f: {  	lr =	sadd.s32 s0, s3;
	s0 =	sld [smem:$0x3FAA]  }
0x30: {  	s3 =	sld [smem:$0x3FAD]  }
0x31: {  	[smem:$0x3FB6] =	sst s10  }
0x32: {  	s10 =	sld [smem:$0x3FB4];
	_ =	sdelay $0x3  }
0x33: {  	p0 =	seq.s32 s10, $0x1;
	s10 =	sld [smem:$0x3FB6];
	_ =	sdelay $0x3  }
0x34: {  	[smem:$0x3FB6] =	sst s10  }
0x35: {  	s10 =	sld [smem:$0x3FB5];
	_ =	sdelay $0x3  }
0x36: {  	p1 =	seq.s32 s10, $0x1;
	s10 =	sld [smem:$0x3FB6];
	_ =	sdelay $0x3  }
0x37: {  	[smem:$0x3FB6] =	sst s10  }
0x38: {  	s10 =	sld [smem:$0x3FB7]  }
0x39: {  	_ = 	snop;
	(pc) =	sbr.ind lr, $3  }
0x3a: {  	_ = 	snop  }
0x3b: {  	_ = 	snop  }
0x3c: {  	p2 =	seq.s32 s10, $0x1;
	s10 =	sld [smem:$0x3FB6]  }
0x3d: {  	_ =	shalt  }
0x3e: {  	_ =	shalt  }
0x3f: {  	_ =	shalt  }
0x40: {  	_ =	shalt  }
0x41: {  	_ =	shalt  }
0x42: {  	_ =	shalt  }
0x43: {  	_ =	shalt  }
0x44: {  	_ =	shalt  }
0x45: {  	_ =	shalt  }
0x46: {  	_ =	shalt  }
0x47: {  	_ =	shalt  }
0x48: {  	_ =	shalt  }
0x49: {  	_ =	shalt  }
0x4a: {  	_ =	shalt  }
0x4b: {  	_ =	shalt  }
0x4c: {  	_ =	shalt  }
0x4d: {  	_ =	shalt  }
0x4e: {  	_ =	shalt  }
0x4f: {  	_ =	shalt  }
0x50: {  	_ =	shalt  }
0x51: {  	_ =	shalt  }
0x52: {  	_ =	shalt  }
0x53: {  	_ =	shalt  }
0x54: {  	_ =	shalt  }
0x55: {  	_ =	shalt  }
0x56: {  	_ =	shalt  }
0x57: {  	_ =	shalt  }
0x58: {  	_ =	shalt  }
0x59: {  	_ =	shalt  }
0x5a: {  	_ =	shalt  }
0x5b: {  	_ =	shalt  }
0x5c: {  	_ =	shalt  }
0x5d: {  	_ =	shalt  }
0x5e: {  	_ =	shalt  }
0x5f: {  	_ =	shalt  }
0x60: {  	_ =	shalt  }
0x61: {  	_ =	shalt  }
0x62: {  	_ =	shalt  }
0x63: {  	_ =	shalt  }
0x64: {  	_ =	shalt  }
0x65: {  	_ =	shalt  }
0x66: {  	_ =	shalt  }
0x67: {  	_ =	shalt  }
0x68: {  	_ =	shalt  }
0x69: {  	_ =	shalt  }
0x6a: {  	_ =	shalt  }
0x6b: {  	_ =	shalt  }
0x6c: {  	_ =	shalt  }
0x6d: {  	_ =	shalt  }
0x6e: {  	_ =	shalt  }
0x6f: {  	_ =	shalt  }
0x70: {  	_ =	shalt  }
0x71: {  	_ =	shalt  }
0x72: {  	_ =	shalt  }
0x73: {  	_ =	shalt  }
0x74: {  	_ =	shalt  }
0x75: {  	_ =	shalt  }
0x76: {  	_ =	shalt  }
0x77: {  	_ =	shalt  }
0x78: {  	_ =	shalt  }
0x79: {  	_ =	shalt  }
0x7a: {  	_ =	shalt  }
0x7b: {  	_ =	shalt  }
0x7c: {  	_ =	shalt  }
0x7d: {  	_ =	shalt  }
0x7e: {  	_ =	shalt  }
0x7f: {  	_ =	shalt  }
0x80: {  	_ =	shalt  }
0x81: {  	_ =	shalt  }
0x82: {  	_ =	shalt  }
0x83: {  	_ =	shalt  }
0x84: {  	_ =	shalt  }
0x85: {  	_ =	shalt  }
0x86: {  	_ =	shalt  }
0x87: {  	_ =	shalt  }
.Lfunc_end0:
.L_simem_size_0:
called_computation.2_lowered:
.L_overlay_start_0:
0x88: {  	s2 =	sld [smem:$0x3FD9]  }
0x89: {  	s3 =	sld [smem:$0x3FFE];
	_ =	sdelay $0x1  }
0x8a: {  	s1 =	srdreg.scid  }
0x8b: {  	s0 =	sand.u32 $0x1, s1  }
0x8c: {  	s17 =	sshll.u32 s0, $0xA;
	s2 =	sadd.s32 s3, s2  }
0x8d: {  	s2 =	sadd.s32 s2, s17  }
0x8e: {  	[smem:$0x3FC2] =	sst s2  }
0x8f: {  	_ = 	snop  }
0x90: {  	s2 =	sld [smem:$0x3FD0];
	(tm) =	ssettm $0x1  }
0x91: {  	s18 =	sld [smem:$0x3FFB];
	_ =	sdelay $0x3  }
0x92: {  	_ =	strace s18  }
0x93: {  	s3 =	sld [smem:$0x3FFC];
	_ =	sdelay $0x3  }
0x94: {  	_ =	strace s3  }
0x95: {  	s3 =	sld [smem:$0x3FFD];
	_ =	sdelay $0x3  }
0x96: {  	_ =	strace s3  }
0x97: {  	_ =	strace $0x8FFFFFFF  }
0x98: {  	s19 =	sld [smem:$0x3FDB];
	_ =	sdelay $0x1  }
0x99: {  	s4 =	simm.s32 $_scs_section_size  }
0x9a: {  	s5 =	simm.s32 $_size__tile_overlayer_lowered;
	s6 =	simm.s32 $_tile_overlayer_lowered  }
0x9b: {  	s22 =	simm.s32 $0x1BFF;
	s21 =	sshll.u32 s6, $0x1;
	s3 =	sadd.s32 s4, s19  }
0x9c: {  	s7 =	simm.s32 $0x0;
	s20 =	sshll.u32 s5, $0x1;
	s5 =	sadd.s32 s21, s3  }
0x9d: {  	[timem:s7], [sflag:s22] =	dma.local [hbm:s5], s20  }
0x9e: {  	_ =	swait.ge [sflag:s22], s20  }
0x9f: {  	s4 =	ssub.s32 $0x0, s20;
	[sflag:s22] =	ssyncset.done $0x0  }
0xa0: {  	[sflag:s22] =	ssyncadd.s32 s4;
	_ =	sdelay $0x1  }
0xa1: {  	s23 =	simm.s32 $0x1B8B  }
0xa2: {  	_ =	swait.ge [sflag:s23], $0x1  }
0xa3: {  	[sflag:s23] =	ssyncset.done $0x0  }
0xa4: {  	s25 =	simm.s32 $0x1B8E;
	s24 =	sld [smem:$0x3FFE];
	[sflag:s23] =	ssyncadd.s32 $0xFFFFFFFF  }
0xa5: {  	s26 =	simm.s32 $execute0_lowered;
	[smem:$0x3FD2] =	sst s25  }
0xa6: {  	s5 =	sshll.u32 s26, $0x1;
	_ =	strace $0x8000004C;
	[dreg:$0x1] =	wrdreg $0xFFFFFFFF  }
0xa7: {  	s28 =	simm.s32 $_size_execute0_lowered;
	s3 =	sadd.s32 s3, s5;
	[dreg:$0x0] =	wrdreg $0x0  }
0xa8: {  	s5 =	sshll.u32 s28, $0x1;
	[dreg:$0x2] =	wrdreg s3  }
0xa9: {  	[dreg:$0x3] =	wrdreg s5  }
0xaa: {  	[dreg:$0x4] =	wrdreg $0xC0  }
0xab: {  	_ =	task [dreg:s7], $0x5FFFF  }
0xac: {  	[dreg:$0x1] =	wrdreg $0xFFFFFFFF  }
0xad: {  	[dreg:$0x0] =	wrdreg $0x60  }
0xae: {  	[dreg:$0x2] =	wrdreg s2  }
0xaf: {  	[dreg:$0x3] =	wrdreg s24  }
0xb0: {  	[dreg:$0x4] =	wrdreg $0x67200  }
0xb1: {  	[dreg:$0x5] =	wrdreg $0x9  }
0xb2: {  	_ =	task.clear_ibuf [dreg:s7], $0x6FFFF;
	_ =	strace $0x9000004C  }
0xb3: {  	s29 =	simm.s32 $0x9;
	_ =	strace $0x8000004E  }
0xb4: {  	_ =	swait.ge [sflag:s29], $0x1  }
0xb5: {  	[sflag:s29] =	ssyncadd.s32 $0xFFFFFFFF  }
0xb6: {  	_ =	strace $0x9000004E  }
0xb7: {  	_ =	sfence  }
0xb8: {  	s30 =	sld [smem:$0x0];
	_ =	sdelay $0x2  }
0xb9: {  	s31 =	sshll.u32 s1, $0xD;
	s1 =	sshrl.u32 s1, $0x2  }
0xba: {  	s3 =	sand.u32 $0x4000, s31;
	s1 =	sadd.s32 s1, s30  }
0xbb: {  	s0 =	sor.u32 s3, s0;
	s1 =	sshll.u32 s1, $0x11  }
0xbc: {  	s0 =	sor.u32 s1, s0  }
0xbd: {  	s0 =	sadd.s32 $0x8F2B, s0  }
0xbe: {  	[sflag:s0] =	ssyncadd.remote.s32 $0x1  }
0xbf: {  	_ =	sfence.sel $0xFFFF  }
0xc0: {  	[dreg:$0x0] =	wrdreg $0xFFFFFFFF;
	(pc) =	sbr.abs _section_cstart, $3  }
0xc1: {  	[dreg:$0x1] =	wrdreg $0xFFFFFFFF  }
0xc2: {  	_ =	task.clear_ibuf [dreg:s7], $0x2FFFF;
	_ =	strace $0x9FFFFFFF  }
0xc3: {  	(tm) =	ssettm $0x7FFFFFFF  }
tec
execute0_lowered:
.L_overlay_start_1:
0x0: {  	(tag) =	ssettag $0x1  }
0x1: {  	s1 =	rddreg [dreg:$0x0]  }
0x2: {  	s0 =	rddreg [dreg:$0x1]  }
0x3: {  	s3 =	rddreg [dreg:$0x2]  }
0x4: {  	s2 =	srdreg.scid;
	s12 =	stileid.u32  }
0x5: {  	s4 =	simm.s32 $0x0;
	s29 =	simm.s32 $0xF;
	s31 =	simm.s32 $0xA  }
0x6: {  	s2 =	sand.u32 $0x1, s2;
	s5 =	smul.u32 $0x9E00, s12;
	[smem:$0x7FF] =	sst s4  }
0x7: {  	s7 =	sadd.s32 $0x2000, s0;
	s8 =	sadd.s32 $0xBE00, s0;
	s25 =	smul.u32 $0x4E2, s12  }
0x8: {  	s9 =	sadd.s32 $0x15C00, s0;
	s16 =	sshll.u32 s12, $0x6;
	s6 =	smul.u32 $0x9E000, s2  }
0x9: {  	_ =	strace $0x8000004D;
	[dreg:$0x4] =	wrdreg s9;
	s14 =	sshll.u32 s2, $0x4  }
0xa: {  	s10 =	ssub.s32 $0x2, s2;
	[dreg:$0x5] =	wrdreg s16;
	s17 =	sor.u32 $0x1C01, s16  }
0xb: {  	s2 =	smul.u32 $0x4E20, s2;
	s16 =	simm.s32 $0x2B20;
	s9 =	sor.u32 s12, s14  }
0xc: {  	s15 =	sshrl.u32 s10, $0x1;
	[dreg:$0x7] =	wrdreg s17;
	s14 =	simm.s32 $0x2B20  }
0xd: {  	s12 =	simm.s32 $0xD;
	s17 =	simm.s32 $0xE;
	s11 =	smul.u32 $0x2710, s9  }
0xe: {  	s6 =	sadd.s32 s5, s6;
	s9 =	smul.u32 $0x4E2, s9;
	s5 =	sadd.s32 s5, s3  }
0xf: {  	s28 =	sadd.s32 s2, s7;
	s30 =	sadd.s32 s2, s8;
	s6 =	sshrl.u32 s6, $0x3  }
0x10: {  	[dreg:$0x6] =	wrdreg s5;
	s0 =	sadd.s32 s6, s0;
	s6 =	ssub.s32 s10, s15  }
0x11: {  	s18 =	sshrl.u32 s11, $0x3;
	s19 =	sadd.s32 s7, s9;
	s23 =	sadd.s32 s8, s9  }
0x12: {  	s10 =	simm.s32 $0x5;
	s15 =	simm.s32 $0x6;
	s9 =	simm.s32 $0x5320  }
0x13: {  	[dreg:$0x8] =	wrdreg s19;
	s20 =	sadd.s32 $0xA, s18;
	s11 =	sadd.s32 $0x14, s18  }
0x14: {  	s5 =	sadd.s32 s7, s18;
	[dreg:$0xd] =	wrdreg s23;
	s0 =	sadd.s32 $0x17000, s0  }
0x15: {  	s6 =	smax.u32 s6, $0x1;
	s19 =	sadd.s32 s25, s28;
	[dreg:$0x10] =	wrdreg s0  }
0x16: {  	s18 =	simm.s32 $0x9;
	s13 =	sadd.s32 s7, s20;
	[dreg:$0x11] =	wrdreg s6  }
0x17: {  	s23 =	simm.s32 $0x13;
	s21 =	sadd.s32 s7, s11;
	[dreg:$0x9] =	wrdreg s13  }
0x18: {  	s22 =	sadd.s32 $0x1E, s5;
	s5 =	sadd.s32 $0x28, s5;
	[dreg:$0xa] =	wrdreg s21  }
.Ltmp0:
0x19: {  	s24 =	sadd.s32 s8, s20;
	[dreg:$0xb] =	wrdreg s22;
	(pc) =	sbr.rel .LBB2_1-.Ltmp0, $4  }
0x1a: {  	s26 =	sadd.s32 s8, s11;
	s20 =	sadd.s32 s25, s30;
	[dreg:$0xc] =	wrdreg s5  }
0x1b: {  	s7 =	simm.s32 $0x10;
	s25 =	simm.s32 $0x280;
	[dreg:$0xe] =	wrdreg s24  }
0x1c: {  	s8 =	simm.s32 $0x2D0;
	[dreg:$0xf] =	wrdreg s26;
	s21 =	simm.s32 $0x50  }
0x1d: {  	s13 =	simm.s32 $0x8;
	s22 =	simm.s32 $0xB;
	s5 =	simm.s32 $0x0  }
.LBB2_7:
0x1e: {  	_ =	swait.ge [sflag:s23], $0x1400  }
0x1f: {  	[sflag:s23] =	ssyncset.done $0x0  }
0x20: {  	s0 =	simm.s32 $0x14;
	[sflag:s23] =	ssyncadd.s32 $0xFFFFEC00  }
0x21: {  	_ =	swait.ge [sflag:s0], $0x1400  }
0x22: {  	[sflag:s0] =	ssyncset.done $0x0  }
0x23: {  	s14 =	simm.s32 $0x15;
	[sflag:s0] =	ssyncadd.s32 $0xFFFFEC00  }
0x24: {  	_ =	swait.ge [sflag:s14], $0x1400  }
0x25: {  	[sflag:s14] =	ssyncset.done $0x0  }
0x26: {  	[sflag:s14] =	ssyncadd.s32 $0xFFFFEC00  }
0x27: {  	[bflag:$0x0] =	sbarrier.arrive $0xFFFF  }
0x28: {  	s24 =	rddreg [dreg:$0x5]  }
0x29: {  	s5 =	rddreg [dreg:$0x10]  }
0x2a: {  	s26 =	simm.s32 $0x16;
	s2 =	rddreg [dreg:$0x13];
	s0 =	sor.u32 $0x1C16, s24  }
0x2b: {  	[hbm:s5], [sflag:s0] =	dma.local [spmem:s2], $0x13C0  }
0x2c: {  	_ =	swait.ge [sflag:s26], $0x13C0  }
0x2d: {  	s28 =	rddreg [dreg:$0x12]  }
0x2e: {  	s30 =	rddreg [dreg:$0x11];
	s5 =	sadd.s32 $0x1, s28  }
0x2f: {  	p0 =	sne.s32 s5, s30  }
.Ltmp1:
0x30: {  	_ = 	snop;
	(pc) =	sbr.rel @!p0 .LBB2_8-.Ltmp1, $3  }
0x31: {  	_ =	sdelay $0x1  }
0x32: {  	[sflag:s26] =	ssyncset.done $0x0  }
0x33: {  	s14 =	simm.s32 $0x2B20;
	[sflag:s26] =	ssyncadd.s32 $0xFFFFEC40  }
.LBB2_1:
0x34: {  	[dreg:$0x12] =	wrdreg s5  }
0x35: {  	s0 =	rddreg [dreg:$0x6]  }
0x36: {  	s6 =	rddreg [dreg:$0x4]  }
0x37: {  	s11 =	rddreg [dreg:$0x7];
	s2 =	sshrl.u32 s0, $0x3  }
0x38: {  	[dreg:$0x13] =	wrdreg s2  }
0x39: {  	[spmem:s2], [sflag:s11] =	dma.local [hbm:s6], $0x13C0  }
0x3a: {  	s0 =	rddreg [dreg:$0x8]  }
0x3b: {  	[tilespmem:s4], [sflag:$0x2] =	stream.linear.gather [hbm4b:s0+s4], $0x50, $0x38;
	[tilespmem:$0x10520] =	vst v63  }
0x3c: {  	s24 =	rddreg [dreg:$0x9]  }
0x3d: {  	[tilespmem:s21], [sflag:$0x3] =	stream.linear.gather [hbm4b:s24+s4], $0x50, $0x38;
	[tilespmem:$0x10520] =	vst v63  }
0x3e: {  	s5 =	simm.s32 $0xA0;
	s26 =	rddreg [dreg:$0xa]  }
0x3f: {  	[tilespmem:s5], [sflag:$0x4] =	stream.linear.gather [hbm4b:s26+s4], $0x50, $0x38;
	[tilespmem:$0x10520] =	vst v63  }
0x40: {  	s6 =	simm.s32 $0xF0;
	s28 =	rddreg [dreg:$0xb]  }
0x41: {  	[tilespmem:s6], [sflag:$0x5] =	stream.linear.gather [hbm4b:s28+s4], $0x50, $0x38;
	[tilespmem:$0x10520] =	vst v63  }
0x42: {  	s30 =	rddreg [dreg:$0xc];
	s6 =	simm.s32 $0x140  }
0x43: {  	[tilespmem:s6], [sflag:$0x6] =	stream.linear.gather [hbm4b:s30+s4], $0x50, $0x38;
	[tilespmem:$0x10520] =	vst v63  }
0x44: {  	s11 =	simm.s32 $0x190;
	s2 =	rddreg [dreg:$0xd]  }
0x45: {  	[tilespmem:s11], [sflag:$0x7] =	stream.linear.gather [hbm4b:s2+s4], $0x50, $0x38;
	[tilespmem:$0x10520] =	vst v63  }
0x46: {  	s24 =	rddreg [dreg:$0xe];
	s26 =	simm.s32 $0x1E0  }
0x47: {  	[tilespmem:s26], [sflag:$0x8] =	stream.linear.gather [hbm4b:s24+s4], $0x50, $0x38;
	[tilespmem:$0x10520] =	vst v63  }
0x48: {  	s28 =	rddreg [dreg:$0xf];
	s30 =	simm.s32 $0x2;
	s11 =	simm.s32 $0x230  }
0x49: {  	[tilespmem:s11], [sflag:$0x9] =	stream.linear.gather [hbm4b:s28+s4], $0x50, $0x38;
	[tilespmem:$0x10520] =	vst v63  }
0x4a: {  	_ =	swait.ge [sflag:s30], $0x50  }
0x4b: {  	[sflag:s30] =	ssyncset.done $0x0  }
0x4c: {  	s2 =	simm.s32 $0x320;
	s24 =	simm.s32 $0x3;
	[sflag:s30] =	ssyncadd.s32 $0xFFFFFFB0  }
0x4d: {  	[tilespmem:s2], [sflag:$0xC] =	stream.indirect.gather [hbm4b:s1+s21], $0x40, s4, s21, $0xb8;
	[tilespmem:$0x10520] =	vst v63  }
0x4e: {  	_ =	swait.ge [sflag:s24], $0x50  }
0x4f: {  	[sflag:s24] =	ssyncset.done $0x0  }
0x50: {  	s26 =	simm.s32 $0x1720;
	s28 =	simm.s32 $0x4;
	[sflag:s24] =	ssyncadd.s32 $0xFFFFFFB0  }
0x51: {  	[tilespmem:s26], [sflag:$0xD] =	stream.indirect.gather [hbm4b:s1+s21], $0x40, s21, s21, $0xb8;
	[tilespmem:$0x10520] =	vst v63  }
0x52: {  	_ =	swait.ge [sflag:s28], $0x50  }
0x53: {  	[sflag:s28] =	ssyncset.done $0x0  }
0x54: {  	s30 =	simm.s32 $0x1;
	[sflag:s28] =	ssyncadd.s32 $0xFFFFFFB0  }
0x55: {  	[tilespmem:s14], [sflag:$0xE] =	stream.indirect.gather [hbm4b:s1+s21], $0x40, s5, s21, $0xb8;
	[tilespmem:$0x10520] =	vst v63  }
0x56: {  	_ =	swait.ge [sflag:s30], $0x13C0  }
0x57: {  	[sflag:s30] =	ssyncset.done $0x0  }
0x58: {  	[sflag:s30] =	ssyncadd.s32 $0xFFFFEC40  }
0x59: {  	s26 =	simm.s32 $0x0;
	[bflag:$0x0] =	sbarrier.arrive $0xFFFF  }
.LBB2_2:
0x5a: {  	s0 =	simm.s32 $0xC  }
0x5b: {  	_ =	swait.ge [sflag:s0], $0x1400  }
0x5c: {  	p0 =	seq.s32 s26, $0x4B0;
	[sflag:s0] =	ssyncset.done $0x0  }
0x5d: {  	s28 =	simm.s32 $0x7;
	p1 =	seq.s32 @!p0 s26, $0x0;
	[sflag:s0] =	ssyncadd.s32 $0xFFFFEC00  }
0x5e: {  	p1 =	por p0, !p1;
	_ =	swait.ge [sflag:s28], $0x50  }
.Ltmp2:
0x5f: {  	s30 =	simm.s32 $0x190;
	[sflag:s28] =	ssyncset.done $0x0;
	(pc) =	sbr.rel @!p1 .LBB2_3-.Ltmp2, $4  }
0x60: {  	s5 =	simm.s32 $0x320;
	s0 =	sadd.s32 @!p0 s26, s19;
	[sflag:s28] =	ssyncadd.s32 $0xFFFFFFB0  }
0x61: {  	[spmem:s3] =	stream.indirect.scatter.add.f32 [tilespmem:s5], [sflag:$0x11], $0x40, s30, s21, $0xb8;
	[tilespmem:$0x10520] =	vst v63  }
0x62: {  	s24 =	simm.s32 @!p0 $0x0;
	s30 =	sadd.s32 @!p0 $0x32, s0  }
0x63: {  	[tilespmem:s24], [sflag:$0x2] =	stream.linear.gather @!p0 [hbm4b:s30+s24], $0x50, $0x38;
	[tilespmem:$0x10520] =	vst v63  }
.Ltmp3:
0x64: {  	(pc) =	sbr.rel .LBB2_5-.Ltmp3, $4  }
0x65: {  	s2 =	simm.s32 $0x14  }
0x66: {  	_ =	swait.ge [sflag:s2], $0x1400  }
0x67: {  	[sflag:s2] =	ssyncset.done $0x0  }
0x68: {  	p1 =	por $0x0, $0x0;
	[sflag:s2] =	ssyncadd.s32 $0xFFFFEC00  }
.LBB2_3:
0x69: {  	p1 =	por @!p0 $0x1, $0x1  }
.LBB2_5:
0x6a: {  	s30 =	sadd.s32 s26, s20  }
0x6b: {  	s28 =	sadd.s32 $0x1E, s30  }
0x6c: {  	[tilespmem:s25], [sflag:$0xA] =	stream.linear.gather [hbm4b:s28+s4], $0x50, $0x38;
	[tilespmem:$0x10520] =	vst v63  }
0x6d: {  	_ =	swait.ge [sflag:s10], $0x50  }
0x6e: {  	[sflag:s10] =	ssyncset.done $0x0  }
0x6f: {  	s5 =	simm.s32 $0xF0;
	s2 =	simm.s32 $0x3F20;
	[sflag:s10] =	ssyncadd.s32 $0xFFFFFFB0  }
0x70: {  	[tilespmem:s2], [sflag:$0xF] =	stream.indirect.gather [hbm4b:s1+s21], $0x40, s5, s21, $0xb8;
	[tilespmem:$0x10520] =	vst v63  }
0x71: {  	_ =	swait.ge [sflag:s12], $0x1400  }
0x72: {  	[sflag:s12] =	ssyncset.done $0x0  }
0x73: {  	[sflag:s12] =	ssyncadd.s32 $0xFFFFEC00  }
0x74: {  	_ =	swait.ge [sflag:s13], $0x50  }
0x75: {  	[sflag:s13] =	ssyncset.done $0x0  }
0x76: {  	s14 =	simm.s32 $0x1720;
	s28 =	simm.s32 $0x1E0;
	[sflag:s13] =	ssyncadd.s32 $0xFFFFFFB0  }
0x77: {  	[spmem:s3] =	stream.indirect.scatter.add.f32 [tilespmem:s14], [sflag:$0x12], $0x40, s28, s21, $0xb8;
	[tilespmem:$0x10520] =	vst v63  }
0x78: {  	s0 =	sadd.s32 @!p0 $0x3C, s0;
	s28 =	simm.s32 @!p0 $0x50  }
0x79: {  	[tilespmem:s28], [sflag:$0x3] =	stream.linear.gather @!p0 [hbm4b:s0+s24], $0x50, $0x38;
	[tilespmem:$0x10520] =	vst v63  }
0x7a: {  	s0 =	simm.s32 @!p1 $0x15  }
0x7b: {  	_ =	swait.ge @!p1 [sflag:s0], $0x1400  }
0x7c: {  	[sflag:s0] =	ssyncset.done @!p1 $0x0  }
0x7d: {  	s28 =	sadd.s32 $0x28, s30;
	[sflag:s0] =	ssyncadd.s32 @!p1 $0xFFFFEC00  }
0x7e: {  	[tilespmem:s8], [sflag:$0xB] =	stream.linear.gather [hbm4b:s28+s4], $0x50, $0x38;
	[tilespmem:$0x10520] =	vst v63  }
0x7f: {  	_ =	swait.ge [sflag:s15], $0x50  }
0x80: {  	[sflag:s15] =	ssyncset.done $0x0  }
0x81: {  	[sflag:s15] =	ssyncadd.s32 $0xFFFFFFB0  }
0x82: {  	[tilespmem:s9], [sflag:$0x10] =	stream.indirect.gather [hbm4b:s1+s21], $0x40, s6, s21, $0xb8;
	[tilespmem:$0x10520] =	vst v63  }
0x83: {  	_ =	swait.ge [sflag:s17], $0x1400  }
0x84: {  	[sflag:s17] =	ssyncset.done $0x0  }
0x85: {  	[sflag:s17] =	ssyncadd.s32 $0xFFFFEC00  }
0x86: {  	_ =	swait.ge [sflag:s18], $0x50  }
0x87: {  	p1 =	sne.s32 s26, $0x4B0;
	[sflag:s18] =	ssyncset.done $0x0  }
0x88: {  	s0 =	sadd.s32 @p1 s26, s19;
	[sflag:s18] =	ssyncadd.s32 $0xFFFFFFB0  }
0x89: {  	[spmem:s3] =	stream.indirect.scatter.add.f32 [tilespmem:s16], [sflag:$0x13], $0x40, s11, s21, $0xb8;
	[tilespmem:$0x10520] =	vst v63  }
0x8a: {  	s28 =	simm.s32 @p1 $0x0;
	s5 =	simm.s32 @p1 $0xA0;
	s24 =	sadd.s32 @p1 $0x46, s0  }
0x8b: {  	[tilespmem:s5], [sflag:$0x4] =	stream.linear.gather @p1 [hbm4b:s24+s28], $0x50, $0x38;
	[tilespmem:$0x10520] =	vst v63  }
0x8c: {  	s5 =	simm.s32 @p1 $0x11  }
0x8d: {  	_ =	swait.ge @p1 [sflag:s5], $0x1400  }
0x8e: {  	s24 =	sadd.s32 @p1 s26, s20;
	[sflag:s5] =	ssyncset.done @p1 $0x0  }
0x8f: {  	s6 =	simm.s32 @p1 $0x190;
	[sflag:s5] =	ssyncadd.s32 @p1 $0xFFFFEC00;
	s5 =	sadd.s32 @p1 $0x32, s24  }
0x90: {  	[tilespmem:s6], [sflag:$0x7] =	stream.linear.gather @p1 [hbm4b:s5+s28], $0x50, $0x38;
	[tilespmem:$0x10520] =	vst v63  }
0x91: {  	s5 =	simm.s32 @p1 $0x2  }
0x92: {  	_ =	swait.ge @p1 [sflag:s5], $0x50  }
0x93: {  	[sflag:s5] =	ssyncset.done @p1 $0x0  }
0x94: {  	s6 =	simm.s32 @p1 $0x320;
	[sflag:s5] =	ssyncadd.s32 @p1 $0xFFFFFFB0;
	s5 =	simm.s32 @p1 $0x50  }
0x95: {  	[tilespmem:s6], [sflag:$0xC] =	stream.indirect.gather @p1 [hbm4b:s1+s5], $0x40, s28, s5, $0xb8;
	[tilespmem:$0x10520] =	vst v63  }
0x96: {  	s6 =	simm.s32 @!p1 $0x11  }
0x97: {  	_ =	swait.ge @!p1 [sflag:s6], $0x1400  }
0x98: {  	[sflag:s6] =	ssyncset.done @!p1 $0x0  }
0x99: {  	[sflag:s6] =	ssyncadd.s32 @!p1 $0xFFFFEC00  }
0x9a: {  	_ =	swait.ge [sflag:s29], $0x1400  }
0x9b: {  	[sflag:s29] =	ssyncset.done $0x0  }
0x9c: {  	[sflag:s29] =	ssyncadd.s32 $0xFFFFEC00  }
0x9d: {  	_ =	swait.ge [sflag:s31], $0x50  }
0x9e: {  	[sflag:s31] =	ssyncset.done $0x0  }
0x9f: {  	[sflag:s31] =	ssyncadd.s32 $0xFFFFFFB0  }
0xa0: {  	[spmem:s3] =	stream.indirect.scatter.add.f32 [tilespmem:s2], [sflag:$0x14], $0x40, s25, s21, $0xb8;
	[tilespmem:$0x10520] =	vst v63  }
0xa1: {  	s0 =	sadd.s32 @p1 $0x50, s0;
	s6 =	simm.s32 @p1 $0xF0  }
0xa2: {  	[tilespmem:s6], [sflag:$0x5] =	stream.linear.gather @p1 [hbm4b:s0+s28], $0x50, $0x38;
	[tilespmem:$0x10520] =	vst v63  }
0xa3: {  	s0 =	simm.s32 @p1 $0x12  }
0xa4: {  	_ =	swait.ge @p1 [sflag:s0], $0x1400  }
0xa5: {  	[sflag:s0] =	ssyncset.done @p1 $0x0  }
0xa6: {  	s6 =	simm.s32 @p1 $0x1E0;
	[sflag:s0] =	ssyncadd.s32 @p1 $0xFFFFEC00;
	s0 =	sadd.s32 @p1 $0x3C, s24  }
0xa7: {  	[tilespmem:s6], [sflag:$0x8] =	stream.linear.gather @p1 [hbm4b:s0+s28], $0x50, $0x38;
	[tilespmem:$0x10520] =	vst v63  }
0xa8: {  	s0 =	simm.s32 @p1 $0x3  }
0xa9: {  	_ =	swait.ge @p1 [sflag:s0], $0x50  }
0xaa: {  	[sflag:s0] =	ssyncset.done @p1 $0x0  }
0xab: {  	[sflag:s0] =	ssyncadd.s32 @p1 $0xFFFFFFB0;
	s0 =	simm.s32 @p1 $0x1720  }
0xac: {  	[tilespmem:s0], [sflag:$0xD] =	stream.indirect.gather @p1 [hbm4b:s1+s5], $0x40, s5, s5, $0xb8;
	[tilespmem:$0x10520] =	vst v63  }
0xad: {  	s0 =	simm.s32 @!p1 $0x12  }
0xae: {  	_ =	swait.ge @!p1 [sflag:s0], $0x1400  }
0xaf: {  	[sflag:s0] =	ssyncset.done @!p1 $0x0  }
0xb0: {  	[sflag:s0] =	ssyncadd.s32 @!p1 $0xFFFFEC00  }
0xb1: {  	_ =	swait.ge [sflag:s7], $0x1400  }
0xb2: {  	[sflag:s7] =	ssyncset.done $0x0  }
.Ltmp4:
0xb3: {  	[sflag:s7] =	ssyncadd.s32 $0xFFFFEC00;
	(pc) =	sbr.rel @p0 .LBB2_7-.Ltmp4, $4  }
0xb4: {  	_ =	swait.ge [sflag:s22], $0x50  }
0xb5: {  	[sflag:s22] =	ssyncset.done $0x0  }
0xb6: {  	s14 =	simm.s32 $0x230;
	s11 =	simm.s32 $0x140;
	[sflag:s22] =	ssyncadd.s32 $0xFFFFFFB0  }
0xb7: {  	[spmem:s3] =	stream.indirect.scatter.add.f32 [tilespmem:s9], [sflag:$0x15], $0x40, s8, s21, $0xb8;
	[tilespmem:$0x10520] =	vst v63  }
0xb8: {  	s0 =	sadd.s32 s26, s19  }
0xb9: {  	s0 =	sadd.s32 $0x5A, s0  }
0xba: {  	[tilespmem:s11], [sflag:$0x6] =	stream.linear.gather [hbm4b:s0+s4], $0x50, $0x38;
	[tilespmem:$0x10520] =	vst v63  }
0xbb: {  	_ =	swait.ge [sflag:s23], $0x1400  }
0xbc: {  	[sflag:s23] =	ssyncset.done $0x0  }
0xbd: {  	s24 =	sadd.s32 $0x46, s30;
	[sflag:s23] =	ssyncadd.s32 $0xFFFFEC00  }
0xbe: {  	[tilespmem:s14], [sflag:$0x9] =	stream.linear.gather [hbm4b:s24+s4], $0x50, $0x38;
	[tilespmem:$0x10520] =	vst v63  }
.Ltmp5:
0xbf: {  	s28 =	simm.s32 $0x4;
	(pc) =	sbr.rel .LBB2_2-.Ltmp5, $4  }
0xc0: {  	_ =	swait.ge [sflag:s28], $0x50  }
0xc1: {  	s30 =	simm.s32 $0xA0;
	s26 =	sadd.s32 $0x32, s26;
	[sflag:s28] =	ssyncset.done $0x0  }
0xc2: {  	s6 =	simm.s32 $0x140;
	s11 =	simm.s32 $0x230;
	[sflag:s28] =	ssyncadd.s32 $0xFFFFFFB0  }
0xc3: {  	[tilespmem:s16], [sflag:$0xE] =	stream.indirect.gather [hbm4b:s1+s21], $0x40, s30, s21, $0xb8;
	[tilespmem:$0x10520] =	vst v63  }
.LBB2_8:
0xc4: {  	_ =	sfence.sel $0x180000  }
0xc5: {  	[bflag:$0x0] =	sbarrier.arrive $0xFFFF  }
0xc6: {  	_ =	strace $0x9000004D  }
0xc7: {  	s0 =	stileid.u32;
	[bflag:$0x2] =	sbarrier.arrive $0xFFFF  }
0xc8: {  	p0 =	sne.s32 s0, $0x0;
	s0 =	rddreg [dreg:$0x3]  }
0xc9: {  	s0 =	sadd.s32 @!p0 $0x100000, s0  }
0xca: {  	[sflag:s0] =	ssyncadd.tile.s32 @!p0 $0x1;
	_ =	shalt  }
.Lfunc_end2:
_tile_overlayer_lowered:
.L_overlay_start_2:
0xcb: {  	(tag) =	ssettag $0x2  }
0xcc: {  	s0 =	rddreg [dreg:$0x0];
	s2 =	stileid.u32  }
0xcd: {  	s1 =	rddreg [dreg:$0x1];
	p0 =	sne.s32 s2, $0x0  }
0xce: {  	s3 =	rddreg [dreg:$0x2];
	[bflag:$0x3] =	sbarrier.arrive $0xFFFF;
	s2 =	simm.s32 @!p0 $0x1C16  }
0xcf: {  	[timem:s3], [sflag:s2] =	dma.local @!p0 [hbm:s0], s1  }
0xd0: {  	s0 =	simm.s32 @!p0 $0x16  }
0xd1: {  	_ =	swait.ge @!p0 [sflag:s0], s1  }
0xd2: {  	s1 =	ssub.s32 @!p0 $0x0, s1;
	[sflag:s0] =	ssyncset.done @!p0 $0x0  }
0xd3: {  	[sflag:s0] =	ssyncadd.s32 @!p0 s1  }
0xd4: {  	[bflag:$0x3] =	sbarrier.arrive $0xFFFF  }
0xd5: {  	_ =	shalt  }

// kernel: kernel.8.cloned.1.call-start
scs
__scs_entry_jumppad:
0x0: {  	(pc) =	sbr.rel $0x88, $3  }
0x1: {  	(tag) =	ssettag $0x0;
	lr =	simm.s32 $0x1  }
0x2: {  	[smem:$0x3F9B] =	sst lr;
	_ =	strace $0xD0000000  }
0x3: {  	_ = 	snop  }
0x4: {  	_ = 	snop  }
0x5: {  	_ = 	snop  }
0x6: {  	_ = 	snop  }
0x7: {  	_ = 	snop  }
__scs_overlays_trampoline_lowered:
0x8: {  	[smem:$0x3FAA] =	sst s0  }
0x9: {  	[smem:$0x3FAB] =	sst s1  }
0xa: {  	[smem:$0x3FAC] =	sst s2  }
0xb: {  	[smem:$0x3FAD] =	sst s3  }
0xc: {  	[smem:$0x3FAE] =	sst s4  }
0xd: {  	[smem:$0x3FAF] =	sst s5  }
0xe: {  	[smem:$0x3FB0] =	sst s6  }
0xf: {  	[smem:$0x3FB1] =	sst s7  }
0x10: {  	[smem:$0x3FB2] =	sst s8  }
0x11: {  	[smem:$0x3FB3] =	sst s9;
	s0 =	simm.s32 @!p0 $0x0  }
0x12: {  	s1 =	sld [smem:$0x3F99];
	s0 =	simm.s32 @p0 $0x1  }
0x13: {  	[smem:$0x3FB4] =	sst s0;
	s0 =	simm.s32 @!p1 $0x0  }
0x14: {  	s2 =	sld [smem:$0x3F98];
	s0 =	simm.s32 @p1 $0x1  }
0x15: {  	[smem:$0x3FB5] =	sst s0;
	s0 =	simm.s32 @!p2 $0x0  }
0x16: {  	s3 =	sld [smem:$0x3FDB];
	s0 =	simm.s32 @p2 $0x1  }
0x17: {  	s4 =	simm.s32 $0x1BF5;
	[smem:$0x3FB7] =	sst s0  }
0x18: {  	s0 =	sld [smem:$0x3F9A];
	_ =	swait.ge [sflag:s4], $0x0  }
0x19: {  	s7 =	sld [smem:$0x3F9B]  }
0x1a: {  	s8 =	sadd.s32 $0xFFFFE003, lr  }
0x1b: {  	s9 =	sadd.s32 $0xFFFFFEF7, lr;
	s5 =	simm.s32 $0xFFFFFFFF;
	p2 =	slt.u32 s8, $0xFFFFF086  }
0x1c: {  	p1 =	slt.u32 s9, $0xF7A;
	s5 =	simm.s32 @!p2 $0x0  }
0x1d: {  	s5 =	simm.s32 @p1 $0x1;
	p0 =	seq.s32 s7, s2  }
0x1e: {  	s7 =	smul.u32 @!p0 $0xF7A, s2;
	p2 =	seq.s32 @!p0 s5, $0x0  }
0x1f: {  	s9 =	smul.u32 $0xF7A, s1;
	s8 =	simm.s32 @!p0 $0x1BF5;
	p2 =	por !p2, p0  }
0x20: {  	[sflag:s8] =	ssyncset.s32 @!p0 $0xFFFFF086;
	s6 =	sadd.s32 @!p0 s3, s7;
	s7 =	simm.s32 @!p0 $0x108  }
0x21: {  	s3 =	sadd.s32 s3, s9;
	s6 =	sadd.s32 @!p0 $0x88, s6;
	s7 =	simm.s32 @p2 $0x1082  }
0x22: {  	[simem:s7], [sflag:s8] =	dma.local @!p0 [hbm:s6], $0xF7A  }
0x23: {  	s9 =	sor.u32 $0xD0000000, s2;
	s6 =	simm.s32 $0x108;
	_ =	swait.ge @!p0 [sflag:s8], $0x0  }
0x24: {  	s3 =	sadd.s32 $0x88, s3;
	s6 =	simm.s32 @!p1 $0x1082;
	[sflag:s4] =	ssyncset.s32 $0xFFFFF086  }
0x25: {  	[simem:s6], [sflag:s4] =	dma.local [hbm:s3], $0xF7A  }
0x26: {  	[smem:$0x3F9B] =	sst s1;
	(tag) =	ssettag s2;
	_ =	strace s9  }
0x27: {  	s1 =	sld [smem:$0x3FAB]  }
0x28: {  	s2 =	sld [smem:$0x3FAC]  }
0x29: {  	s4 =	sld [smem:$0x3FAE]  }
0x2a: {  	p0 =	seq.s32 s5, $0x0;
	s5 =	sld [smem:$0x3FAF]  }
0x2b: {  	s6 =	sld [smem:$0x3FB0]  }
0x2c: {  	s7 =	sld [smem:$0x3FB1]  }
0x2d: {  	s3 =	simm.s32 $0x108;
	s8 =	sld [smem:$0x3FB2]  }
0x2e: {  	s3 =	simm.s32 @!p0 $0x1082;
	s9 =	sld [smem:$0x3FB3]  }
0x2f: {  	lr =	sadd.s32 s0, s3;
	s0 =	sld [smem:$0x3FAA]  }
0x30: {  	s3 =	sld [smem:$0x3FAD]  }
0x31: {  	[smem:$0x3FB6] =	sst s10  }
0x32: {  	s10 =	sld [smem:$0x3FB4];
	_ =	sdelay $0x3  }
0x33: {  	p0 =	seq.s32 s10, $0x1;
	s10 =	sld [smem:$0x3FB6];
	_ =	sdelay $0x3  }
0x34: {  	[smem:$0x3FB6] =	sst s10  }
0x35: {  	s10 =	sld [smem:$0x3FB5];
	_ =	sdelay $0x3  }
0x36: {  	p1 =	seq.s32 s10, $0x1;
	s10 =	sld [smem:$0x3FB6];
	_ =	sdelay $0x3  }
0x37: {  	[smem:$0x3FB6] =	sst s10  }
0x38: {  	s10 =	sld [smem:$0x3FB7]  }
0x39: {  	_ = 	snop;
	(pc) =	sbr.ind lr, $3  }
0x3a: {  	_ = 	snop  }
0x3b: {  	_ = 	snop  }
0x3c: {  	p2 =	seq.s32 s10, $0x1;
	s10 =	sld [smem:$0x3FB6]  }
0x3d: {  	_ =	shalt  }
0x3e: {  	_ =	shalt  }
0x3f: {  	_ =	shalt  }
0x40: {  	_ =	shalt  }
0x41: {  	_ =	shalt  }
0x42: {  	_ =	shalt  }
0x43: {  	_ =	shalt  }
0x44: {  	_ =	shalt  }
0x45: {  	_ =	shalt  }
0x46: {  	_ =	shalt  }
0x47: {  	_ =	shalt  }
0x48: {  	_ =	shalt  }
0x49: {  	_ =	shalt  }
0x4a: {  	_ =	shalt  }
0x4b: {  	_ =	shalt  }
0x4c: {  	_ =	shalt  }
0x4d: {  	_ =	shalt  }
0x4e: {  	_ =	shalt  }
0x4f: {  	_ =	shalt  }
0x50: {  	_ =	shalt  }
0x51: {  	_ =	shalt  }
0x52: {  	_ =	shalt  }
0x53: {  	_ =	shalt  }
0x54: {  	_ =	shalt  }
0x55: {  	_ =	shalt  }
0x56: {  	_ =	shalt  }
0x57: {  	_ =	shalt  }
0x58: {  	_ =	shalt  }
0x59: {  	_ =	shalt  }
0x5a: {  	_ =	shalt  }
0x5b: {  	_ =	shalt  }
0x5c: {  	_ =	shalt  }
0x5d: {  	_ =	shalt  }
0x5e: {  	_ =	shalt  }
0x5f: {  	_ =	shalt  }
0x60: {  	_ =	shalt  }
0x61: {  	_ =	shalt  }
0x62: {  	_ =	shalt  }
0x63: {  	_ =	shalt  }
0x64: {  	_ =	shalt  }
0x65: {  	_ =	shalt  }
0x66: {  	_ =	shalt  }
0x67: {  	_ =	shalt  }
0x68: {  	_ =	shalt  }
0x69: {  	_ =	shalt  }
0x6a: {  	_ =	shalt  }
0x6b: {  	_ =	shalt  }
0x6c: {  	_ =	shalt  }
0x6d: {  	_ =	shalt  }
0x6e: {  	_ =	shalt  }
0x6f: {  	_ =	shalt  }
0x70: {  	_ =	shalt  }
0x71: {  	_ =	shalt  }
0x72: {  	_ =	shalt  }
0x73: {  	_ =	shalt  }
0x74: {  	_ =	shalt  }
0x75: {  	_ =	shalt  }
0x76: {  	_ =	shalt  }
0x77: {  	_ =	shalt  }
0x78: {  	_ =	shalt  }
0x79: {  	_ =	shalt  }
0x7a: {  	_ =	shalt  }
0x7b: {  	_ =	shalt  }
0x7c: {  	_ =	shalt  }
0x7d: {  	_ =	shalt  }
0x7e: {  	_ =	shalt  }
0x7f: {  	_ =	shalt  }
0x80: {  	_ =	shalt  }
0x81: {  	_ =	shalt  }
0x82: {  	_ =	shalt  }
0x83: {  	_ =	shalt  }
0x84: {  	_ =	shalt  }
0x85: {  	_ =	shalt  }
0x86: {  	_ =	shalt  }
0x87: {  	_ =	shalt  }
.Lfunc_end0:
.L_simem_size_0:
called_computation_lowered:
.L_overlay_start_0:
0x88: {  	s2 =	sld [smem:$0x3FD9]  }
0x89: {  	s3 =	sld [smem:$0x3FFE];
	_ =	sdelay $0x1  }
0x8a: {  	s1 =	srdreg.scid  }
0x8b: {  	s0 =	sand.u32 $0x1, s1  }
0x8c: {  	s17 =	sshll.u32 s0, $0xA;
	s2 =	sadd.s32 s3, s2  }
0x8d: {  	s2 =	sadd.s32 s2, s17  }
0x8e: {  	[smem:$0x3FC2] =	sst s2  }
0x8f: {  	_ = 	snop  }
0x90: {  	s2 =	sld [smem:$0x3FD0];
	(tm) =	ssettm $0x1  }
0x91: {  	s18 =	sld [smem:$0x3FFB];
	_ =	sdelay $0x3  }
0x92: {  	_ =	strace s18  }
0x93: {  	s3 =	sld [smem:$0x3FFC];
	_ =	sdelay $0x3  }
0x94: {  	_ =	strace s3  }
0x95: {  	s3 =	sld [smem:$0x3FFD];
	_ =	sdelay $0x3  }
0x96: {  	_ =	strace s3  }
0x97: {  	_ =	strace $0x8FFFFFFF  }
0x98: {  	s19 =	sld [smem:$0x3FDB];
	_ =	sdelay $0x1  }
0x99: {  	s4 =	simm.s32 $_scs_section_size  }
0x9a: {  	s5 =	simm.s32 $_size__tile_overlayer_lowered;
	s6 =	simm.s32 $_tile_overlayer_lowered  }
0x9b: {  	s22 =	simm.s32 $0x1BFF;
	s21 =	sshll.u32 s6, $0x1;
	s3 =	sadd.s32 s4, s19  }
0x9c: {  	s7 =	simm.s32 $0x0;
	s20 =	sshll.u32 s5, $0x1;
	s5 =	sadd.s32 s21, s3  }
0x9d: {  	[timem:s7], [sflag:s22] =	dma.local [hbm:s5], s20  }
0x9e: {  	_ =	swait.ge [sflag:s22], s20  }
0x9f: {  	s4 =	ssub.s32 $0x0, s20;
	[sflag:s22] =	ssyncset.done $0x0  }
0xa0: {  	[sflag:s22] =	ssyncadd.s32 s4;
	_ =	sdelay $0x1  }
0xa1: {  	s23 =	simm.s32 $0x1B8B  }
0xa2: {  	_ =	swait.ge [sflag:s23], $0x1  }
0xa3: {  	[sflag:s23] =	ssyncset.done $0x0  }
0xa4: {  	s25 =	simm.s32 $0x1B8E;
	s24 =	sld [smem:$0x3FFE];
	[sflag:s23] =	ssyncadd.s32 $0xFFFFFFFF  }
0xa5: {  	s26 =	simm.s32 $execute0_lowered;
	[smem:$0x3FD2] =	sst s25  }
0xa6: {  	s5 =	sshll.u32 s26, $0x1;
	_ =	strace $0x80000046;
	[dreg:$0x1] =	wrdreg $0xFFFFFFFF  }
0xa7: {  	s28 =	simm.s32 $_size_execute0_lowered;
	s3 =	sadd.s32 s3, s5;
	[dreg:$0x0] =	wrdreg $0x0  }
0xa8: {  	s5 =	sshll.u32 s28, $0x1;
	[dreg:$0x2] =	wrdreg s3  }
0xa9: {  	[dreg:$0x3] =	wrdreg s5  }
0xaa: {  	[dreg:$0x4] =	wrdreg $0xC0  }
0xab: {  	_ =	task [dreg:s7], $0x5FFFF  }
0xac: {  	[dreg:$0x1] =	wrdreg $0xFFFFFFFF  }
0xad: {  	[dreg:$0x0] =	wrdreg $0x60  }
0xae: {  	[dreg:$0x2] =	wrdreg s2  }
0xaf: {  	[dreg:$0x3] =	wrdreg s24  }
0xb0: {  	[dreg:$0x4] =	wrdreg $0x83000  }
0xb1: {  	[dreg:$0x5] =	wrdreg $0x9  }
0xb2: {  	_ =	task.clear_ibuf [dreg:s7], $0x6FFFF;
	_ =	strace $0x90000046  }
0xb3: {  	s29 =	simm.s32 $0x9;
	_ =	strace $0x80000048  }
0xb4: {  	_ =	swait.ge [sflag:s29], $0x1  }
0xb5: {  	[sflag:s29] =	ssyncadd.s32 $0xFFFFFFFF  }
0xb6: {  	_ =	strace $0x90000048  }
0xb7: {  	_ =	sfence  }
0xb8: {  	s30 =	sld [smem:$0x0];
	_ =	sdelay $0x2  }
0xb9: {  	s31 =	sshll.u32 s1, $0xD;
	s1 =	sshrl.u32 s1, $0x2  }
0xba: {  	s3 =	sand.u32 $0x4000, s31;
	s1 =	sadd.s32 s1, s30  }
0xbb: {  	s0 =	sor.u32 s3, s0;
	s1 =	sshll.u32 s1, $0x11  }
0xbc: {  	s0 =	sor.u32 s1, s0  }
0xbd: {  	s0 =	sadd.s32 $0x8F2B, s0  }
0xbe: {  	[sflag:s0] =	ssyncadd.remote.s32 $0x1  }
0xbf: {  	_ =	sfence.sel $0xFFFF  }
0xc0: {  	[dreg:$0x0] =	wrdreg $0xFFFFFFFF;
	(pc) =	sbr.abs _section_cstart, $3  }
0xc1: {  	[dreg:$0x1] =	wrdreg $0xFFFFFFFF  }
0xc2: {  	_ =	task.clear_ibuf [dreg:s7], $0x2FFFF;
	_ =	strace $0x9FFFFFFF  }
0xc3: {  	(tm) =	ssettm $0x7FFFFFFF  }
tec
execute0_lowered:
.L_overlay_start_1:
0x0: {  	(tag) =	ssettag $0x1  }
0x1: {  	s1 =	srdreg.scid  }
0x2: {  	s1 =	sand.u32 $0x1, s1  }
0x3: {  	p0 =	seq.s32 s1, $0x1  }
.Ltmp0:
0x4: {  	s6 =	rddreg [dreg:$0x0];
	(pc) =	sbr.rel @p0 .LBB2_8-.Ltmp0, $4  }
0x5: {  	s2 =	rddreg [dreg:$0x1]  }
0x6: {  	s4 =	rddreg [dreg:$0x2];
	s5 =	simm.s32 $0x0  }
0x7: {  	[smem:$0x7FF] =	sst s5  }
0x8: {  	s0 =	rddreg [dreg:$0x3];
	_ =	strace $0x80000047;
	s1 =	stileid.u32  }
0x9: {  	s7 =	smul.u32 $0x280, s1  }
0xa: {  	s8 =	sshll.u32 s1, $0xC;
	s26 =	sshll.u32 s1, $0x6  }
0xb: {  	s28 =	sadd.s32 $0x15C00, s2;
	s6 =	sadd.s32 s6, s8;
	s3 =	sadd.s32 s7, s4  }
0xc: {  	[tilespmem:s5], [sflag:$0x1] =	stream.linear.gather [hbm4b:s6+s5], $0x7D00, $0x38;
	[tilespmem:$0x8580] =	vst v63  }
0xd: {  	s29 =	simm.s32 $0x3;
	s8 =	sor.u32 $0x1C03, s26;
	s9 =	sshrl.u32 s3, $0x3  }
0xe: {  	[spmem:s9], [sflag:s8] =	dma.local [hbm:s28], $0x50  }
0xf: {  	_ =	swait.ge [sflag:s29], $0x50  }
0x10: {  	[sflag:s29] =	ssyncset.done $0x0  }
0x11: {  	v0 =	vimm.f32 $1.000000000e+00;
	[sflag:s29] =	ssyncadd.s32 $0xFFFFFFB0  }
0x12: {  	[tilespmem:$0x8000] =	vst v0  }
0x13: {  	[tilespmem:$0x8010] =	vst v0  }
0x14: {  	[tilespmem:$0x8020] =	vst v0  }
0x15: {  	[tilespmem:$0x8030] =	vst v0  }
0x16: {  	s30 =	simm.s32 $0x1;
	[tilespmem:$0x8040] =	vst v0  }
0x17: {  	_ =	swait.ge [sflag:s30], $0x7D00  }
0x18: {  	s7 =	sshrl.u32 s7, $0x3;
	s6 =	simm.s32 $0x50;
	[sflag:s30] =	ssyncset.done $0x0  }
0x19: {  	s31 =	sadd.s32 s7, s2;
	s7 =	simm.s32 $0x8000;
	[sflag:s30] =	ssyncadd.s32 $0xFFFF8300  }
0x1a: {  	s2 =	sadd.s32 $0x15E00, s31;
	s8 =	simm.s32 $0x0;
	[bflag:$0x0] =	sbarrier.arrive $0xFFFF  }
.LBB2_2:
0x1b: {  	[spmem:s4] =	stream.indirect.scatter.add.f32 [tilespmem:s7], [sflag:$0x2], $0x1, s5, s6, $0xb8;
	[tilespmem:$0x8580] =	vst v63  }
0x1c: {  	p0 =	slt.u32 s8, $0x64;
	s8 =	sadd.s32 $0x1, s8  }
0x1d: {  	p1 =	sne.s32 s8, $0xFA  }
.Ltmp1:
0x1e: {  	_ = 	snop;
	(pc) =	sbr.rel @p1 .LBB2_2-.Ltmp1, $4  }
0x1f: {  	s9 =	simm.s32 @!p0 $0x2  }
0x20: {  	_ =	swait.ge @!p0 [sflag:s9], $0x50  }
0x21: {  	[sflag:s9] =	ssyncset.done @!p0 $0x0  }
0x22: {  	s5 =	sadd.s32 $0x80, s5;
	[sflag:s9] =	ssyncadd.s32 @!p0 $0xFFFFFFB0  }
0x23: {  	s4 =	simm.s32 $0x2  }
0x24: {  	_ =	swait.ge [sflag:s4], $0x50  }
0x25: {  	s5 =	simm.s32 $0x63;
	[sflag:s4] =	ssyncset.done $0x0  }
.LBB2_4:
0x26: {  	p0 =	sne.s32 s5, $0x1;
	s5 =	sadd.s32 $0xFFFFFFFF, s5;
	[sflag:s4] =	ssyncadd.s32 $0xFFFFFFB0  }
.Ltmp2:
0x27: {  	(pc) =	sbr.rel @p0 .LBB2_4-.Ltmp2, $3  }
0x28: {  	_ =	sdelay $0x1  }
0x29: {  	_ =	swait.ge [sflag:s4], $0x50  }
0x2a: {  	[sflag:s4] =	ssyncset.done $0x0  }
0x2b: {  	[sflag:s4] =	ssyncadd.s32 $0xFFFFFFB0  }
0x2c: {  	s30 =	simm.s32 $0x8080;
	s31 =	simm.s32 $0x3;
	[bflag:$0x0] =	sbarrier.arrive $0xFFFF  }
0x2d: {  	[tilespmem:s30], [sflag:$0x3] =	stream.linear.gather [spmem:s3], $0x280, $0x38;
	[tilespmem:$0x8580] =	vst v63  }
0x2e: {  	_ =	swait.ge [sflag:s31], $0x280  }
0x2f: {  	[sflag:s31] =	ssyncset.done $0x0  }
0x30: {  	s4 =	simm.s32 $0x40;
	s3 =	simm.s32 $0x0;
	[sflag:s31] =	ssyncadd.s32 $0xFFFFFD80  }
.LBB2_6:
0x31: {  	p0 =	sne.s32 s4, $0x9C0;
	v0 =	vld [tilespmem:s3+$0x8080];
	_ =	sdelay $0x4  }
0x32: {  	v0 =	vadd.f32 $1.000000000e+00, v0;
	_ =	sdelay $0x1  }
0x33: {  	v1 =	vshrl.u32 v0, $0x1;
	v0 =	vmul.f32 $5.000000000e-01, v0  }
0x34: {  	v1 =	vsub.s32 $0x5F3759DF, v1  }
0x35: {  	v2 =	vmul.f32 v1, v0;
	_ =	sdelay $0x1  }
0x36: {  	v2 =	vmul.f32 v1, v2;
	_ =	sdelay $0x1  }
0x37: {  	v2 =	vsub.f32 $1.500000000e+00, v2;
	_ =	sdelay $0x1  }
0x38: {  	v1 =	vmul.f32 v1, v2;
	_ =	sdelay $0x1  }
0x39: {  	v2 =	vmul.f32 v1, v0;
	_ =	sdelay $0x1  }
0x3a: {  	v2 =	vmul.f32 v2, v1;
	_ =	sdelay $0x1  }
0x3b: {  	v2 =	vsub.f32 $1.500000000e+00, v2;
	_ =	sdelay $0x1  }
0x3c: {  	v1 =	vmul.f32 v2, v1;
	_ =	sdelay $0x1  }
0x3d: {  	v0 =	vmul.f32 v1, v0;
	_ =	sdelay $0x1  }
0x3e: {  	v0 =	vmul.f32 v0, v1;
	_ =	sdelay $0x1  }
.Ltmp3:
0x3f: {  	v0 =	vsub.f32 $1.500000000e+00, v0;
	(pc) =	sbr.rel @p0 .LBB2_6-.Ltmp3, $3  }
0x40: {  	_ = 	snop  }
0x41: {  	v0 =	vmul.f32 v0, v1;
	_ =	sdelay $0x1  }
0x42: {  	[tilespmem:s3+$0x8080] =	vst v0;
	s3 =	sshra.s32 s4, $0x2;
	s4 =	sadd.s32 $0x40, s4  }
0x43: {  	v0 =	vld [tilespmem:s3+$0x8080];
	_ =	sdelay $0x4  }
0x44: {  	v0 =	vadd.f32 $1.000000000e+00, v0;
	_ =	sdelay $0x1  }
0x45: {  	v1 =	vshrl.u32 v0, $0x1;
	v0 =	vmul.f32 $5.000000000e-01, v0  }
0x46: {  	v1 =	vsub.s32 $0x5F3759DF, v1  }
0x47: {  	v2 =	vmul.f32 v1, v0;
	_ =	sdelay $0x1  }
0x48: {  	v2 =	vmul.f32 v1, v2;
	_ =	sdelay $0x1  }
0x49: {  	v2 =	vsub.f32 $1.500000000e+00, v2;
	_ =	sdelay $0x1  }
0x4a: {  	v1 =	vmul.f32 v1, v2;
	_ =	sdelay $0x1  }
0x4b: {  	v2 =	vmul.f32 v1, v0;
	_ =	sdelay $0x1  }
0x4c: {  	v2 =	vmul.f32 v2, v1;
	_ =	sdelay $0x1  }
0x4d: {  	v2 =	vsub.f32 $1.500000000e+00, v2;
	_ =	sdelay $0x1  }
0x4e: {  	v1 =	vmul.f32 v2, v1;
	_ =	sdelay $0x1  }
0x4f: {  	v0 =	vmul.f32 v1, v0;
	_ =	sdelay $0x1  }
0x50: {  	v0 =	vmul.f32 v0, v1;
	_ =	sdelay $0x1  }
0x51: {  	v0 =	vsub.f32 $1.500000000e+00, v0;
	_ =	sdelay $0x1  }
0x52: {  	v0 =	vmul.f32 v0, v1;
	_ =	sdelay $0x1  }
0x53: {  	s30 =	simm.s32 $0x0;
	s4 =	simm.s32 $0x8080;
	s31 =	simm.s32 $0x3;
	[tilespmem:s3+$0x8080] =	vst v0  }
0x54: {  	[hbm4b:s2+s30] =	stream.linear.scatter [tilespmem:s4], [sflag:$0x3], $0x280, $0x38;
	[tilespmem:$0x8580] =	vst v63  }
0x55: {  	_ =	swait.ge [sflag:s31], $0x280  }
0x56: {  	[sflag:s31] =	ssyncset.done $0x0  }
0x57: {  	[sflag:s31] =	ssyncadd.s32 $0xFFFFFD80  }
.LBB2_8:
0x58: {  	_ =	sfence.sel $0x180000  }
0x59: {  	[bflag:$0x0] =	sbarrier.arrive $0xFFFF  }
0x5a: {  	p0 =	sne.s32 s1, $0x0;
	_ =	strace $0x90000047  }
0x5b: {  	s0 =	sadd.s32 @!p0 $0x100000, s0;
	[bflag:$0x2] =	sbarrier.arrive $0xFFFF  }
0x5c: {  	[sflag:s0] =	ssyncadd.tile.s32 @!p0 $0x1;
	_ =	shalt  }
.Lfunc_end2:
_tile_overlayer_lowered:
.L_overlay_start_2:
0x5d: {  	(tag) =	ssettag $0x2  }
0x5e: {  	s0 =	rddreg [dreg:$0x0];
	s2 =	stileid.u32  }
0x5f: {  	s1 =	rddreg [dreg:$0x1];
	p0 =	sne.s32 s2, $0x0  }
0x60: {  	s3 =	rddreg [dreg:$0x2];
	[bflag:$0x3] =	sbarrier.arrive $0xFFFF;
	s2 =	simm.s32 @!p0 $0x1C03  }
0x61: {  	[timem:s3], [sflag:s2] =	dma.local @!p0 [hbm:s0], s1  }
0x62: {  	s0 =	simm.s32 @!p0 $0x3  }
0x63: {  	_ =	swait.ge @!p0 [sflag:s0], s1  }
0x64: {  	s1 =	ssub.s32 @!p0 $0x0, s1;
	[sflag:s0] =	ssyncset.done @!p0 $0x0  }
0x65: {  	[sflag:s0] =	ssyncadd.s32 @!p0 s1  }
0x66: {  	[bflag:$0x3] =	sbarrier.arrive $0xFFFF  }
0x67: {  	_ =	shalt  }

</sc_bundles>
